<compile_context>
chip_gen: v7x
topology: tpu7x:2x2x1
jax: 0.10.2.dev20260603
libtpu: 0.0.44.dev20260713+nightly
codegen_flags: <defaults>
</compile_context>

<pallas_src>
import functools

import jax
import jax.numpy as jnp
from jax import lax
from jax.experimental import pallas as pl
from jax.experimental.pallas import tpu as pltpu
from jax.experimental.pallas import tpu_sc as plsc

EPS = 1e-5

NC = 2
NS = 16
NW = NC * NS


def _sc_mesh():
    return plsc.VectorSubcoreMesh(core_axis_name="c", subcore_axis_name="s")


def _make_agg_kernel(npad, e, h, k, ch0_frac=0.5):
    cht = e // (NS * k)
    ch0 = int(round(cht * ch0_frac))
    ch1 = cht - ch0
    rpt = npad // NS
    zr = 64

    @functools.partial(
        pl.kernel,
        mesh=_sc_mesh(),
        out_type=jax.ShapeDtypeStruct((NC, npad, h), jnp.float32),
        scratch_types=[
            pltpu.VMEM((2, k), jnp.int32),
            pltpu.VMEM((2, k), jnp.int32),
            pltpu.VMEM((k, h), jnp.float32),
            pltpu.VMEM((k, h), jnp.float32),
            pltpu.VMEM((zr, h), jnp.float32),
            pltpu.VMEM_SHARED((npad, h), jnp.float32),
            pltpu.SemaphoreType.DMA,
            pltpu.SemaphoreType.DMA,
            pltpu.SemaphoreType.DMA,
            pltpu.SemaphoreType.DMA,
        ],
    )
    def agg_kernel(tab_hbm, idx2_hbm, out_hbm,
                   ibuf0, ibuf1, rows0, rows1, zbuf,
                   acc_sh, gsem0, gsem1, ssem0, ssem1):
        cid = lax.axis_index("c")
        sid = lax.axis_index("s")
        ch = jnp.where(cid == 0, ch0, ch1)
        bch = jnp.where(cid == 0, sid * ch0, NS * ch0 + sid * ch1)

        bufs = ((ibuf0, rows0, gsem0, ssem0),
                (ibuf1, rows1, gsem1, ssem1))

        zero16 = jnp.zeros((16,), jnp.float32)

        def zrow(i, _):
            def lane(j, _):
                zbuf[i, pl.ds(j * 16, 16)] = zero16
                return 0
            lax.fori_loop(0, h // 16, lane, 0)
            return 0

        lax.fori_loop(0, zr, zrow, 0)

        def zcopy(j, _):
            pltpu.sync_copy(zbuf, acc_sh.at[pl.ds(sid * rpt + j * zr, zr)])
            return 0

        lax.fori_loop(0, rpt // zr, zcopy, 0)
        plsc.subcore_barrier()

        def body(t, _):
            for p in (0, 1):
                ibuf, rows, gsem, ssem = bufs[p]
                is_p = t % 2 == p

                @pl.when(is_p & (t >= 2))
                def _():
                    pltpu.make_async_copy(
                        rows, acc_sh.at[ibuf.at[1]], ssem).wait()

                @pl.when(is_p & (t < ch))
                def _():
                    pltpu.sync_copy(idx2_hbm.at[bch + t], ibuf)
                    pltpu.async_copy(tab_hbm.at[ibuf.at[0]], rows, gsem)

                @pl.when(is_p & (t >= 1) & (t <= ch))
                def _():
                    iq, rq, gq, ssq = bufs[1 - p]
                    pltpu.make_async_copy(
                        tab_hbm.at[iq.at[0]], rq, gq).wait()
                    pltpu.async_copy(rq, acc_sh.at[iq.at[1]], ssq, add=True)
            return 0

        lax.fori_loop(0, ch + 2, body, 0)
        plsc.subcore_barrier()
        pltpu.sync_copy(
            acc_sh.at[pl.ds(sid * rpt, rpt)],
            out_hbm.at[cid, pl.ds(sid * rpt, rpt)],
        )

    return agg_kernel


def _edge_deg_body(ea_ref, src_ref, dst_ref, lo_ref, hi_ref, we1_ref, be1_ref,
                   esum_ref, ecnt_ref, dm_ref):
    i = pl.program_id(0)
    bf16 = jnp.bfloat16
    u = jnp.maximum(
        jnp.dot(ea_ref[...], we1_ref[...], preferred_element_type=jnp.float32)
        + be1_ref[...], 0.0)
    srow = src_ref[0]
    lo = lo_ref[:, 0:1]
    hi = hi_ref[:, 0:1]
    oh = ((srow >= lo) & (srow < hi)).astype(bf16)

    drow = dst_ref[0]
    ohhi = (drow // 128
            == lax.broadcasted_iota(jnp.int32, (80, 1), 0)).astype(bf16)
    ohlot = (drow % 128
             == lax.broadcasted_iota(jnp.int32, (128, 1), 0)).astype(bf16)

    @pl.when(i == 0)
    def _():
        esum_ref[...] = jnp.zeros_like(esum_ref)
        ecnt_ref[...] = jnp.zeros_like(ecnt_ref)
        dm_ref[...] = jnp.zeros_like(dm_ref)

    esum_ref[...] += jnp.dot(oh, u.astype(bf16),
                             preferred_element_type=jnp.float32)
    ecnt_ref[...] += jnp.broadcast_to(
        jnp.sum(oh.astype(jnp.float32), axis=1, keepdims=True),
        ecnt_ref.shape)
    dm_ref[...] += lax.dot_general(
        ohhi, ohlot, (((1,), (1,)), ((), ())),
        preferred_element_type=jnp.float32)


def _k1_body(bn, x_ref, w1_ref, dm_ref, hs1_ref, dinv16_ref):
    nsub = bn // 128
    sel = (lax.broadcasted_iota(jnp.int32, (bn, nsub), 0) // 128
           == lax.broadcasted_iota(jnp.int32, (bn, nsub), 1)
           ).astype(jnp.float32)
    expand = lax.dot_general(sel, dm_ref[...], (((1,), (0,)), ((), ())),
                             preferred_element_type=jnp.float32)
    msk = (lax.broadcasted_iota(jnp.int32, (bn, 128), 0) % 128
           == lax.broadcasted_iota(jnp.int32, (bn, 128), 1))
    deg = jnp.sum(jnp.where(msk, expand, 0.0), axis=1, keepdims=True) + 1.0
    dinv = lax.rsqrt(jnp.maximum(deg, 1.0))
    hm = jnp.dot(x_ref[...], w1_ref[...], preferred_element_type=jnp.float32)
    hs1_ref[...] = hm * dinv
    dinv16_ref[...] = jnp.broadcast_to(dinv, dinv16_ref.shape)


def _stats_phase(ngrid, padcnt, bn, accp_ref, hs_ref, dinv16_ref, b_ref,
                 o_scr, stats_ref):
    i = pl.program_id(1)
    dinv = dinv16_ref[:, 0:1]
    o = dinv * (accp_ref[0] + accp_ref[1] + hs_ref[...]) + b_ref[...]
    o_scr[pl.ds(i * bn, bn), :] = o

    @pl.when(i == 0)
    def _():
        stats_ref[...] = jnp.zeros_like(stats_ref)

    stats_ref[0:1, :] += jnp.sum(o, axis=0, keepdims=True)
    stats_ref[1:2, :] += jnp.sum(o * o, axis=0, keepdims=True)

    @pl.when(i == ngrid - 1)
    def _():
        last = o[-1:, :]
        stats_ref[0:1, :] += -float(padcnt) * last
        stats_ref[1:2, :] += -float(padcnt) * last * last


def _bn_from_stats(n, stats_ref):
    mu = stats_ref[0:1, :] * (1.0 / n)
    ex2 = stats_ref[1:2, :] * (1.0 / n)
    inv = lax.rsqrt(ex2 - mu * mu + EPS)
    return mu, inv


def _layer_mid_body(n, bn, ngrid, padcnt,
                    accp_ref, hs_ref, dinv16_ref, b_ref, g_ref, bt_ref,
                    w2_ref, hs2_ref, o_scr, stats_scr):
    j = pl.program_id(0)
    i = pl.program_id(1)

    @pl.when(j == 0)
    def _():
        _stats_phase(ngrid, padcnt, bn, accp_ref, hs_ref, dinv16_ref, b_ref,
                     o_scr, stats_scr)

    @pl.when(j == 1)
    def _():
        mu, inv = _bn_from_stats(n, stats_scr)
        o = o_scr[pl.ds(i * bn, bn), :]
        hcur = jnp.maximum((o - mu) * inv * g_ref[...] + bt_ref[...], 0.0)
        hm = jnp.dot(hcur, w2_ref[...], preferred_element_type=jnp.float32)
        rmask = (lax.broadcasted_iota(jnp.int32, (bn, 1), 0) + i * bn
                 < n).astype(jnp.float32)
        hs2_ref[...] = hm * dinv16_ref[:, 0:1] * rmask


def _layer_final_body(n, g, bn, ngrid, padcnt,
                      accp_ref, hs_ref, dinv16_ref, b_ref, g_ref, bt_ref,
                      batch_ref, esum_ref, ecnt_ref, we2_ref, be2_ref,
                      out_ref, o_scr, stats_scr, nsum_ref, ncnt_ref):
    j = pl.program_id(0)
    i = pl.program_id(1)

    @pl.when(j == 0)
    def _():
        _stats_phase(ngrid, padcnt, bn, accp_ref, hs_ref, dinv16_ref, b_ref,
                     o_scr, stats_scr)

    @pl.when(j == 1)
    def _():
        mu, inv = _bn_from_stats(n, stats_scr)
        o = o_scr[pl.ds(i * bn, bn), :]
        h2 = jnp.maximum((o - mu) * inv * g_ref[...] + bt_ref[...], 0.0)
        brow = batch_ref[0]
        gids = lax.broadcasted_iota(jnp.int32, (g, 1), 0)
        oh = (brow == gids).astype(jnp.float32)

        @pl.when(i == 0)
        def _():
            nsum_ref[...] = jnp.zeros_like(nsum_ref)
            ncnt_ref[...] = jnp.zeros_like(ncnt_ref)

        nsum_ref[...] += jnp.dot(oh, h2, preferred_element_type=jnp.float32)
        ncnt_ref[...] += jnp.broadcast_to(
            jnp.sum(oh, axis=1, keepdims=True), ncnt_ref.shape)

        @pl.when(i == ngrid - 1)
        def _():
            ecnt = ecnt_ref[...]
            edge_part = (
                jnp.dot(esum_ref[...], we2_ref[...],
                        preferred_element_type=jnp.float32)
                + ecnt * be2_ref[...]) / jnp.maximum(ecnt, 1.0)
            node_part = nsum_ref[...] / jnp.maximum(ncnt_ref[...], 1.0)
            out_ref[...] = node_part + edge_part


def kernel(x, edge_index, edge_attr, batch_idx,
           W1, b1, g1, bt1, W2, b2, g2, bt2,
           We1, be1, We2, be2):
    n, df = x.shape
    e = edge_index.shape[1]
    de = edge_attr.shape[1]
    h = W1.shape[1]
    g = 64
    f32 = jnp.float32

    npad = 10240
    padcnt = npad - n
    bn = 2048
    ngrid = npad // bn
    be = 8000
    egrid = e // be

    src = edge_index[0].astype(jnp.int32)
    dst = edge_index[1].astype(jnp.int32)
    src3d = src.reshape(egrid, 1, be)
    dst3d = dst.reshape(egrid, 1, be)

    k_sc = 128
    epad = NW * k_sc * (-(-e // (NW * k_sc)))
    srcp = jnp.full((epad,), npad - 1, jnp.int32).at[:e].set(src)
    dstp = jnp.full((epad,), npad - 1, jnp.int32).at[:e].set(dst)
    idx2 = jnp.stack(
        [srcp.reshape(-1, k_sc), dstp.reshape(-1, k_sc)], axis=1)

    starts = jnp.searchsorted(
        batch_idx.astype(jnp.int32), jnp.arange(g + 1, dtype=jnp.int32)
    ).astype(jnp.int32)
    lo_b = jnp.broadcast_to(starts[:g][:, None], (g, h)).astype(jnp.int32)
    hi_b = jnp.broadcast_to(starts[1:][:, None], (g, h)).astype(jnp.int32)

    xpad = jnp.zeros((npad, df), f32).at[:n].set(x)
    bpad = jnp.full((npad,), g, jnp.int32).at[:n].set(batch_idx.astype(jnp.int32))
    batch3d = bpad.reshape(ngrid, 1, bn)

    esum, ecnt, degmat = pl.pallas_call(
        _edge_deg_body,
        grid=(egrid,),
        in_specs=[
            pl.BlockSpec((be, de), lambda i: (i, 0)),
            pl.BlockSpec((1, 1, be), lambda i: (i, 0, 0)),
            pl.BlockSpec((1, 1, be), lambda i: (i, 0, 0)),
            pl.BlockSpec((g, h), lambda i: (0, 0)),
            pl.BlockSpec((g, h), lambda i: (0, 0)),
            pl.BlockSpec((de, h), lambda i: (0, 0)),
            pl.BlockSpec((1, h), lambda i: (0, 0)),
        ],
        out_specs=[
            pl.BlockSpec((g, h), lambda i: (0, 0)),
            pl.BlockSpec((g, h), lambda i: (0, 0)),
            pl.BlockSpec((80, 128), lambda i: (0, 0)),
        ],
        out_shape=[
            jax.ShapeDtypeStruct((g, h), f32),
            jax.ShapeDtypeStruct((g, h), f32),
            jax.ShapeDtypeStruct((80, 128), f32),
        ],
    )(edge_attr.astype(jnp.bfloat16), src3d, dst3d, lo_b, hi_b,
      We1.astype(jnp.bfloat16), be1.reshape(1, h))

    hs1, dinv16 = pl.pallas_call(
        functools.partial(_k1_body, bn),
        grid=(ngrid,),
        in_specs=[
            pl.BlockSpec((bn, df), lambda i: (i, 0)),
            pl.BlockSpec((df, h), lambda i: (0, 0)),
            pl.BlockSpec((bn // 128, 128), lambda i: (i, 0)),
        ],
        out_specs=[
            pl.BlockSpec((bn, h), lambda i: (i, 0)),
            pl.BlockSpec((bn, 16), lambda i: (i, 0)),
        ],
        out_shape=[
            jax.ShapeDtypeStruct((npad, h), f32),
            jax.ShapeDtypeStruct((npad, 16), f32),
        ],
    )(xpad, W1, degmat)

    agg = _make_agg_kernel(npad, epad, h, k_sc, ch0_frac=0.875)

    acc1 = agg(hs1, idx2)
    hs2 = pl.pallas_call(
        functools.partial(_layer_mid_body, n, bn, ngrid, padcnt),
        grid=(2, ngrid),
        in_specs=[
            pl.BlockSpec((NC, bn, h), lambda j, i: (0, i * (1 - j), 0)),
            pl.BlockSpec((bn, h), lambda j, i: (i * (1 - j), 0)),
            pl.BlockSpec((bn, 16), lambda j, i: (i, 0)),
            pl.BlockSpec((1, h), lambda j, i: (0, 0)),
            pl.BlockSpec((1, h), lambda j, i: (0, 0)),
            pl.BlockSpec((1, h), lambda j, i: (0, 0)),
            pl.BlockSpec((h, h), lambda j, i: (0, 0)),
        ],
        out_specs=pl.BlockSpec((bn, h), lambda j, i: (i * j, 0)),
        out_shape=jax.ShapeDtypeStruct((npad, h), f32),
        scratch_shapes=[
            pltpu.VMEM((npad, h), f32),
            pltpu.VMEM((8, h), f32),
        ],
    )(acc1, hs1, dinv16, b1.reshape(1, h), g1.reshape(1, h),
      bt1.reshape(1, h), W2)

    acc2 = agg(hs2, idx2)
    out = pl.pallas_call(
        functools.partial(_layer_final_body, n, g, bn, ngrid, padcnt),
        grid=(2, ngrid),
        in_specs=[
            pl.BlockSpec((NC, bn, h), lambda j, i: (0, i * (1 - j), 0)),
            pl.BlockSpec((bn, h), lambda j, i: (i * (1 - j), 0)),
            pl.BlockSpec((bn, 16), lambda j, i: (i, 0)),
            pl.BlockSpec((1, h), lambda j, i: (0, 0)),
            pl.BlockSpec((1, h), lambda j, i: (0, 0)),
            pl.BlockSpec((1, h), lambda j, i: (0, 0)),
            pl.BlockSpec((1, 1, bn), lambda j, i: (i, 0, 0)),
            pl.BlockSpec((g, h), lambda j, i: (0, 0)),
            pl.BlockSpec((g, h), lambda j, i: (0, 0)),
            pl.BlockSpec((h, h), lambda j, i: (0, 0)),
            pl.BlockSpec((1, h), lambda j, i: (0, 0)),
        ],
        out_specs=pl.BlockSpec((g, h), lambda j, i: (0, 0)),
        out_shape=jax.ShapeDtypeStruct((g, h), f32),
        scratch_shapes=[
            pltpu.VMEM((npad, h), f32),
            pltpu.VMEM((8, h), f32),
            pltpu.VMEM((g, h), f32),
            pltpu.VMEM((g, h), f32),
        ],
    )(acc2, hs2, dinv16, b2.reshape(1, h), g2.reshape(1, h),
      bt2.reshape(1, h), batch3d, esum, ecnt, We2, be2.reshape(1, h))

    return out

# --- scband reference (transcript-rebuilt; emitter-appended) ---
"""Pipeline reference for scband-temporal-graph-wave-net-22840636080821 (READ-ONLY COPY).

The authoritative reference and input builder live on the scoring server;
editing this copy changes nothing except your own understanding.
"""

import jax, jax.numpy as jnp
import numpy as np

N = 10000
E = 320000
DF = 128
DE = 16
H = 128
G = 64
EPS = 1e-5


def setup_inputs(seed: int = 0) -> dict:
    key = jax.random.key(seed)
    ks = jax.random.split(key, 16)
    x = jax.random.normal(ks[0], (N, DF), dtype=jnp.float32)
    edge_index = jax.random.randint(ks[1], (2, E), 0, N)
    edge_attr = jax.random.normal(ks[2], (E, DE), dtype=jnp.float32)
    batch_idx = jnp.sort(jax.random.randint(ks[3], (N,), 0, G))
    W1 = jax.random.normal(ks[4], (DF, H), dtype=jnp.float32) / np.sqrt(DF)
    b1 = jnp.zeros((H,), jnp.float32)
    g1 = jnp.ones((H,), jnp.float32)
    bt1 = jnp.zeros((H,), jnp.float32)
    W2 = jax.random.normal(ks[5], (H, H), dtype=jnp.float32) / np.sqrt(H)
    b2 = jnp.zeros((H,), jnp.float32)
    g2 = jnp.ones((H,), jnp.float32)
    bt2 = jnp.zeros((H,), jnp.float32)
    We1 = jax.random.normal(ks[6], (DE, H), dtype=jnp.float32) / np.sqrt(DE)
    be1 = jnp.zeros((H,), jnp.float32)
    We2 = jax.random.normal(ks[7], (H, H), dtype=jnp.float32) / np.sqrt(H)
    be2 = jnp.zeros((H,), jnp.float32)
    return {"x": x, "edge_index": edge_index, "edge_attr": edge_attr, "batch_idx": batch_idx,
            "W1": W1, "b1": b1, "g1": g1, "bt1": bt1,
            "W2": W2, "b2": b2, "g2": g2, "bt2": bt2,
            "We1": We1, "be1": be1, "We2": We2, "be2": be2}


def _gcn_layer(x, edge_index, W, b, g, bt):
    n = x.shape[0]
    src = edge_index[0]
    dst = edge_index[1]
    loop = jnp.arange(n, dtype=src.dtype)
    s = jnp.concatenate([src, loop])
    d = jnp.concatenate([dst, loop])
    deg = jnp.zeros((n,), x.dtype).at[d].add(1.0)
    dinv = jax.lax.rsqrt(jnp.clip(deg, 1.0))
    h = x @ W
    norm = (dinv[s] * dinv[d])[:, None]
    msg = jnp.take(h, s, axis=0) * norm
    out = jnp.zeros_like(h).at[d].add(msg) + b
    # BatchNorm1d (training-mode batch stats), then ReLU; dropout = identity (eval)
    mu = out.mean(axis=0)
    var = out.var(axis=0)
    out = (out - mu) / jnp.sqrt(var + EPS) * g + bt
    return jax.nn.relu(out)


def reference(x, edge_index, edge_attr, batch_idx,
              W1, b1, g1, bt1, W2, b2, g2, bt2,
              We1, be1, We2, be2):
    h = _gcn_layer(x, edge_index, W1, b1, g1, bt1)
    h = _gcn_layer(h, edge_index, W2, b2, g2, bt2)
    # global mean pool over graphs
    sums = jax.ops.segment_sum(h, batch_idx, num_segments=G)
    cnts = jax.ops.segment_sum(jnp.ones((h.shape[0],), h.dtype), batch_idx, num_segments=G)
    graph_repr = sums / jnp.clip(cnts, 1.0)[:, None]
    # edge encoder + per-graph mean of edge embeddings
    ee = jax.nn.relu(edge_attr @ We1 + be1) @ We2 + be2
    edge_batch = jnp.take(batch_idx, edge_index[0])
    esum = jax.ops.segment_sum(ee, edge_batch, num_segments=G)
    ecnt = jax.ops.segment_sum(jnp.ones((ee.shape[0],), ee.dtype), edge_batch, num_segments=G)
    edge_repr = esum / jnp.clip(ecnt, 1.0)[:, None]
    graph_repr = graph_repr + edge_repr
    return graph_repr

if __name__ == "__main__":
    import jax
    _d = setup_inputs()
    print(jax.jit(kernel)(*tuple(_d.values())))

</pallas_src>

<mosaic_0001>
#map = affine_map<(d0, d1) -> (0, 0)>
#map1 = affine_map<(d0, d1) -> (0, 0, 0)>
module attributes {stable_mosaic.version = 14 : i64} {
  func.func @agg_kernel(%arg0: i32, %arg1: i32, %arg2: memref<10240x128xf32, #tpu.memory_space<hbm>>, %arg3: memref<2528x2x128xi32, #tpu.memory_space<hbm>>, %arg4: memref<2x10240x128xf32, #tpu.memory_space<hbm>>, %arg5: memref<2x128xi32, #tpu.memory_space<vmem>>, %arg6: memref<2x128xi32, #tpu.memory_space<vmem>>, %arg7: memref<128x128xf32, #tpu.memory_space<vmem>>, %arg8: memref<128x128xf32, #tpu.memory_space<vmem>>, %arg9: memref<64x128xf32, #tpu.memory_space<vmem>>, %arg10: memref<10240x128xf32, #tpu.memory_space<vmem_shared>>, %arg11: memref<!tpu.dma_semaphore, #tpu.memory_space<semaphore_mem>>, %arg12: memref<!tpu.dma_semaphore, #tpu.memory_space<semaphore_mem>>, %arg13: memref<!tpu.dma_semaphore, #tpu.memory_space<semaphore_mem>>, %arg14: memref<!tpu.dma_semaphore, #tpu.memory_space<semaphore_mem>>) attributes {dimension_semantics = [#tpu.dimension_semantics<core_parallel>, #tpu.dimension_semantics<subcore_parallel>], iteration_bounds = array<i64: 2, 16>, scalar_prefetch = 0 : i64, scratch_operands = 10 : i64, tpu.core_type = #tpu.core_type<sc_vector_subcore>, window_params = [{transform_indices = #map}, {transform_indices = #map1}, {transform_indices = #map1}]} {
    %eq3A = arith.constant 0 : i32
    %eq3A_0 = arith.cmpi eq, %arg0, %eq3A : i32
    %jit3A = arith.constant 138 : i32
    %jit3A_1 = arith.constant 20 : i32
    %select_n3A = arith.select %eq3A_0, %jit3A, %jit3A_1 : i32
    %eq3A_2 = arith.constant 0 : i32
    %eq3A_3 = arith.cmpi eq, %arg0, %eq3A_2 : i32
    %mul3A = arith.constant 138 : i32
    %mul3A_4 = arith.muli %arg1, %mul3A : i32
    %mul3A_5 = arith.constant 20 : i32
    %mul3A_6 = arith.muli %arg1, %mul3A_5 : i32
    %add3A = arith.constant 2208 : i32
    %add3A_7 = arith.addi %add3A, %mul3A_6 : i32
    %select_n3A_8 = arith.select %eq3A_3, %mul3A_4, %add3A_7 : i32
    %broadcast_in_dim3A = arith.constant 0.000000e+00 : f32
    %broadcast_in_dim3A_9 = vector.broadcast %broadcast_in_dim3A : f32 to vector<16xf32>
    %scan3A = arith.constant 0 : i32
    %scan3A_10 = arith.constant 0 : i32
    %scan3A_11 = arith.constant 64 : i32
    %scan3A_12 = arith.addi %scan3A_10, %scan3A_11 : i32
    %scan3A_13 = arith.constant 1 : i32
    %scan3A_14 = scf.for %scan3A_41 = %scan3A_10 to %scan3A_12 step %scan3A_13 iter_args(%scan3A_42 = %scan3A) -> (i32)  : i32 {
      %scan3A_43 = arith.constant 0 : i32
      %scan3A_44 = arith.constant 0 : i32
      %scan3A_45 = arith.constant 8 : i32
      %scan3A_46 = arith.addi %scan3A_44, %scan3A_45 : i32
      %scan3A_47 = arith.constant 1 : i32
      %scan3A_48 = scf.for %scan3A_51 = %scan3A_44 to %scan3A_46 step %scan3A_47 iter_args(%scan3A_52 = %scan3A_43) -> (i32)  : i32 {
        %mul3A_53 = arith.constant 16 : i32
        %mul3A_54 = arith.muli %scan3A_51, %mul3A_53 : i32
        %swap3A = arith.index_cast %scan3A_41 : i32 to index
        %swap3A_55 = arith.index_cast %mul3A_54 : i32 to index
        %swap3A_56 = tpu.vector_load %arg9[%swap3A, %swap3A_55] {strides = array<i32>} : memref<64x128xf32, #tpu.memory_space<vmem>>, vector<1x16xf32>,
        %swap3A_57 = vector.shape_cast %swap3A_56 : vector<1x16xf32> to vector<16xf32>
        %swap3A_58 = vector.shape_cast %broadcast_in_dim3A_9 : vector<16xf32> to vector<1x16xf32>
        tpu.vector_store %arg9[%swap3A, %swap3A_55], %swap3A_58 {strides = array<i32>} : memref<64x128xf32, #tpu.memory_space<vmem>>, vector<1x16xf32>,
        %scan3A_59 = arith.constant 0 : i32
        scf.yield %scan3A_59 : i32
      }
      %scan3A_49 = arith.constant 8 : i32
      %scan3A_50 = arith.constant 0 : i32
      scf.yield %scan3A_50 : i32
    }
    %scan3A_15 = arith.constant 64 : i32
    %scan3A_16 = arith.constant 0 : i32
    %scan3A_17 = arith.constant 0 : i32
    %scan3A_18 = arith.constant 10 : i32
    %scan3A_19 = arith.addi %scan3A_17, %scan3A_18 : i32
    %scan3A_20 = arith.constant 1 : i32
    %scan3A_21 = scf.for %scan3A_41 = %scan3A_17 to %scan3A_19 step %scan3A_20 iter_args(%scan3A_42 = %scan3A_16) -> (i32)  : i32 {
      %mul3A_43 = arith.constant 640 : i32
      %mul3A_44 = arith.muli %arg1, %mul3A_43 : i32
      %mul3A_45 = arith.constant 64 : i32
      %mul3A_46 = arith.muli %scan3A_41, %mul3A_45 : i32
      %add3A_47 = arith.addi %mul3A_44, %mul3A_46 : i32
      "tpu.region"() ({
        %run_scoped3A = tpu.sem_alloc : memref<!tpu.dma_semaphore, #tpu.memory_space<semaphore_mem>>
        %dma_start3A = arith.constant 0 : i32
        %dma_start3A_49 = tpu.memref_slice %arg10[%add3A_47, %dma_start3A] : memref<10240x128xf32, #tpu.memory_space<vmem_shared>> -> memref<64x128xf32, #tpu.memory_space<vmem_shared>>
        %dma_start3A_50 = arith.constant 0 : i32
        %dma_start3A_51 = tpu.memref_slice %arg10[%add3A_47, %dma_start3A_50] : memref<10240x128xf32, #tpu.memory_space<vmem_shared>> -> memref<64x128xf32, #tpu.memory_space<vmem_shared>>
        tpu.enqueue_dma source(%arg9 : memref<64x128xf32, #tpu.memory_space<vmem>>) target(%dma_start3A_51 : memref<64x128xf32, #tpu.memory_space<vmem_shared>>) target_semaphore(%run_scoped3A : memref<!tpu.dma_semaphore, #tpu.memory_space<semaphore_mem>>)
        %dma_wait3A = arith.constant 0 : i32
        %dma_wait3A_52 = tpu.memref_slice %arg10[%add3A_47, %dma_wait3A] : memref<10240x128xf32, #tpu.memory_space<vmem_shared>> -> memref<64x128xf32, #tpu.memory_space<vmem_shared>>
        %dma_wait3A_53 = arith.constant 0 : i32
        %dma_wait3A_54 = tpu.memref_slice %arg10[%add3A_47, %dma_wait3A_53] : memref<10240x128xf32, #tpu.memory_space<vmem_shared>> -> memref<64x128xf32, #tpu.memory_space<vmem_shared>>
        tpu.wait_dma2 semaphore(%run_scoped3A : memref<!tpu.dma_semaphore, #tpu.memory_space<semaphore_mem>>) src(%arg9 : memref<64x128xf32, #tpu.memory_space<vmem>>) dst(%dma_wait3A_54 : memref<64x128xf32, #tpu.memory_space<vmem_shared>>)
        tpu.yield
      }) : () -> ()
      %scan3A_48 = arith.constant 0 : i32
      scf.yield %scan3A_48 : i32
    }
    %scan3A_22 = arith.constant 10 : i32
    %barrier3A = arith.constant 0 : index
    tpu.barrier barrier_id(%barrier3A)
    %add3A_23 = arith.constant 2 : i32
    %add3A_24 = arith.addi %select_n3A, %add3A_23 : i32
    %while3A = arith.constant 0 : i32
    %while3A_25 = arith.constant 0 : i32
    %while3A_26 = arith.subi %add3A_24, %while3A : i32
    %while3A_27 = arith.addi %while3A, %while3A_26 : i32
    %while3A_28 = arith.constant 1 : i32
    %while3A_29 = arith.divsi %while3A_26, %while3A_28 : i32
    %while3A_30 = arith.muli %while3A_29, %while3A_28 : i32
    %while3A_31 = arith.addi %while3A, %while3A_30 : i32
    %while3A_32 = arith.constant 1 : i32
    %while3A_33 = scf.for %while3A_41 = %while3A to %while3A_31 step %while3A_32 iter_args(%while3A_42 = %while3A_25) -> (i32)  : i32 {
      %jit3A_43 = arith.constant 2 : i32
      %eq3A_44 = arith.constant 0 : i32
      %eq3A_45 = arith.cmpi eq, %jit3A_43, %eq3A_44 : i32
      %jit3A_46 = arith.constant 1 : i32
      %select_n3A_47 = arith.select %eq3A_45, %jit3A_46, %jit3A_43 : i32
      %rem3A = arith.remsi %while3A_41, %select_n3A_47 : i32
      %ne3A = arith.constant 0 : i32
      %ne3A_48 = arith.cmpi ne, %rem3A, %ne3A : i32
      %lt3A = arith.constant 0 : i32
      %lt3A_49 = arith.cmpi slt, %rem3A, %lt3A : i32
      %lt3A_50 = arith.constant 0 : i32
      %lt3A_51 = arith.cmpi slt, %select_n3A_47, %lt3A_50 : i32
      %ne3A_52 = arith.xori %lt3A_49, %lt3A_51 : i1
      %and3A = arith.andi %ne3A_52, %ne3A_48 : i1
      %add3A_53 = arith.addi %rem3A, %select_n3A_47 : i32
      %select_n3A_54 = arith.select %and3A, %add3A_53, %rem3A : i32
      %eq3A_55 = arith.constant 0 : i32
      %eq3A_56 = arith.cmpi eq, %select_n3A_54, %eq3A_55 : i32
      %ge3A = arith.constant 2 : i32
      %ge3A_57 = arith.cmpi sge, %while3A_41, %ge3A : i32
      %and3A_58 = arith.andi %eq3A_56, %ge3A_57 : i1
      %convert_element_type3A = arith.extui %and3A_58 : i1 to i32
      %cond3A = arith.constant 0 : i32
      %cond3A_59 = arith.cmpi ne, %convert_element_type3A, %cond3A : i32
      scf.if %cond3A_59 {
        %dma_wait3A = arith.constant 1 : i32
        %dma_wait3A_110 = arith.constant 0 : i32
        %dma_wait3A_111 = tpu.memref_slice %arg5[%dma_wait3A, %dma_wait3A_110] : memref<2x128xi32, #tpu.memory_space<vmem>> -> memref<1x128xi32, #tpu.memory_space<vmem>>
        %dma_wait3A_112 = tpu.memref_squeeze %dma_wait3A_111 : memref<1x128xi32, #tpu.memory_space<vmem>> -> memref<128xi32, #tpu.memory_space<vmem>>
        %dma_wait3A_113 = arith.constant 0 : i32
        %dma_wait3A_114 = arith.constant 0 : i32
        %dma_wait3A_115 = tpu.memref_slice %arg10[%dma_wait3A_113, %dma_wait3A_114] : memref<10240x128xf32, #tpu.memory_space<vmem_shared>> -> memref<10240x128xf32, #tpu.memory_space<vmem_shared>>
        tpu.wait_indirect_dma semaphore(%arg13 : memref<!tpu.dma_semaphore, #tpu.memory_space<semaphore_mem>>) src(%arg7 : memref<128x128xf32, #tpu.memory_space<vmem>>) dst(%dma_wait3A_115 : memref<10240x128xf32, #tpu.memory_space<vmem_shared>>)
      } else {
      }
      %lt3A_60 = arith.cmpi slt, %while3A_41, %select_n3A : i32
      %and3A_61 = arith.andi %eq3A_56, %lt3A_60 : i1
      %convert_element_type3A_62 = arith.extui %and3A_61 : i1 to i32
      %cond3A_63 = arith.constant 0 : i32
      %cond3A_64 = arith.cmpi ne, %convert_element_type3A_62, %cond3A_63 : i32
      scf.if %cond3A_64 {
        %add3A_110 = arith.addi %select_n3A_8, %while3A_41 : i32
        "tpu.region"() ({
          %run_scoped3A = tpu.sem_alloc : memref<!tpu.dma_semaphore, #tpu.memory_space<semaphore_mem>>
          %dma_start3A_117 = arith.constant 0 : i32
          %dma_start3A_118 = arith.constant 0 : i32
          %dma_start3A_119 = tpu.memref_slice %arg3[%add3A_110, %dma_start3A_117, %dma_start3A_118] : memref<2528x2x128xi32, #tpu.memory_space<hbm>> -> memref<1x2x128xi32, #tpu.memory_space<hbm>>
          %dma_start3A_120 = tpu.memref_squeeze %dma_start3A_119 : memref<1x2x128xi32, #tpu.memory_space<hbm>> -> memref<2x128xi32, #tpu.memory_space<hbm>>
          %dma_start3A_121 = arith.constant 0 : i32
          %dma_start3A_122 = arith.constant 0 : i32
          %dma_start3A_123 = tpu.memref_slice %arg3[%add3A_110, %dma_start3A_121, %dma_start3A_122] : memref<2528x2x128xi32, #tpu.memory_space<hbm>> -> memref<1x2x128xi32, #tpu.memory_space<hbm>>
          %dma_start3A_124 = tpu.memref_squeeze %dma_start3A_123 : memref<1x2x128xi32, #tpu.memory_space<hbm>> -> memref<2x128xi32, #tpu.memory_space<hbm>>
          tpu.enqueue_dma source(%dma_start3A_124 : memref<2x128xi32, #tpu.memory_space<hbm>>) target(%arg5 : memref<2x128xi32, #tpu.memory_space<vmem>>) target_semaphore(%run_scoped3A : memref<!tpu.dma_semaphore, #tpu.memory_space<semaphore_mem>>)
          %dma_wait3A = arith.constant 0 : i32
          %dma_wait3A_125 = arith.constant 0 : i32
          %dma_wait3A_126 = tpu.memref_slice %arg3[%add3A_110, %dma_wait3A, %dma_wait3A_125] : memref<2528x2x128xi32, #tpu.memory_space<hbm>> -> memref<1x2x128xi32, #tpu.memory_space<hbm>>
          %dma_wait3A_127 = tpu.memref_squeeze %dma_wait3A_126 : memref<1x2x128xi32, #tpu.memory_space<hbm>> -> memref<2x128xi32, #tpu.memory_space<hbm>>
          %dma_wait3A_128 = arith.constant 0 : i32
          %dma_wait3A_129 = arith.constant 0 : i32
          %dma_wait3A_130 = tpu.memref_slice %arg3[%add3A_110, %dma_wait3A_128, %dma_wait3A_129] : memref<2528x2x128xi32, #tpu.memory_space<hbm>> -> memref<1x2x128xi32, #tpu.memory_space<hbm>>
          %dma_wait3A_131 = tpu.memref_squeeze %dma_wait3A_130 : memref<1x2x128xi32, #tpu.memory_space<hbm>> -> memref<2x128xi32, #tpu.memory_space<hbm>>
          tpu.wait_dma2 semaphore(%run_scoped3A : memref<!tpu.dma_semaphore, #tpu.memory_space<semaphore_mem>>) src(%dma_wait3A_131 : memref<2x128xi32, #tpu.memory_space<hbm>>) dst(%arg5 : memref<2x128xi32, #tpu.memory_space<vmem>>)
          tpu.yield
        }) : () -> ()
        %dma_start3A = arith.constant 0 : i32
        %dma_start3A_111 = arith.constant 0 : i32
        %dma_start3A_112 = tpu.memref_slice %arg5[%dma_start3A, %dma_start3A_111] : memref<2x128xi32, #tpu.memory_space<vmem>> -> memref<1x128xi32, #tpu.memory_space<vmem>>
        %dma_start3A_113 = tpu.memref_squeeze %dma_start3A_112 : memref<1x128xi32, #tpu.memory_space<vmem>> -> memref<128xi32, #tpu.memory_space<vmem>>
        %dma_start3A_114 = arith.constant 0 : i32
        %dma_start3A_115 = arith.constant 0 : i32
        %dma_start3A_116 = tpu.memref_slice %arg2[%dma_start3A_114, %dma_start3A_115] : memref<10240x128xf32, #tpu.memory_space<hbm>> -> memref<10240x128xf32, #tpu.memory_space<hbm>>
        tpu.enqueue_indirect_dma source(%dma_start3A_116 : memref<10240x128xf32, #tpu.memory_space<hbm>>) target(%arg7 : memref<128x128xf32, #tpu.memory_space<vmem>>) offsets(%dma_start3A_113 : memref<128xi32, #tpu.memory_space<vmem>>) semaphore(%arg11 : memref<!tpu.dma_semaphore, #tpu.memory_space<semaphore_mem>>)
      } else {
      }
      %ge3A_65 = arith.constant 1 : i32
      %ge3A_66 = arith.cmpi sge, %while3A_41, %ge3A_65 : i32
      %and3A_67 = arith.andi %eq3A_56, %ge3A_66 : i1
      %le3A = arith.cmpi sle, %while3A_41, %select_n3A : i32
      %and3A_68 = arith.andi %and3A_67, %le3A : i1
      %convert_element_type3A_69 = arith.extui %and3A_68 : i1 to i32
      %cond3A_70 = arith.constant 0 : i32
      %cond3A_71 = arith.cmpi ne, %convert_element_type3A_69, %cond3A_70 : i32
      scf.if %cond3A_71 {
        %dma_wait3A = arith.constant 0 : i32
        %dma_wait3A_110 = arith.constant 0 : i32
        %dma_wait3A_111 = tpu.memref_slice %arg6[%dma_wait3A, %dma_wait3A_110] : memref<2x128xi32, #tpu.memory_space<vmem>> -> memref<1x128xi32, #tpu.memory_space<vmem>>
        %dma_wait3A_112 = tpu.memref_squeeze %dma_wait3A_111 : memref<1x128xi32, #tpu.memory_space<vmem>> -> memref<128xi32, #tpu.memory_space<vmem>>
        %dma_wait3A_113 = arith.constant 0 : i32
        %dma_wait3A_114 = arith.constant 0 : i32
        %dma_wait3A_115 = tpu.memref_slice %arg2[%dma_wait3A_113, %dma_wait3A_114] : memref<10240x128xf32, #tpu.memory_space<hbm>> -> memref<10240x128xf32, #tpu.memory_space<hbm>>
        tpu.wait_indirect_dma semaphore(%arg12 : memref<!tpu.dma_semaphore, #tpu.memory_space<semaphore_mem>>) src(%dma_wait3A_115 : memref<10240x128xf32, #tpu.memory_space<hbm>>) dst(%arg8 : memref<128x128xf32, #tpu.memory_space<vmem>>)
        %dma_start3A = arith.constant 1 : i32
        %dma_start3A_116 = arith.constant 0 : i32
        %dma_start3A_117 = tpu.memref_slice %arg6[%dma_start3A, %dma_start3A_116] : memref<2x128xi32, #tpu.memory_space<vmem>> -> memref<1x128xi32, #tpu.memory_space<vmem>>
        %dma_start3A_118 = tpu.memref_squeeze %dma_start3A_117 : memref<1x128xi32, #tpu.memory_space<vmem>> -> memref<128xi32, #tpu.memory_space<vmem>>
        %dma_start3A_119 = arith.constant 0 : i32
        %dma_start3A_120 = arith.constant 0 : i32
        %dma_start3A_121 = tpu.memref_slice %arg10[%dma_start3A_119, %dma_start3A_120] : memref<10240x128xf32, #tpu.memory_space<vmem_shared>> -> memref<10240x128xf32, #tpu.memory_space<vmem_shared>>
        tpu.enqueue_indirect_dma source(%arg8 : memref<128x128xf32, #tpu.memory_space<vmem>>) target(%dma_start3A_121 : memref<10240x128xf32, #tpu.memory_space<vmem_shared>>) offsets(%dma_start3A_118 : memref<128xi32, #tpu.memory_space<vmem>>) semaphore(%arg14 : memref<!tpu.dma_semaphore, #tpu.memory_space<semaphore_mem>>) {add = true}
      } else {
      }
      %jit3A_72 = arith.constant 2 : i32
      %eq3A_73 = arith.constant 0 : i32
      %eq3A_74 = arith.cmpi eq, %jit3A_72, %eq3A_73 : i32
      %jit3A_75 = arith.constant 1 : i32
      %select_n3A_76 = arith.select %eq3A_74, %jit3A_75, %jit3A_72 : i32
      %rem3A_77 = arith.remsi %while3A_41, %select_n3A_76 : i32
      %ne3A_78 = arith.constant 0 : i32
      %ne3A_79 = arith.cmpi ne, %rem3A_77, %ne3A_78 : i32
      %lt3A_80 = arith.constant 0 : i32
      %lt3A_81 = arith.cmpi slt, %rem3A_77, %lt3A_80 : i32
      %lt3A_82 = arith.constant 0 : i32
      %lt3A_83 = arith.cmpi slt, %select_n3A_76, %lt3A_82 : i32
      %ne3A_84 = arith.xori %lt3A_81, %lt3A_83 : i1
      %and3A_85 = arith.andi %ne3A_84, %ne3A_79 : i1
      %add3A_86 = arith.addi %rem3A_77, %select_n3A_76 : i32
      %select_n3A_87 = arith.select %and3A_85, %add3A_86, %rem3A_77 : i32
      %eq3A_88 = arith.constant 1 : i32
      %eq3A_89 = arith.cmpi eq, %select_n3A_87, %eq3A_88 : i32
      %ge3A_90 = arith.constant 2 : i32
      %ge3A_91 = arith.cmpi sge, %while3A_41, %ge3A_90 : i32
      %and3A_92 = arith.andi %eq3A_89, %ge3A_91 : i1
      %convert_element_type3A_93 = arith.extui %and3A_92 : i1 to i32
      %cond3A_94 = arith.constant 0 : i32
      %cond3A_95 = arith.cmpi ne, %convert_element_type3A_93, %cond3A_94 : i32
      scf.if %cond3A_95 {
        %dma_wait3A = arith.constant 1 : i32
        %dma_wait3A_110 = arith.constant 0 : i32
        %dma_wait3A_111 = tpu.memref_slice %arg6[%dma_wait3A, %dma_wait3A_110] : memref<2x128xi32, #tpu.memory_space<vmem>> -> memref<1x128xi32, #tpu.memory_space<vmem>>
        %dma_wait3A_112 = tpu.memref_squeeze %dma_wait3A_111 : memref<1x128xi32, #tpu.memory_space<vmem>> -> memref<128xi32, #tpu.memory_space<vmem>>
        %dma_wait3A_113 = arith.constant 0 : i32
        %dma_wait3A_114 = arith.constant 0 : i32
        %dma_wait3A_115 = tpu.memref_slice %arg10[%dma_wait3A_113, %dma_wait3A_114] : memref<10240x128xf32, #tpu.memory_space<vmem_shared>> -> memref<10240x128xf32, #tpu.memory_space<vmem_shared>>
        tpu.wait_indirect_dma semaphore(%arg14 : memref<!tpu.dma_semaphore, #tpu.memory_space<semaphore_mem>>) src(%arg8 : memref<128x128xf32, #tpu.memory_space<vmem>>) dst(%dma_wait3A_115 : memref<10240x128xf32, #tpu.memory_space<vmem_shared>>)
      } else {
      }
      %lt3A_96 = arith.cmpi slt, %while3A_41, %select_n3A : i32
      %and3A_97 = arith.andi %eq3A_89, %lt3A_96 : i1
      %convert_element_type3A_98 = arith.extui %and3A_97 : i1 to i32
      %cond3A_99 = arith.constant 0 : i32
      %cond3A_100 = arith.cmpi ne, %convert_element_type3A_98, %cond3A_99 : i32
      scf.if %cond3A_100 {
        %add3A_110 = arith.addi %select_n3A_8, %while3A_41 : i32
        "tpu.region"() ({
          %run_scoped3A = tpu.sem_alloc : memref<!tpu.dma_semaphore, #tpu.memory_space<semaphore_mem>>
          %dma_start3A_117 = arith.constant 0 : i32
          %dma_start3A_118 = arith.constant 0 : i32
          %dma_start3A_119 = tpu.memref_slice %arg3[%add3A_110, %dma_start3A_117, %dma_start3A_118] : memref<2528x2x128xi32, #tpu.memory_space<hbm>> -> memref<1x2x128xi32, #tpu.memory_space<hbm>>
          %dma_start3A_120 = tpu.memref_squeeze %dma_start3A_119 : memref<1x2x128xi32, #tpu.memory_space<hbm>> -> memref<2x128xi32, #tpu.memory_space<hbm>>
          %dma_start3A_121 = arith.constant 0 : i32
          %dma_start3A_122 = arith.constant 0 : i32
          %dma_start3A_123 = tpu.memref_slice %arg3[%add3A_110, %dma_start3A_121, %dma_start3A_122] : memref<2528x2x128xi32, #tpu.memory_space<hbm>> -> memref<1x2x128xi32, #tpu.memory_space<hbm>>
          %dma_start3A_124 = tpu.memref_squeeze %dma_start3A_123 : memref<1x2x128xi32, #tpu.memory_space<hbm>> -> memref<2x128xi32, #tpu.memory_space<hbm>>
          tpu.enqueue_dma source(%dma_start3A_124 : memref<2x128xi32, #tpu.memory_space<hbm>>) target(%arg6 : memref<2x128xi32, #tpu.memory_space<vmem>>) target_semaphore(%run_scoped3A : memref<!tpu.dma_semaphore, #tpu.memory_space<semaphore_mem>>)
          %dma_wait3A = arith.constant 0 : i32
          %dma_wait3A_125 = arith.constant 0 : i32
          %dma_wait3A_126 = tpu.memref_slice %arg3[%add3A_110, %dma_wait3A, %dma_wait3A_125] : memref<2528x2x128xi32, #tpu.memory_space<hbm>> -> memref<1x2x128xi32, #tpu.memory_space<hbm>>
          %dma_wait3A_127 = tpu.memref_squeeze %dma_wait3A_126 : memref<1x2x128xi32, #tpu.memory_space<hbm>> -> memref<2x128xi32, #tpu.memory_space<hbm>>
          %dma_wait3A_128 = arith.constant 0 : i32
          %dma_wait3A_129 = arith.constant 0 : i32
          %dma_wait3A_130 = tpu.memref_slice %arg3[%add3A_110, %dma_wait3A_128, %dma_wait3A_129] : memref<2528x2x128xi32, #tpu.memory_space<hbm>> -> memref<1x2x128xi32, #tpu.memory_space<hbm>>
          %dma_wait3A_131 = tpu.memref_squeeze %dma_wait3A_130 : memref<1x2x128xi32, #tpu.memory_space<hbm>> -> memref<2x128xi32, #tpu.memory_space<hbm>>
          tpu.wait_dma2 semaphore(%run_scoped3A : memref<!tpu.dma_semaphore, #tpu.memory_space<semaphore_mem>>) src(%dma_wait3A_131 : memref<2x128xi32, #tpu.memory_space<hbm>>) dst(%arg6 : memref<2x128xi32, #tpu.memory_space<vmem>>)
          tpu.yield
        }) : () -> ()
        %dma_start3A = arith.constant 0 : i32
        %dma_start3A_111 = arith.constant 0 : i32
        %dma_start3A_112 = tpu.memref_slice %arg6[%dma_start3A, %dma_start3A_111] : memref<2x128xi32, #tpu.memory_space<vmem>> -> memref<1x128xi32, #tpu.memory_space<vmem>>
        %dma_start3A_113 = tpu.memref_squeeze %dma_start3A_112 : memref<1x128xi32, #tpu.memory_space<vmem>> -> memref<128xi32, #tpu.memory_space<vmem>>
        %dma_start3A_114 = arith.constant 0 : i32
        %dma_start3A_115 = arith.constant 0 : i32
        %dma_start3A_116 = tpu.memref_slice %arg2[%dma_start3A_114, %dma_start3A_115] : memref<10240x128xf32, #tpu.memory_space<hbm>> -> memref<10240x128xf32, #tpu.memory_space<hbm>>
        tpu.enqueue_indirect_dma source(%dma_start3A_116 : memref<10240x128xf32, #tpu.memory_space<hbm>>) target(%arg8 : memref<128x128xf32, #tpu.memory_space<vmem>>) offsets(%dma_start3A_113 : memref<128xi32, #tpu.memory_space<vmem>>) semaphore(%arg12 : memref<!tpu.dma_semaphore, #tpu.memory_space<semaphore_mem>>)
      } else {
      }
      %ge3A_101 = arith.constant 1 : i32
      %ge3A_102 = arith.cmpi sge, %while3A_41, %ge3A_101 : i32
      %and3A_103 = arith.andi %eq3A_89, %ge3A_102 : i1
      %le3A_104 = arith.cmpi sle, %while3A_41, %select_n3A : i32
      %and3A_105 = arith.andi %and3A_103, %le3A_104 : i1
      %convert_element_type3A_106 = arith.extui %and3A_105 : i1 to i32
      %cond3A_107 = arith.constant 0 : i32
      %cond3A_108 = arith.cmpi ne, %convert_element_type3A_106, %cond3A_107 : i32
      scf.if %cond3A_108 {
        %dma_wait3A = arith.constant 0 : i32
        %dma_wait3A_110 = arith.constant 0 : i32
        %dma_wait3A_111 = tpu.memref_slice %arg5[%dma_wait3A, %dma_wait3A_110] : memref<2x128xi32, #tpu.memory_space<vmem>> -> memref<1x128xi32, #tpu.memory_space<vmem>>
        %dma_wait3A_112 = tpu.memref_squeeze %dma_wait3A_111 : memref<1x128xi32, #tpu.memory_space<vmem>> -> memref<128xi32, #tpu.memory_space<vmem>>
        %dma_wait3A_113 = arith.constant 0 : i32
        %dma_wait3A_114 = arith.constant 0 : i32
        %dma_wait3A_115 = tpu.memref_slice %arg2[%dma_wait3A_113, %dma_wait3A_114] : memref<10240x128xf32, #tpu.memory_space<hbm>> -> memref<10240x128xf32, #tpu.memory_space<hbm>>
        tpu.wait_indirect_dma semaphore(%arg11 : memref<!tpu.dma_semaphore, #tpu.memory_space<semaphore_mem>>) src(%dma_wait3A_115 : memref<10240x128xf32, #tpu.memory_space<hbm>>) dst(%arg7 : memref<128x128xf32, #tpu.memory_space<vmem>>)
        %dma_start3A = arith.constant 1 : i32
        %dma_start3A_116 = arith.constant 0 : i32
        %dma_start3A_117 = tpu.memref_slice %arg5[%dma_start3A, %dma_start3A_116] : memref<2x128xi32, #tpu.memory_space<vmem>> -> memref<1x128xi32, #tpu.memory_space<vmem>>
        %dma_start3A_118 = tpu.memref_squeeze %dma_start3A_117 : memref<1x128xi32, #tpu.memory_space<vmem>> -> memref<128xi32, #tpu.memory_space<vmem>>
        %dma_start3A_119 = arith.constant 0 : i32
        %dma_start3A_120 = arith.constant 0 : i32
        %dma_start3A_121 = tpu.memref_slice %arg10[%dma_start3A_119, %dma_start3A_120] : memref<10240x128xf32, #tpu.memory_space<vmem_shared>> -> memref<10240x128xf32, #tpu.memory_space<vmem_shared>>
        tpu.enqueue_indirect_dma source(%arg7 : memref<128x128xf32, #tpu.memory_space<vmem>>) target(%dma_start3A_121 : memref<10240x128xf32, #tpu.memory_space<vmem_shared>>) offsets(%dma_start3A_118 : memref<128xi32, #tpu.memory_space<vmem>>) semaphore(%arg13 : memref<!tpu.dma_semaphore, #tpu.memory_space<semaphore_mem>>) {add = true}
      } else {
      }
      %while3A_109 = arith.constant 0 : i32
      scf.yield %while3A_109 : i32
    }
    %while3A_34 = arith.constant 1 : i32
    %while3A_35 = scf.for %while3A_41 = %while3A_31 to %while3A_27 step %while3A_34 iter_args(%while3A_42 = %while3A_33) -> (i32)  : i32 {
      %jit3A_43 = arith.constant 2 : i32
      %eq3A_44 = arith.constant 0 : i32
      %eq3A_45 = arith.cmpi eq, %jit3A_43, %eq3A_44 : i32
      %jit3A_46 = arith.constant 1 : i32
      %select_n3A_47 = arith.select %eq3A_45, %jit3A_46, %jit3A_43 : i32
      %rem3A = arith.remsi %while3A_41, %select_n3A_47 : i32
      %ne3A = arith.constant 0 : i32
      %ne3A_48 = arith.cmpi ne, %rem3A, %ne3A : i32
      %lt3A = arith.constant 0 : i32
      %lt3A_49 = arith.cmpi slt, %rem3A, %lt3A : i32
      %lt3A_50 = arith.constant 0 : i32
      %lt3A_51 = arith.cmpi slt, %select_n3A_47, %lt3A_50 : i32
      %ne3A_52 = arith.xori %lt3A_49, %lt3A_51 : i1
      %and3A = arith.andi %ne3A_52, %ne3A_48 : i1
      %add3A_53 = arith.addi %rem3A, %select_n3A_47 : i32
      %select_n3A_54 = arith.select %and3A, %add3A_53, %rem3A : i32
      %eq3A_55 = arith.constant 0 : i32
      %eq3A_56 = arith.cmpi eq, %select_n3A_54, %eq3A_55 : i32
      %ge3A = arith.constant 2 : i32
      %ge3A_57 = arith.cmpi sge, %while3A_41, %ge3A : i32
      %and3A_58 = arith.andi %eq3A_56, %ge3A_57 : i1
      %convert_element_type3A = arith.extui %and3A_58 : i1 to i32
      %cond3A = arith.constant 0 : i32
      %cond3A_59 = arith.cmpi ne, %convert_element_type3A, %cond3A : i32
      scf.if %cond3A_59 {
        %dma_wait3A = arith.constant 1 : i32
        %dma_wait3A_110 = arith.constant 0 : i32
        %dma_wait3A_111 = tpu.memref_slice %arg5[%dma_wait3A, %dma_wait3A_110] : memref<2x128xi32, #tpu.memory_space<vmem>> -> memref<1x128xi32, #tpu.memory_space<vmem>>
        %dma_wait3A_112 = tpu.memref_squeeze %dma_wait3A_111 : memref<1x128xi32, #tpu.memory_space<vmem>> -> memref<128xi32, #tpu.memory_space<vmem>>
        %dma_wait3A_113 = arith.constant 0 : i32
        %dma_wait3A_114 = arith.constant 0 : i32
        %dma_wait3A_115 = tpu.memref_slice %arg10[%dma_wait3A_113, %dma_wait3A_114] : memref<10240x128xf32, #tpu.memory_space<vmem_shared>> -> memref<10240x128xf32, #tpu.memory_space<vmem_shared>>
        tpu.wait_indirect_dma semaphore(%arg13 : memref<!tpu.dma_semaphore, #tpu.memory_space<semaphore_mem>>) src(%arg7 : memref<128x128xf32, #tpu.memory_space<vmem>>) dst(%dma_wait3A_115 : memref<10240x128xf32, #tpu.memory_space<vmem_shared>>)
      } else {
      }
      %lt3A_60 = arith.cmpi slt, %while3A_41, %select_n3A : i32
      %and3A_61 = arith.andi %eq3A_56, %lt3A_60 : i1
      %convert_element_type3A_62 = arith.extui %and3A_61 : i1 to i32
      %cond3A_63 = arith.constant 0 : i32
      %cond3A_64 = arith.cmpi ne, %convert_element_type3A_62, %cond3A_63 : i32
      scf.if %cond3A_64 {
        %add3A_110 = arith.addi %select_n3A_8, %while3A_41 : i32
        "tpu.region"() ({
          %run_scoped3A = tpu.sem_alloc : memref<!tpu.dma_semaphore, #tpu.memory_space<semaphore_mem>>
          %dma_start3A_117 = arith.constant 0 : i32
          %dma_start3A_118 = arith.constant 0 : i32
          %dma_start3A_119 = tpu.memref_slice %arg3[%add3A_110, %dma_start3A_117, %dma_start3A_118] : memref<2528x2x128xi32, #tpu.memory_space<hbm>> -> memref<1x2x128xi32, #tpu.memory_space<hbm>>
          %dma_start3A_120 = tpu.memref_squeeze %dma_start3A_119 : memref<1x2x128xi32, #tpu.memory_space<hbm>> -> memref<2x128xi32, #tpu.memory_space<hbm>>
          %dma_start3A_121 = arith.constant 0 : i32
          %dma_start3A_122 = arith.constant 0 : i32
          %dma_start3A_123 = tpu.memref_slice %arg3[%add3A_110, %dma_start3A_121, %dma_start3A_122] : memref<2528x2x128xi32, #tpu.memory_space<hbm>> -> memref<1x2x128xi32, #tpu.memory_space<hbm>>
          %dma_start3A_124 = tpu.memref_squeeze %dma_start3A_123 : memref<1x2x128xi32, #tpu.memory_space<hbm>> -> memref<2x128xi32, #tpu.memory_space<hbm>>
          tpu.enqueue_dma source(%dma_start3A_124 : memref<2x128xi32, #tpu.memory_space<hbm>>) target(%arg5 : memref<2x128xi32, #tpu.memory_space<vmem>>) target_semaphore(%run_scoped3A : memref<!tpu.dma_semaphore, #tpu.memory_space<semaphore_mem>>)
          %dma_wait3A = arith.constant 0 : i32
          %dma_wait3A_125 = arith.constant 0 : i32
          %dma_wait3A_126 = tpu.memref_slice %arg3[%add3A_110, %dma_wait3A, %dma_wait3A_125] : memref<2528x2x128xi32, #tpu.memory_space<hbm>> -> memref<1x2x128xi32, #tpu.memory_space<hbm>>
          %dma_wait3A_127 = tpu.memref_squeeze %dma_wait3A_126 : memref<1x2x128xi32, #tpu.memory_space<hbm>> -> memref<2x128xi32, #tpu.memory_space<hbm>>
          %dma_wait3A_128 = arith.constant 0 : i32
          %dma_wait3A_129 = arith.constant 0 : i32
          %dma_wait3A_130 = tpu.memref_slice %arg3[%add3A_110, %dma_wait3A_128, %dma_wait3A_129] : memref<2528x2x128xi32, #tpu.memory_space<hbm>> -> memref<1x2x128xi32, #tpu.memory_space<hbm>>
          %dma_wait3A_131 = tpu.memref_squeeze %dma_wait3A_130 : memref<1x2x128xi32, #tpu.memory_space<hbm>> -> memref<2x128xi32, #tpu.memory_space<hbm>>
          tpu.wait_dma2 semaphore(%run_scoped3A : memref<!tpu.dma_semaphore, #tpu.memory_space<semaphore_mem>>) src(%dma_wait3A_131 : memref<2x128xi32, #tpu.memory_space<hbm>>) dst(%arg5 : memref<2x128xi32, #tpu.memory_space<vmem>>)
          tpu.yield
        }) : () -> ()
        %dma_start3A = arith.constant 0 : i32
        %dma_start3A_111 = arith.constant 0 : i32
        %dma_start3A_112 = tpu.memref_slice %arg5[%dma_start3A, %dma_start3A_111] : memref<2x128xi32, #tpu.memory_space<vmem>> -> memref<1x128xi32, #tpu.memory_space<vmem>>
        %dma_start3A_113 = tpu.memref_squeeze %dma_start3A_112 : memref<1x128xi32, #tpu.memory_space<vmem>> -> memref<128xi32, #tpu.memory_space<vmem>>
        %dma_start3A_114 = arith.constant 0 : i32
        %dma_start3A_115 = arith.constant 0 : i32
        %dma_start3A_116 = tpu.memref_slice %arg2[%dma_start3A_114, %dma_start3A_115] : memref<10240x128xf32, #tpu.memory_space<hbm>> -> memref<10240x128xf32, #tpu.memory_space<hbm>>
        tpu.enqueue_indirect_dma source(%dma_start3A_116 : memref<10240x128xf32, #tpu.memory_space<hbm>>) target(%arg7 : memref<128x128xf32, #tpu.memory_space<vmem>>) offsets(%dma_start3A_113 : memref<128xi32, #tpu.memory_space<vmem>>) semaphore(%arg11 : memref<!tpu.dma_semaphore, #tpu.memory_space<semaphore_mem>>)
      } else {
      }
      %ge3A_65 = arith.constant 1 : i32
      %ge3A_66 = arith.cmpi sge, %while3A_41, %ge3A_65 : i32
      %and3A_67 = arith.andi %eq3A_56, %ge3A_66 : i1
      %le3A = arith.cmpi sle, %while3A_41, %select_n3A : i32
      %and3A_68 = arith.andi %and3A_67, %le3A : i1
      %convert_element_type3A_69 = arith.extui %and3A_68 : i1 to i32
      %cond3A_70 = arith.constant 0 : i32
      %cond3A_71 = arith.cmpi ne, %convert_element_type3A_69, %cond3A_70 : i32
      scf.if %cond3A_71 {
        %dma_wait3A = arith.constant 0 : i32
        %dma_wait3A_110 = arith.constant 0 : i32
        %dma_wait3A_111 = tpu.memref_slice %arg6[%dma_wait3A, %dma_wait3A_110] : memref<2x128xi32, #tpu.memory_space<vmem>> -> memref<1x128xi32, #tpu.memory_space<vmem>>
        %dma_wait3A_112 = tpu.memref_squeeze %dma_wait3A_111 : memref<1x128xi32, #tpu.memory_space<vmem>> -> memref<128xi32, #tpu.memory_space<vmem>>
        %dma_wait3A_113 = arith.constant 0 : i32
        %dma_wait3A_114 = arith.constant 0 : i32
        %dma_wait3A_115 = tpu.memref_slice %arg2[%dma_wait3A_113, %dma_wait3A_114] : memref<10240x128xf32, #tpu.memory_space<hbm>> -> memref<10240x128xf32, #tpu.memory_space<hbm>>
        tpu.wait_indirect_dma semaphore(%arg12 : memref<!tpu.dma_semaphore, #tpu.memory_space<semaphore_mem>>) src(%dma_wait3A_115 : memref<10240x128xf32, #tpu.memory_space<hbm>>) dst(%arg8 : memref<128x128xf32, #tpu.memory_space<vmem>>)
        %dma_start3A = arith.constant 1 : i32
        %dma_start3A_116 = arith.constant 0 : i32
        %dma_start3A_117 = tpu.memref_slice %arg6[%dma_start3A, %dma_start3A_116] : memref<2x128xi32, #tpu.memory_space<vmem>> -> memref<1x128xi32, #tpu.memory_space<vmem>>
        %dma_start3A_118 = tpu.memref_squeeze %dma_start3A_117 : memref<1x128xi32, #tpu.memory_space<vmem>> -> memref<128xi32, #tpu.memory_space<vmem>>
        %dma_start3A_119 = arith.constant 0 : i32
        %dma_start3A_120 = arith.constant 0 : i32
        %dma_start3A_121 = tpu.memref_slice %arg10[%dma_start3A_119, %dma_start3A_120] : memref<10240x128xf32, #tpu.memory_space<vmem_shared>> -> memref<10240x128xf32, #tpu.memory_space<vmem_shared>>
        tpu.enqueue_indirect_dma source(%arg8 : memref<128x128xf32, #tpu.memory_space<vmem>>) target(%dma_start3A_121 : memref<10240x128xf32, #tpu.memory_space<vmem_shared>>) offsets(%dma_start3A_118 : memref<128xi32, #tpu.memory_space<vmem>>) semaphore(%arg14 : memref<!tpu.dma_semaphore, #tpu.memory_space<semaphore_mem>>) {add = true}
      } else {
      }
      %jit3A_72 = arith.constant 2 : i32
      %eq3A_73 = arith.constant 0 : i32
      %eq3A_74 = arith.cmpi eq, %jit3A_72, %eq3A_73 : i32
      %jit3A_75 = arith.constant 1 : i32
      %select_n3A_76 = arith.select %eq3A_74, %jit3A_75, %jit3A_72 : i32
      %rem3A_77 = arith.remsi %while3A_41, %select_n3A_76 : i32
      %ne3A_78 = arith.constant 0 : i32
      %ne3A_79 = arith.cmpi ne, %rem3A_77, %ne3A_78 : i32
      %lt3A_80 = arith.constant 0 : i32
      %lt3A_81 = arith.cmpi slt, %rem3A_77, %lt3A_80 : i32
      %lt3A_82 = arith.constant 0 : i32
      %lt3A_83 = arith.cmpi slt, %select_n3A_76, %lt3A_82 : i32
      %ne3A_84 = arith.xori %lt3A_81, %lt3A_83 : i1
      %and3A_85 = arith.andi %ne3A_84, %ne3A_79 : i1
      %add3A_86 = arith.addi %rem3A_77, %select_n3A_76 : i32
      %select_n3A_87 = arith.select %and3A_85, %add3A_86, %rem3A_77 : i32
      %eq3A_88 = arith.constant 1 : i32
      %eq3A_89 = arith.cmpi eq, %select_n3A_87, %eq3A_88 : i32
      %ge3A_90 = arith.constant 2 : i32
      %ge3A_91 = arith.cmpi sge, %while3A_41, %ge3A_90 : i32
      %and3A_92 = arith.andi %eq3A_89, %ge3A_91 : i1
      %convert_element_type3A_93 = arith.extui %and3A_92 : i1 to i32
      %cond3A_94 = arith.constant 0 : i32
      %cond3A_95 = arith.cmpi ne, %convert_element_type3A_93, %cond3A_94 : i32
      scf.if %cond3A_95 {
        %dma_wait3A = arith.constant 1 : i32
        %dma_wait3A_110 = arith.constant 0 : i32
        %dma_wait3A_111 = tpu.memref_slice %arg6[%dma_wait3A, %dma_wait3A_110] : memref<2x128xi32, #tpu.memory_space<vmem>> -> memref<1x128xi32, #tpu.memory_space<vmem>>
        %dma_wait3A_112 = tpu.memref_squeeze %dma_wait3A_111 : memref<1x128xi32, #tpu.memory_space<vmem>> -> memref<128xi32, #tpu.memory_space<vmem>>
        %dma_wait3A_113 = arith.constant 0 : i32
        %dma_wait3A_114 = arith.constant 0 : i32
        %dma_wait3A_115 = tpu.memref_slice %arg10[%dma_wait3A_113, %dma_wait3A_114] : memref<10240x128xf32, #tpu.memory_space<vmem_shared>> -> memref<10240x128xf32, #tpu.memory_space<vmem_shared>>
        tpu.wait_indirect_dma semaphore(%arg14 : memref<!tpu.dma_semaphore, #tpu.memory_space<semaphore_mem>>) src(%arg8 : memref<128x128xf32, #tpu.memory_space<vmem>>) dst(%dma_wait3A_115 : memref<10240x128xf32, #tpu.memory_space<vmem_shared>>)
      } else {
      }
      %lt3A_96 = arith.cmpi slt, %while3A_41, %select_n3A : i32
      %and3A_97 = arith.andi %eq3A_89, %lt3A_96 : i1
      %convert_element_type3A_98 = arith.extui %and3A_97 : i1 to i32
      %cond3A_99 = arith.constant 0 : i32
      %cond3A_100 = arith.cmpi ne, %convert_element_type3A_98, %cond3A_99 : i32
      scf.if %cond3A_100 {
        %add3A_110 = arith.addi %select_n3A_8, %while3A_41 : i32
        "tpu.region"() ({
          %run_scoped3A = tpu.sem_alloc : memref<!tpu.dma_semaphore, #tpu.memory_space<semaphore_mem>>
          %dma_start3A_117 = arith.constant 0 : i32
          %dma_start3A_118 = arith.constant 0 : i32
          %dma_start3A_119 = tpu.memref_slice %arg3[%add3A_110, %dma_start3A_117, %dma_start3A_118] : memref<2528x2x128xi32, #tpu.memory_space<hbm>> -> memref<1x2x128xi32, #tpu.memory_space<hbm>>
          %dma_start3A_120 = tpu.memref_squeeze %dma_start3A_119 : memref<1x2x128xi32, #tpu.memory_space<hbm>> -> memref<2x128xi32, #tpu.memory_space<hbm>>
          %dma_start3A_121 = arith.constant 0 : i32
          %dma_start3A_122 = arith.constant 0 : i32
          %dma_start3A_123 = tpu.memref_slice %arg3[%add3A_110, %dma_start3A_121, %dma_start3A_122] : memref<2528x2x128xi32, #tpu.memory_space<hbm>> -> memref<1x2x128xi32, #tpu.memory_space<hbm>>
          %dma_start3A_124 = tpu.memref_squeeze %dma_start3A_123 : memref<1x2x128xi32, #tpu.memory_space<hbm>> -> memref<2x128xi32, #tpu.memory_space<hbm>>
          tpu.enqueue_dma source(%dma_start3A_124 : memref<2x128xi32, #tpu.memory_space<hbm>>) target(%arg6 : memref<2x128xi32, #tpu.memory_space<vmem>>) target_semaphore(%run_scoped3A : memref<!tpu.dma_semaphore, #tpu.memory_space<semaphore_mem>>)
          %dma_wait3A = arith.constant 0 : i32
          %dma_wait3A_125 = arith.constant 0 : i32
          %dma_wait3A_126 = tpu.memref_slice %arg3[%add3A_110, %dma_wait3A, %dma_wait3A_125] : memref<2528x2x128xi32, #tpu.memory_space<hbm>> -> memref<1x2x128xi32, #tpu.memory_space<hbm>>
          %dma_wait3A_127 = tpu.memref_squeeze %dma_wait3A_126 : memref<1x2x128xi32, #tpu.memory_space<hbm>> -> memref<2x128xi32, #tpu.memory_space<hbm>>
          %dma_wait3A_128 = arith.constant 0 : i32
          %dma_wait3A_129 = arith.constant 0 : i32
          %dma_wait3A_130 = tpu.memref_slice %arg3[%add3A_110, %dma_wait3A_128, %dma_wait3A_129] : memref<2528x2x128xi32, #tpu.memory_space<hbm>> -> memref<1x2x128xi32, #tpu.memory_space<hbm>>
          %dma_wait3A_131 = tpu.memref_squeeze %dma_wait3A_130 : memref<1x2x128xi32, #tpu.memory_space<hbm>> -> memref<2x128xi32, #tpu.memory_space<hbm>>
          tpu.wait_dma2 semaphore(%run_scoped3A : memref<!tpu.dma_semaphore, #tpu.memory_space<semaphore_mem>>) src(%dma_wait3A_131 : memref<2x128xi32, #tpu.memory_space<hbm>>) dst(%arg6 : memref<2x128xi32, #tpu.memory_space<vmem>>)
          tpu.yield
        }) : () -> ()
        %dma_start3A = arith.constant 0 : i32
        %dma_start3A_111 = arith.constant 0 : i32
        %dma_start3A_112 = tpu.memref_slice %arg6[%dma_start3A, %dma_start3A_111] : memref<2x128xi32, #tpu.memory_space<vmem>> -> memref<1x128xi32, #tpu.memory_space<vmem>>
        %dma_start3A_113 = tpu.memref_squeeze %dma_start3A_112 : memref<1x128xi32, #tpu.memory_space<vmem>> -> memref<128xi32, #tpu.memory_space<vmem>>
        %dma_start3A_114 = arith.constant 0 : i32
        %dma_start3A_115 = arith.constant 0 : i32
        %dma_start3A_116 = tpu.memref_slice %arg2[%dma_start3A_114, %dma_start3A_115] : memref<10240x128xf32, #tpu.memory_space<hbm>> -> memref<10240x128xf32, #tpu.memory_space<hbm>>
        tpu.enqueue_indirect_dma source(%dma_start3A_116 : memref<10240x128xf32, #tpu.memory_space<hbm>>) target(%arg8 : memref<128x128xf32, #tpu.memory_space<vmem>>) offsets(%dma_start3A_113 : memref<128xi32, #tpu.memory_space<vmem>>) semaphore(%arg12 : memref<!tpu.dma_semaphore, #tpu.memory_space<semaphore_mem>>)
      } else {
      }
      %ge3A_101 = arith.constant 1 : i32
      %ge3A_102 = arith.cmpi sge, %while3A_41, %ge3A_101 : i32
      %and3A_103 = arith.andi %eq3A_89, %ge3A_102 : i1
      %le3A_104 = arith.cmpi sle, %while3A_41, %select_n3A : i32
      %and3A_105 = arith.andi %and3A_103, %le3A_104 : i1
      %convert_element_type3A_106 = arith.extui %and3A_105 : i1 to i32
      %cond3A_107 = arith.constant 0 : i32
      %cond3A_108 = arith.cmpi ne, %convert_element_type3A_106, %cond3A_107 : i32
      scf.if %cond3A_108 {
        %dma_wait3A = arith.constant 0 : i32
        %dma_wait3A_110 = arith.constant 0 : i32
        %dma_wait3A_111 = tpu.memref_slice %arg5[%dma_wait3A, %dma_wait3A_110] : memref<2x128xi32, #tpu.memory_space<vmem>> -> memref<1x128xi32, #tpu.memory_space<vmem>>
        %dma_wait3A_112 = tpu.memref_squeeze %dma_wait3A_111 : memref<1x128xi32, #tpu.memory_space<vmem>> -> memref<128xi32, #tpu.memory_space<vmem>>
        %dma_wait3A_113 = arith.constant 0 : i32
        %dma_wait3A_114 = arith.constant 0 : i32
        %dma_wait3A_115 = tpu.memref_slice %arg2[%dma_wait3A_113, %dma_wait3A_114] : memref<10240x128xf32, #tpu.memory_space<hbm>> -> memref<10240x128xf32, #tpu.memory_space<hbm>>
        tpu.wait_indirect_dma semaphore(%arg11 : memref<!tpu.dma_semaphore, #tpu.memory_space<semaphore_mem>>) src(%dma_wait3A_115 : memref<10240x128xf32, #tpu.memory_space<hbm>>) dst(%arg7 : memref<128x128xf32, #tpu.memory_space<vmem>>)
        %dma_start3A = arith.constant 1 : i32
        %dma_start3A_116 = arith.constant 0 : i32
        %dma_start3A_117 = tpu.memref_slice %arg5[%dma_start3A, %dma_start3A_116] : memref<2x128xi32, #tpu.memory_space<vmem>> -> memref<1x128xi32, #tpu.memory_space<vmem>>
        %dma_start3A_118 = tpu.memref_squeeze %dma_start3A_117 : memref<1x128xi32, #tpu.memory_space<vmem>> -> memref<128xi32, #tpu.memory_space<vmem>>
        %dma_start3A_119 = arith.constant 0 : i32
        %dma_start3A_120 = arith.constant 0 : i32
        %dma_start3A_121 = tpu.memref_slice %arg10[%dma_start3A_119, %dma_start3A_120] : memref<10240x128xf32, #tpu.memory_space<vmem_shared>> -> memref<10240x128xf32, #tpu.memory_space<vmem_shared>>
        tpu.enqueue_indirect_dma source(%arg7 : memref<128x128xf32, #tpu.memory_space<vmem>>) target(%dma_start3A_121 : memref<10240x128xf32, #tpu.memory_space<vmem_shared>>) offsets(%dma_start3A_118 : memref<128xi32, #tpu.memory_space<vmem>>) semaphore(%arg13 : memref<!tpu.dma_semaphore, #tpu.memory_space<semaphore_mem>>) {add = true}
      } else {
      }
      %while3A_109 = arith.constant 0 : i32
      scf.yield %while3A_109 : i32
    }
    %barrier3A_36 = arith.constant 0 : index
    tpu.barrier barrier_id(%barrier3A_36)
    %mul3A_37 = arith.constant 640 : i32
    %mul3A_38 = arith.muli %arg1, %mul3A_37 : i32
    %mul3A_39 = arith.constant 640 : i32
    %mul3A_40 = arith.muli %arg1, %mul3A_39 : i32
    "tpu.region"() ({
      %run_scoped3A = tpu.sem_alloc : memref<!tpu.dma_semaphore, #tpu.memory_space<semaphore_mem>>
      %dma_start3A = arith.constant 0 : i32
      %dma_start3A_41 = tpu.memref_slice %arg4[%arg0, %mul3A_40, %dma_start3A] : memref<2x10240x128xf32, #tpu.memory_space<hbm>> -> memref<1x640x128xf32, #tpu.memory_space<hbm>>
      %dma_start3A_42 = tpu.memref_squeeze %dma_start3A_41 : memref<1x640x128xf32, #tpu.memory_space<hbm>> -> memref<640x128xf32, #tpu.memory_space<hbm>>
      %dma_start3A_43 = arith.constant 0 : i32
      %dma_start3A_44 = tpu.memref_slice %arg10[%mul3A_38, %dma_start3A_43] : memref<10240x128xf32, #tpu.memory_space<vmem_shared>> -> memref<640x128xf32, #tpu.memory_space<vmem_shared>>
      tpu.enqueue_dma source(%dma_start3A_44 : memref<640x128xf32, #tpu.memory_space<vmem_shared>>) target(%dma_start3A_42 : memref<640x128xf32, #tpu.memory_space<hbm>>) target_semaphore(%run_scoped3A : memref<!tpu.dma_semaphore, #tpu.memory_space<semaphore_mem>>)
      %dma_wait3A = arith.constant 0 : i32
      %dma_wait3A_45 = tpu.memref_slice %arg4[%arg0, %mul3A_40, %dma_wait3A] : memref<2x10240x128xf32, #tpu.memory_space<hbm>> -> memref<1x640x128xf32, #tpu.memory_space<hbm>>
      %dma_wait3A_46 = tpu.memref_squeeze %dma_wait3A_45 : memref<1x640x128xf32, #tpu.memory_space<hbm>> -> memref<640x128xf32, #tpu.memory_space<hbm>>
      %dma_wait3A_47 = arith.constant 0 : i32
      %dma_wait3A_48 = tpu.memref_slice %arg10[%mul3A_38, %dma_wait3A_47] : memref<10240x128xf32, #tpu.memory_space<vmem_shared>> -> memref<640x128xf32, #tpu.memory_space<vmem_shared>>
      tpu.wait_dma2 semaphore(%run_scoped3A : memref<!tpu.dma_semaphore, #tpu.memory_space<semaphore_mem>>) src(%dma_wait3A_48 : memref<640x128xf32, #tpu.memory_space<vmem_shared>>) dst(%dma_wait3A_46 : memref<640x128xf32, #tpu.memory_space<hbm>>)
      tpu.yield
    }) : () -> ()
    return
  }
}

#map = affine_map<(d0, d1) -> (0, 0)>
#map1 = affine_map<(d0, d1) -> (0, 0, 0)>
module attributes {stable_mosaic.version = 14 : i64} {
  func.func @agg_kernel(%arg0: i32, %arg1: i32, %arg2: memref<10240x128xf32, #tpu.memory_space<hbm>>, %arg3: memref<2528x2x128xi32, #tpu.memory_space<hbm>>, %arg4: memref<2x10240x128xf32, #tpu.memory_space<hbm>>, %arg5: memref<2x128xi32, #tpu.memory_space<vmem>>, %arg6: memref<2x128xi32, #tpu.memory_space<vmem>>, %arg7: memref<128x128xf32, #tpu.memory_space<vmem>>, %arg8: memref<128x128xf32, #tpu.memory_space<vmem>>, %arg9: memref<64x128xf32, #tpu.memory_space<vmem>>, %arg10: memref<10240x128xf32, #tpu.memory_space<vmem_shared>>, %arg11: memref<!tpu.dma_semaphore, #tpu.memory_space<semaphore_mem>>, %arg12: memref<!tpu.dma_semaphore, #tpu.memory_space<semaphore_mem>>, %arg13: memref<!tpu.dma_semaphore, #tpu.memory_space<semaphore_mem>>, %arg14: memref<!tpu.dma_semaphore, #tpu.memory_space<semaphore_mem>>) attributes {dimension_semantics = [#tpu.dimension_semantics<core_parallel>, #tpu.dimension_semantics<subcore_parallel>], iteration_bounds = array<i64: 2, 16>, scalar_prefetch = 0 : i64, scratch_operands = 10 : i64, tpu.core_type = #tpu.core_type<sc_vector_subcore>, window_params = [{transform_indices = #map}, {transform_indices = #map1}, {transform_indices = #map1}]} {
    %eq3A = arith.constant 0 : i32
    %eq3A_0 = arith.cmpi eq, %arg0, %eq3A : i32
    %jit3A = arith.constant 138 : i32
    %jit3A_1 = arith.constant 20 : i32
    %select_n3A = arith.select %eq3A_0, %jit3A, %jit3A_1 : i32
    %eq3A_2 = arith.constant 0 : i32
    %eq3A_3 = arith.cmpi eq, %arg0, %eq3A_2 : i32
    %mul3A = arith.constant 138 : i32
    %mul3A_4 = arith.muli %arg1, %mul3A : i32
    %mul3A_5 = arith.constant 20 : i32
    %mul3A_6 = arith.muli %arg1, %mul3A_5 : i32
    %add3A = arith.constant 2208 : i32
    %add3A_7 = arith.addi %add3A, %mul3A_6 : i32
    %select_n3A_8 = arith.select %eq3A_3, %mul3A_4, %add3A_7 : i32
    %broadcast_in_dim3A = arith.constant 0.000000e+00 : f32
    %broadcast_in_dim3A_9 = vector.broadcast %broadcast_in_dim3A : f32 to vector<16xf32>
    %scan3A = arith.constant 0 : i32
    %scan3A_10 = arith.constant 0 : i32
    %scan3A_11 = arith.constant 64 : i32
    %scan3A_12 = arith.addi %scan3A_10, %scan3A_11 : i32
    %scan3A_13 = arith.constant 1 : i32
    %scan3A_14 = scf.for %scan3A_41 = %scan3A_10 to %scan3A_12 step %scan3A_13 iter_args(%scan3A_42 = %scan3A) -> (i32)  : i32 {
      %scan3A_43 = arith.constant 0 : i32
      %scan3A_44 = arith.constant 0 : i32
      %scan3A_45 = arith.constant 8 : i32
      %scan3A_46 = arith.addi %scan3A_44, %scan3A_45 : i32
      %scan3A_47 = arith.constant 1 : i32
      %scan3A_48 = scf.for %scan3A_51 = %scan3A_44 to %scan3A_46 step %scan3A_47 iter_args(%scan3A_52 = %scan3A_43) -> (i32)  : i32 {
        %mul3A_53 = arith.constant 16 : i32
        %mul3A_54 = arith.muli %scan3A_51, %mul3A_53 : i32
        %swap3A = arith.index_cast %scan3A_41 : i32 to index
        %swap3A_55 = arith.index_cast %mul3A_54 : i32 to index
        %swap3A_56 = tpu.vector_load %arg9[%swap3A, %swap3A_55] {strides = array<i32>} : memref<64x128xf32, #tpu.memory_space<vmem>>, vector<1x16xf32>,
        %swap3A_57 = vector.shape_cast %swap3A_56 : vector<1x16xf32> to vector<16xf32>
        %swap3A_58 = vector.shape_cast %broadcast_in_dim3A_9 : vector<16xf32> to vector<1x16xf32>
        tpu.vector_store %arg9[%swap3A, %swap3A_55], %swap3A_58 {strides = array<i32>} : memref<64x128xf32, #tpu.memory_space<vmem>>, vector<1x16xf32>,
        %scan3A_59 = arith.constant 0 : i32
        scf.yield %scan3A_59 : i32
      }
      %scan3A_49 = arith.constant 8 : i32
      %scan3A_50 = arith.constant 0 : i32
      scf.yield %scan3A_50 : i32
    }
    %scan3A_15 = arith.constant 64 : i32
    %scan3A_16 = arith.constant 0 : i32
    %scan3A_17 = arith.constant 0 : i32
    %scan3A_18 = arith.constant 10 : i32
    %scan3A_19 = arith.addi %scan3A_17, %scan3A_18 : i32
    %scan3A_20 = arith.constant 1 : i32
    %scan3A_21 = scf.for %scan3A_41 = %scan3A_17 to %scan3A_19 step %scan3A_20 iter_args(%scan3A_42 = %scan3A_16) -> (i32)  : i32 {
      %mul3A_43 = arith.constant 640 : i32
      %mul3A_44 = arith.muli %arg1, %mul3A_43 : i32
      %mul3A_45 = arith.constant 64 : i32
      %mul3A_46 = arith.muli %scan3A_41, %mul3A_45 : i32
      %add3A_47 = arith.addi %mul3A_44, %mul3A_46 : i32
      "tpu.region"() ({
        %run_scoped3A = tpu.sem_alloc : memref<!tpu.dma_semaphore, #tpu.memory_space<semaphore_mem>>
        %dma_start3A = arith.constant 0 : i32
        %dma_start3A_49 = tpu.memref_slice %arg10[%add3A_47, %dma_start3A] : memref<10240x128xf32, #tpu.memory_space<vmem_shared>> -> memref<64x128xf32, #tpu.memory_space<vmem_shared>>
        %dma_start3A_50 = arith.constant 0 : i32
        %dma_start3A_51 = tpu.memref_slice %arg10[%add3A_47, %dma_start3A_50] : memref<10240x128xf32, #tpu.memory_space<vmem_shared>> -> memref<64x128xf32, #tpu.memory_space<vmem_shared>>
        tpu.enqueue_dma source(%arg9 : memref<64x128xf32, #tpu.memory_space<vmem>>) target(%dma_start3A_51 : memref<64x128xf32, #tpu.memory_space<vmem_shared>>) target_semaphore(%run_scoped3A : memref<!tpu.dma_semaphore, #tpu.memory_space<semaphore_mem>>)
        %dma_wait3A = arith.constant 0 : i32
        %dma_wait3A_52 = tpu.memref_slice %arg10[%add3A_47, %dma_wait3A] : memref<10240x128xf32, #tpu.memory_space<vmem_shared>> -> memref<64x128xf32, #tpu.memory_space<vmem_shared>>
        %dma_wait3A_53 = arith.constant 0 : i32
        %dma_wait3A_54 = tpu.memref_slice %arg10[%add3A_47, %dma_wait3A_53] : memref<10240x128xf32, #tpu.memory_space<vmem_shared>> -> memref<64x128xf32, #tpu.memory_space<vmem_shared>>
        tpu.wait_dma2 semaphore(%run_scoped3A : memref<!tpu.dma_semaphore, #tpu.memory_space<semaphore_mem>>) src(%arg9 : memref<64x128xf32, #tpu.memory_space<vmem>>) dst(%dma_wait3A_54 : memref<64x128xf32, #tpu.memory_space<vmem_shared>>)
        tpu.yield
      }) : () -> ()
      %scan3A_48 = arith.constant 0 : i32
      scf.yield %scan3A_48 : i32
    }
    %scan3A_22 = arith.constant 10 : i32
    %barrier3A = arith.constant 0 : index
    tpu.barrier barrier_id(%barrier3A)
    %add3A_23 = arith.constant 2 : i32
    %add3A_24 = arith.addi %select_n3A, %add3A_23 : i32
    %while3A = arith.constant 0 : i32
    %while3A_25 = arith.constant 0 : i32
    %while3A_26 = arith.subi %add3A_24, %while3A : i32
    %while3A_27 = arith.addi %while3A, %while3A_26 : i32
    %while3A_28 = arith.constant 1 : i32
    %while3A_29 = arith.divsi %while3A_26, %while3A_28 : i32
    %while3A_30 = arith.muli %while3A_29, %while3A_28 : i32
    %while3A_31 = arith.addi %while3A, %while3A_30 : i32
    %while3A_32 = arith.constant 1 : i32
    %while3A_33 = scf.for %while3A_41 = %while3A to %while3A_31 step %while3A_32 iter_args(%while3A_42 = %while3A_25) -> (i32)  : i32 {
      %jit3A_43 = arith.constant 2 : i32
      %eq3A_44 = arith.constant 0 : i32
      %eq3A_45 = arith.cmpi eq, %jit3A_43, %eq3A_44 : i32
      %jit3A_46 = arith.constant 1 : i32
      %select_n3A_47 = arith.select %eq3A_45, %jit3A_46, %jit3A_43 : i32
      %rem3A = arith.remsi %while3A_41, %select_n3A_47 : i32
      %ne3A = arith.constant 0 : i32
      %ne3A_48 = arith.cmpi ne, %rem3A, %ne3A : i32
      %lt3A = arith.constant 0 : i32
      %lt3A_49 = arith.cmpi slt, %rem3A, %lt3A : i32
      %lt3A_50 = arith.constant 0 : i32
      %lt3A_51 = arith.cmpi slt, %select_n3A_47, %lt3A_50 : i32
      %ne3A_52 = arith.xori %lt3A_49, %lt3A_51 : i1
      %and3A = arith.andi %ne3A_52, %ne3A_48 : i1
      %add3A_53 = arith.addi %rem3A, %select_n3A_47 : i32
      %select_n3A_54 = arith.select %and3A, %add3A_53, %rem3A : i32
      %eq3A_55 = arith.constant 0 : i32
      %eq3A_56 = arith.cmpi eq, %select_n3A_54, %eq3A_55 : i32
      %ge3A = arith.constant 2 : i32
      %ge3A_57 = arith.cmpi sge, %while3A_41, %ge3A : i32
      %and3A_58 = arith.andi %eq3A_56, %ge3A_57 : i1
      %convert_element_type3A = arith.extui %and3A_58 : i1 to i32
      %cond3A = arith.constant 0 : i32
      %cond3A_59 = arith.cmpi ne, %convert_element_type3A, %cond3A : i32
      scf.if %cond3A_59 {
        %dma_wait3A = arith.constant 1 : i32
        %dma_wait3A_110 = arith.constant 0 : i32
        %dma_wait3A_111 = tpu.memref_slice %arg5[%dma_wait3A, %dma_wait3A_110] : memref<2x128xi32, #tpu.memory_space<vmem>> -> memref<1x128xi32, #tpu.memory_space<vmem>>
        %dma_wait3A_112 = tpu.memref_squeeze %dma_wait3A_111 : memref<1x128xi32, #tpu.memory_space<vmem>> -> memref<128xi32, #tpu.memory_space<vmem>>
        %dma_wait3A_113 = arith.constant 0 : i32
        %dma_wait3A_114 = arith.constant 0 : i32
        %dma_wait3A_115 = tpu.memref_slice %arg10[%dma_wait3A_113, %dma_wait3A_114] : memref<10240x128xf32, #tpu.memory_space<vmem_shared>> -> memref<10240x128xf32, #tpu.memory_space<vmem_shared>>
        tpu.wait_indirect_dma semaphore(%arg13 : memref<!tpu.dma_semaphore, #tpu.memory_space<semaphore_mem>>) src(%arg7 : memref<128x128xf32, #tpu.memory_space<vmem>>) dst(%dma_wait3A_115 : memref<10240x128xf32, #tpu.memory_space<vmem_shared>>)
      } else {
      }
      %lt3A_60 = arith.cmpi slt, %while3A_41, %select_n3A : i32
      %and3A_61 = arith.andi %eq3A_56, %lt3A_60 : i1
      %convert_element_type3A_62 = arith.extui %and3A_61 : i1 to i32
      %cond3A_63 = arith.constant 0 : i32
      %cond3A_64 = arith.cmpi ne, %convert_element_type3A_62, %cond3A_63 : i32
      scf.if %cond3A_64 {
        %add3A_110 = arith.addi %select_n3A_8, %while3A_41 : i32
        "tpu.region"() ({
          %run_scoped3A = tpu.sem_alloc : memref<!tpu.dma_semaphore, #tpu.memory_space<semaphore_mem>>
          %dma_start3A_117 = arith.constant 0 : i32
          %dma_start3A_118 = arith.constant 0 : i32
          %dma_start3A_119 = tpu.memref_slice %arg3[%add3A_110, %dma_start3A_117, %dma_start3A_118] : memref<2528x2x128xi32, #tpu.memory_space<hbm>> -> memref<1x2x128xi32, #tpu.memory_space<hbm>>
          %dma_start3A_120 = tpu.memref_squeeze %dma_start3A_119 : memref<1x2x128xi32, #tpu.memory_space<hbm>> -> memref<2x128xi32, #tpu.memory_space<hbm>>
          %dma_start3A_121 = arith.constant 0 : i32
          %dma_start3A_122 = arith.constant 0 : i32
          %dma_start3A_123 = tpu.memref_slice %arg3[%add3A_110, %dma_start3A_121, %dma_start3A_122] : memref<2528x2x128xi32, #tpu.memory_space<hbm>> -> memref<1x2x128xi32, #tpu.memory_space<hbm>>
          %dma_start3A_124 = tpu.memref_squeeze %dma_start3A_123 : memref<1x2x128xi32, #tpu.memory_space<hbm>> -> memref<2x128xi32, #tpu.memory_space<hbm>>
          tpu.enqueue_dma source(%dma_start3A_124 : memref<2x128xi32, #tpu.memory_space<hbm>>) target(%arg5 : memref<2x128xi32, #tpu.memory_space<vmem>>) target_semaphore(%run_scoped3A : memref<!tpu.dma_semaphore, #tpu.memory_space<semaphore_mem>>)
          %dma_wait3A = arith.constant 0 : i32
          %dma_wait3A_125 = arith.constant 0 : i32
          %dma_wait3A_126 = tpu.memref_slice %arg3[%add3A_110, %dma_wait3A, %dma_wait3A_125] : memref<2528x2x128xi32, #tpu.memory_space<hbm>> -> memref<1x2x128xi32, #tpu.memory_space<hbm>>
          %dma_wait3A_127 = tpu.memref_squeeze %dma_wait3A_126 : memref<1x2x128xi32, #tpu.memory_space<hbm>> -> memref<2x128xi32, #tpu.memory_space<hbm>>
          %dma_wait3A_128 = arith.constant 0 : i32
          %dma_wait3A_129 = arith.constant 0 : i32
          %dma_wait3A_130 = tpu.memref_slice %arg3[%add3A_110, %dma_wait3A_128, %dma_wait3A_129] : memref<2528x2x128xi32, #tpu.memory_space<hbm>> -> memref<1x2x128xi32, #tpu.memory_space<hbm>>
          %dma_wait3A_131 = tpu.memref_squeeze %dma_wait3A_130 : memref<1x2x128xi32, #tpu.memory_space<hbm>> -> memref<2x128xi32, #tpu.memory_space<hbm>>
          tpu.wait_dma2 semaphore(%run_scoped3A : memref<!tpu.dma_semaphore, #tpu.memory_space<semaphore_mem>>) src(%dma_wait3A_131 : memref<2x128xi32, #tpu.memory_space<hbm>>) dst(%arg5 : memref<2x128xi32, #tpu.memory_space<vmem>>)
          tpu.yield
        }) : () -> ()
        %dma_start3A = arith.constant 0 : i32
        %dma_start3A_111 = arith.constant 0 : i32
        %dma_start3A_112 = tpu.memref_slice %arg5[%dma_start3A, %dma_start3A_111] : memref<2x128xi32, #tpu.memory_space<vmem>> -> memref<1x128xi32, #tpu.memory_space<vmem>>
        %dma_start3A_113 = tpu.memref_squeeze %dma_start3A_112 : memref<1x128xi32, #tpu.memory_space<vmem>> -> memref<128xi32, #tpu.memory_space<vmem>>
        %dma_start3A_114 = arith.constant 0 : i32
        %dma_start3A_115 = arith.constant 0 : i32
        %dma_start3A_116 = tpu.memref_slice %arg2[%dma_start3A_114, %dma_start3A_115] : memref<10240x128xf32, #tpu.memory_space<hbm>> -> memref<10240x128xf32, #tpu.memory_space<hbm>>
        tpu.enqueue_indirect_dma source(%dma_start3A_116 : memref<10240x128xf32, #tpu.memory_space<hbm>>) target(%arg7 : memref<128x128xf32, #tpu.memory_space<vmem>>) offsets(%dma_start3A_113 : memref<128xi32, #tpu.memory_space<vmem>>) semaphore(%arg11 : memref<!tpu.dma_semaphore, #tpu.memory_space<semaphore_mem>>)
      } else {
      }
      %ge3A_65 = arith.constant 1 : i32
      %ge3A_66 = arith.cmpi sge, %while3A_41, %ge3A_65 : i32
      %and3A_67 = arith.andi %eq3A_56, %ge3A_66 : i1
      %le3A = arith.cmpi sle, %while3A_41, %select_n3A : i32
      %and3A_68 = arith.andi %and3A_67, %le3A : i1
      %convert_element_type3A_69 = arith.extui %and3A_68 : i1 to i32
      %cond3A_70 = arith.constant 0 : i32
      %cond3A_71 = arith.cmpi ne, %convert_element_type3A_69, %cond3A_70 : i32
      scf.if %cond3A_71 {
        %dma_wait3A = arith.constant 0 : i32
        %dma_wait3A_110 = arith.constant 0 : i32
        %dma_wait3A_111 = tpu.memref_slice %arg6[%dma_wait3A, %dma_wait3A_110] : memref<2x128xi32, #tpu.memory_space<vmem>> -> memref<1x128xi32, #tpu.memory_space<vmem>>
        %dma_wait3A_112 = tpu.memref_squeeze %dma_wait3A_111 : memref<1x128xi32, #tpu.memory_space<vmem>> -> memref<128xi32, #tpu.memory_space<vmem>>
        %dma_wait3A_113 = arith.constant 0 : i32
        %dma_wait3A_114 = arith.constant 0 : i32
        %dma_wait3A_115 = tpu.memref_slice %arg2[%dma_wait3A_113, %dma_wait3A_114] : memref<10240x128xf32, #tpu.memory_space<hbm>> -> memref<10240x128xf32, #tpu.memory_space<hbm>>
        tpu.wait_indirect_dma semaphore(%arg12 : memref<!tpu.dma_semaphore, #tpu.memory_space<semaphore_mem>>) src(%dma_wait3A_115 : memref<10240x128xf32, #tpu.memory_space<hbm>>) dst(%arg8 : memref<128x128xf32, #tpu.memory_space<vmem>>)
        %dma_start3A = arith.constant 1 : i32
        %dma_start3A_116 = arith.constant 0 : i32
        %dma_start3A_117 = tpu.memref_slice %arg6[%dma_start3A, %dma_start3A_116] : memref<2x128xi32, #tpu.memory_space<vmem>> -> memref<1x128xi32, #tpu.memory_space<vmem>>
        %dma_start3A_118 = tpu.memref_squeeze %dma_start3A_117 : memref<1x128xi32, #tpu.memory_space<vmem>> -> memref<128xi32, #tpu.memory_space<vmem>>
        %dma_start3A_119 = arith.constant 0 : i32
        %dma_start3A_120 = arith.constant 0 : i32
        %dma_start3A_121 = tpu.memref_slice %arg10[%dma_start3A_119, %dma_start3A_120] : memref<10240x128xf32, #tpu.memory_space<vmem_shared>> -> memref<10240x128xf32, #tpu.memory_space<vmem_shared>>
        tpu.enqueue_indirect_dma source(%arg8 : memref<128x128xf32, #tpu.memory_space<vmem>>) target(%dma_start3A_121 : memref<10240x128xf32, #tpu.memory_space<vmem_shared>>) offsets(%dma_start3A_118 : memref<128xi32, #tpu.memory_space<vmem>>) semaphore(%arg14 : memref<!tpu.dma_semaphore, #tpu.memory_space<semaphore_mem>>) {add = true}
      } else {
      }
      %jit3A_72 = arith.constant 2 : i32
      %eq3A_73 = arith.constant 0 : i32
      %eq3A_74 = arith.cmpi eq, %jit3A_72, %eq3A_73 : i32
      %jit3A_75 = arith.constant 1 : i32
      %select_n3A_76 = arith.select %eq3A_74, %jit3A_75, %jit3A_72 : i32
      %rem3A_77 = arith.remsi %while3A_41, %select_n3A_76 : i32
      %ne3A_78 = arith.constant 0 : i32
      %ne3A_79 = arith.cmpi ne, %rem3A_77, %ne3A_78 : i32
      %lt3A_80 = arith.constant 0 : i32
      %lt3A_81 = arith.cmpi slt, %rem3A_77, %lt3A_80 : i32
      %lt3A_82 = arith.constant 0 : i32
      %lt3A_83 = arith.cmpi slt, %select_n3A_76, %lt3A_82 : i32
      %ne3A_84 = arith.xori %lt3A_81, %lt3A_83 : i1
      %and3A_85 = arith.andi %ne3A_84, %ne3A_79 : i1
      %add3A_86 = arith.addi %rem3A_77, %select_n3A_76 : i32
      %select_n3A_87 = arith.select %and3A_85, %add3A_86, %rem3A_77 : i32
      %eq3A_88 = arith.constant 1 : i32
      %eq3A_89 = arith.cmpi eq, %select_n3A_87, %eq3A_88 : i32
      %ge3A_90 = arith.constant 2 : i32
      %ge3A_91 = arith.cmpi sge, %while3A_41, %ge3A_90 : i32
      %and3A_92 = arith.andi %eq3A_89, %ge3A_91 : i1
      %convert_element_type3A_93 = arith.extui %and3A_92 : i1 to i32
      %cond3A_94 = arith.constant 0 : i32
      %cond3A_95 = arith.cmpi ne, %convert_element_type3A_93, %cond3A_94 : i32
      scf.if %cond3A_95 {
        %dma_wait3A = arith.constant 1 : i32
        %dma_wait3A_110 = arith.constant 0 : i32
        %dma_wait3A_111 = tpu.memref_slice %arg6[%dma_wait3A, %dma_wait3A_110] : memref<2x128xi32, #tpu.memory_space<vmem>> -> memref<1x128xi32, #tpu.memory_space<vmem>>
        %dma_wait3A_112 = tpu.memref_squeeze %dma_wait3A_111 : memref<1x128xi32, #tpu.memory_space<vmem>> -> memref<128xi32, #tpu.memory_space<vmem>>
        %dma_wait3A_113 = arith.constant 0 : i32
        %dma_wait3A_114 = arith.constant 0 : i32
        %dma_wait3A_115 = tpu.memref_slice %arg10[%dma_wait3A_113, %dma_wait3A_114] : memref<10240x128xf32, #tpu.memory_space<vmem_shared>> -> memref<10240x128xf32, #tpu.memory_space<vmem_shared>>
        tpu.wait_indirect_dma semaphore(%arg14 : memref<!tpu.dma_semaphore, #tpu.memory_space<semaphore_mem>>) src(%arg8 : memref<128x128xf32, #tpu.memory_space<vmem>>) dst(%dma_wait3A_115 : memref<10240x128xf32, #tpu.memory_space<vmem_shared>>)
      } else {
      }
      %lt3A_96 = arith.cmpi slt, %while3A_41, %select_n3A : i32
      %and3A_97 = arith.andi %eq3A_89, %lt3A_96 : i1
      %convert_element_type3A_98 = arith.extui %and3A_97 : i1 to i32
      %cond3A_99 = arith.constant 0 : i32
      %cond3A_100 = arith.cmpi ne, %convert_element_type3A_98, %cond3A_99 : i32
      scf.if %cond3A_100 {
        %add3A_110 = arith.addi %select_n3A_8, %while3A_41 : i32
        "tpu.region"() ({
          %run_scoped3A = tpu.sem_alloc : memref<!tpu.dma_semaphore, #tpu.memory_space<semaphore_mem>>
          %dma_start3A_117 = arith.constant 0 : i32
          %dma_start3A_118 = arith.constant 0 : i32
          %dma_start3A_119 = tpu.memref_slice %arg3[%add3A_110, %dma_start3A_117, %dma_start3A_118] : memref<2528x2x128xi32, #tpu.memory_space<hbm>> -> memref<1x2x128xi32, #tpu.memory_space<hbm>>
          %dma_start3A_120 = tpu.memref_squeeze %dma_start3A_119 : memref<1x2x128xi32, #tpu.memory_space<hbm>> -> memref<2x128xi32, #tpu.memory_space<hbm>>
          %dma_start3A_121 = arith.constant 0 : i32
          %dma_start3A_122 = arith.constant 0 : i32
          %dma_start3A_123 = tpu.memref_slice %arg3[%add3A_110, %dma_start3A_121, %dma_start3A_122] : memref<2528x2x128xi32, #tpu.memory_space<hbm>> -> memref<1x2x128xi32, #tpu.memory_space<hbm>>
          %dma_start3A_124 = tpu.memref_squeeze %dma_start3A_123 : memref<1x2x128xi32, #tpu.memory_space<hbm>> -> memref<2x128xi32, #tpu.memory_space<hbm>>
          tpu.enqueue_dma source(%dma_start3A_124 : memref<2x128xi32, #tpu.memory_space<hbm>>) target(%arg6 : memref<2x128xi32, #tpu.memory_space<vmem>>) target_semaphore(%run_scoped3A : memref<!tpu.dma_semaphore, #tpu.memory_space<semaphore_mem>>)
          %dma_wait3A = arith.constant 0 : i32
          %dma_wait3A_125 = arith.constant 0 : i32
          %dma_wait3A_126 = tpu.memref_slice %arg3[%add3A_110, %dma_wait3A, %dma_wait3A_125] : memref<2528x2x128xi32, #tpu.memory_space<hbm>> -> memref<1x2x128xi32, #tpu.memory_space<hbm>>
          %dma_wait3A_127 = tpu.memref_squeeze %dma_wait3A_126 : memref<1x2x128xi32, #tpu.memory_space<hbm>> -> memref<2x128xi32, #tpu.memory_space<hbm>>
          %dma_wait3A_128 = arith.constant 0 : i32
          %dma_wait3A_129 = arith.constant 0 : i32
          %dma_wait3A_130 = tpu.memref_slice %arg3[%add3A_110, %dma_wait3A_128, %dma_wait3A_129] : memref<2528x2x128xi32, #tpu.memory_space<hbm>> -> memref<1x2x128xi32, #tpu.memory_space<hbm>>
          %dma_wait3A_131 = tpu.memref_squeeze %dma_wait3A_130 : memref<1x2x128xi32, #tpu.memory_space<hbm>> -> memref<2x128xi32, #tpu.memory_space<hbm>>
          tpu.wait_dma2 semaphore(%run_scoped3A : memref<!tpu.dma_semaphore, #tpu.memory_space<semaphore_mem>>) src(%dma_wait3A_131 : memref<2x128xi32, #tpu.memory_space<hbm>>) dst(%arg6 : memref<2x128xi32, #tpu.memory_space<vmem>>)
          tpu.yield
        }) : () -> ()
        %dma_start3A = arith.constant 0 : i32
        %dma_start3A_111 = arith.constant 0 : i32
        %dma_start3A_112 = tpu.memref_slice %arg6[%dma_start3A, %dma_start3A_111] : memref<2x128xi32, #tpu.memory_space<vmem>> -> memref<1x128xi32, #tpu.memory_space<vmem>>
        %dma_start3A_113 = tpu.memref_squeeze %dma_start3A_112 : memref<1x128xi32, #tpu.memory_space<vmem>> -> memref<128xi32, #tpu.memory_space<vmem>>
        %dma_start3A_114 = arith.constant 0 : i32
        %dma_start3A_115 = arith.constant 0 : i32
        %dma_start3A_116 = tpu.memref_slice %arg2[%dma_start3A_114, %dma_start3A_115] : memref<10240x128xf32, #tpu.memory_space<hbm>> -> memref<10240x128xf32, #tpu.memory_space<hbm>>
        tpu.enqueue_indirect_dma source(%dma_start3A_116 : memref<10240x128xf32, #tpu.memory_space<hbm>>) target(%arg8 : memref<128x128xf32, #tpu.memory_space<vmem>>) offsets(%dma_start3A_113 : memref<128xi32, #tpu.memory_space<vmem>>) semaphore(%arg12 : memref<!tpu.dma_semaphore, #tpu.memory_space<semaphore_mem>>)
      } else {
      }
      %ge3A_101 = arith.constant 1 : i32
      %ge3A_102 = arith.cmpi sge, %while3A_41, %ge3A_101 : i32
      %and3A_103 = arith.andi %eq3A_89, %ge3A_102 : i1
      %le3A_104 = arith.cmpi sle, %while3A_41, %select_n3A : i32
      %and3A_105 = arith.andi %and3A_103, %le3A_104 : i1
      %convert_element_type3A_106 = arith.extui %and3A_105 : i1 to i32
      %cond3A_107 = arith.constant 0 : i32
      %cond3A_108 = arith.cmpi ne, %convert_element_type3A_106, %cond3A_107 : i32
      scf.if %cond3A_108 {
        %dma_wait3A = arith.constant 0 : i32
        %dma_wait3A_110 = arith.constant 0 : i32
        %dma_wait3A_111 = tpu.memref_slice %arg5[%dma_wait3A, %dma_wait3A_110] : memref<2x128xi32, #tpu.memory_space<vmem>> -> memref<1x128xi32, #tpu.memory_space<vmem>>
        %dma_wait3A_112 = tpu.memref_squeeze %dma_wait3A_111 : memref<1x128xi32, #tpu.memory_space<vmem>> -> memref<128xi32, #tpu.memory_space<vmem>>
        %dma_wait3A_113 = arith.constant 0 : i32
        %dma_wait3A_114 = arith.constant 0 : i32
        %dma_wait3A_115 = tpu.memref_slice %arg2[%dma_wait3A_113, %dma_wait3A_114] : memref<10240x128xf32, #tpu.memory_space<hbm>> -> memref<10240x128xf32, #tpu.memory_space<hbm>>
        tpu.wait_indirect_dma semaphore(%arg11 : memref<!tpu.dma_semaphore, #tpu.memory_space<semaphore_mem>>) src(%dma_wait3A_115 : memref<10240x128xf32, #tpu.memory_space<hbm>>) dst(%arg7 : memref<128x128xf32, #tpu.memory_space<vmem>>)
        %dma_start3A = arith.constant 1 : i32
        %dma_start3A_116 = arith.constant 0 : i32
        %dma_start3A_117 = tpu.memref_slice %arg5[%dma_start3A, %dma_start3A_116] : memref<2x128xi32, #tpu.memory_space<vmem>> -> memref<1x128xi32, #tpu.memory_space<vmem>>
        %dma_start3A_118 = tpu.memref_squeeze %dma_start3A_117 : memref<1x128xi32, #tpu.memory_space<vmem>> -> memref<128xi32, #tpu.memory_space<vmem>>
        %dma_start3A_119 = arith.constant 0 : i32
        %dma_start3A_120 = arith.constant 0 : i32
        %dma_start3A_121 = tpu.memref_slice %arg10[%dma_start3A_119, %dma_start3A_120] : memref<10240x128xf32, #tpu.memory_space<vmem_shared>> -> memref<10240x128xf32, #tpu.memory_space<vmem_shared>>
        tpu.enqueue_indirect_dma source(%arg7 : memref<128x128xf32, #tpu.memory_space<vmem>>) target(%dma_start3A_121 : memref<10240x128xf32, #tpu.memory_space<vmem_shared>>) offsets(%dma_start3A_118 : memref<128xi32, #tpu.memory_space<vmem>>) semaphore(%arg13 : memref<!tpu.dma_semaphore, #tpu.memory_space<semaphore_mem>>) {add = true}
      } else {
      }
      %while3A_109 = arith.constant 0 : i32
      scf.yield %while3A_109 : i32
    }
    %while3A_34 = arith.constant 1 : i32
    %while3A_35 = scf.for %while3A_41 = %while3A_31 to %while3A_27 step %while3A_34 iter_args(%while3A_42 = %while3A_33) -> (i32)  : i32 {
      %jit3A_43 = arith.constant 2 : i32
      %eq3A_44 = arith.constant 0 : i32
      %eq3A_45 = arith.cmpi eq, %jit3A_43, %eq3A_44 : i32
      %jit3A_46 = arith.constant 1 : i32
      %select_n3A_47 = arith.select %eq3A_45, %jit3A_46, %jit3A_43 : i32
      %rem3A = arith.remsi %while3A_41, %select_n3A_47 : i32
      %ne3A = arith.constant 0 : i32
      %ne3A_48 = arith.cmpi ne, %rem3A, %ne3A : i32
      %lt3A = arith.constant 0 : i32
      %lt3A_49 = arith.cmpi slt, %rem3A, %lt3A : i32
      %lt3A_50 = arith.constant 0 : i32
      %lt3A_51 = arith.cmpi slt, %select_n3A_47, %lt3A_50 : i32
      %ne3A_52 = arith.xori %lt3A_49, %lt3A_51 : i1
      %and3A = arith.andi %ne3A_52, %ne3A_48 : i1
      %add3A_53 = arith.addi %rem3A, %select_n3A_47 : i32
      %select_n3A_54 = arith.select %and3A, %add3A_53, %rem3A : i32
      %eq3A_55 = arith.constant 0 : i32
      %eq3A_56 = arith.cmpi eq, %select_n3A_54, %eq3A_55 : i32
      %ge3A = arith.constant 2 : i32
      %ge3A_57 = arith.cmpi sge, %while3A_41, %ge3A : i32
      %and3A_58 = arith.andi %eq3A_56, %ge3A_57 : i1
      %convert_element_type3A = arith.extui %and3A_58 : i1 to i32
      %cond3A = arith.constant 0 : i32
      %cond3A_59 = arith.cmpi ne, %convert_element_type3A, %cond3A : i32
      scf.if %cond3A_59 {
        %dma_wait3A = arith.constant 1 : i32
        %dma_wait3A_110 = arith.constant 0 : i32
        %dma_wait3A_111 = tpu.memref_slice %arg5[%dma_wait3A, %dma_wait3A_110] : memref<2x128xi32, #tpu.memory_space<vmem>> -> memref<1x128xi32, #tpu.memory_space<vmem>>
        %dma_wait3A_112 = tpu.memref_squeeze %dma_wait3A_111 : memref<1x128xi32, #tpu.memory_space<vmem>> -> memref<128xi32, #tpu.memory_space<vmem>>
        %dma_wait3A_113 = arith.constant 0 : i32
        %dma_wait3A_114 = arith.constant 0 : i32
        %dma_wait3A_115 = tpu.memref_slice %arg10[%dma_wait3A_113, %dma_wait3A_114] : memref<10240x128xf32, #tpu.memory_space<vmem_shared>> -> memref<10240x128xf32, #tpu.memory_space<vmem_shared>>
        tpu.wait_indirect_dma semaphore(%arg13 : memref<!tpu.dma_semaphore, #tpu.memory_space<semaphore_mem>>) src(%arg7 : memref<128x128xf32, #tpu.memory_space<vmem>>) dst(%dma_wait3A_115 : memref<10240x128xf32, #tpu.memory_space<vmem_shared>>)
      } else {
      }
      %lt3A_60 = arith.cmpi slt, %while3A_41, %select_n3A : i32
      %and3A_61 = arith.andi %eq3A_56, %lt3A_60 : i1
      %convert_element_type3A_62 = arith.extui %and3A_61 : i1 to i32
      %cond3A_63 = arith.constant 0 : i32
      %cond3A_64 = arith.cmpi ne, %convert_element_type3A_62, %cond3A_63 : i32
      scf.if %cond3A_64 {
        %add3A_110 = arith.addi %select_n3A_8, %while3A_41 : i32
        "tpu.region"() ({
          %run_scoped3A = tpu.sem_alloc : memref<!tpu.dma_semaphore, #tpu.memory_space<semaphore_mem>>
          %dma_start3A_117 = arith.constant 0 : i32
          %dma_start3A_118 = arith.constant 0 : i32
          %dma_start3A_119 = tpu.memref_slice %arg3[%add3A_110, %dma_start3A_117, %dma_start3A_118] : memref<2528x2x128xi32, #tpu.memory_space<hbm>> -> memref<1x2x128xi32, #tpu.memory_space<hbm>>
          %dma_start3A_120 = tpu.memref_squeeze %dma_start3A_119 : memref<1x2x128xi32, #tpu.memory_space<hbm>> -> memref<2x128xi32, #tpu.memory_space<hbm>>
          %dma_start3A_121 = arith.constant 0 : i32
          %dma_start3A_122 = arith.constant 0 : i32
          %dma_start3A_123 = tpu.memref_slice %arg3[%add3A_110, %dma_start3A_121, %dma_start3A_122] : memref<2528x2x128xi32, #tpu.memory_space<hbm>> -> memref<1x2x128xi32, #tpu.memory_space<hbm>>
          %dma_start3A_124 = tpu.memref_squeeze %dma_start3A_123 : memref<1x2x128xi32, #tpu.memory_space<hbm>> -> memref<2x128xi32, #tpu.memory_space<hbm>>
          tpu.enqueue_dma source(%dma_start3A_124 : memref<2x128xi32, #tpu.memory_space<hbm>>) target(%arg5 : memref<2x128xi32, #tpu.memory_space<vmem>>) target_semaphore(%run_scoped3A : memref<!tpu.dma_semaphore, #tpu.memory_space<semaphore_mem>>)
          %dma_wait3A = arith.constant 0 : i32
          %dma_wait3A_125 = arith.constant 0 : i32
          %dma_wait3A_126 = tpu.memref_slice %arg3[%add3A_110, %dma_wait3A, %dma_wait3A_125] : memref<2528x2x128xi32, #tpu.memory_space<hbm>> -> memref<1x2x128xi32, #tpu.memory_space<hbm>>
          %dma_wait3A_127 = tpu.memref_squeeze %dma_wait3A_126 : memref<1x2x128xi32, #tpu.memory_space<hbm>> -> memref<2x128xi32, #tpu.memory_space<hbm>>
          %dma_wait3A_128 = arith.constant 0 : i32
          %dma_wait3A_129 = arith.constant 0 : i32
          %dma_wait3A_130 = tpu.memref_slice %arg3[%add3A_110, %dma_wait3A_128, %dma_wait3A_129] : memref<2528x2x128xi32, #tpu.memory_space<hbm>> -> memref<1x2x128xi32, #tpu.memory_space<hbm>>
          %dma_wait3A_131 = tpu.memref_squeeze %dma_wait3A_130 : memref<1x2x128xi32, #tpu.memory_space<hbm>> -> memref<2x128xi32, #tpu.memory_space<hbm>>
          tpu.wait_dma2 semaphore(%run_scoped3A : memref<!tpu.dma_semaphore, #tpu.memory_space<semaphore_mem>>) src(%dma_wait3A_131 : memref<2x128xi32, #tpu.memory_space<hbm>>) dst(%arg5 : memref<2x128xi32, #tpu.memory_space<vmem>>)
          tpu.yield
        }) : () -> ()
        %dma_start3A = arith.constant 0 : i32
        %dma_start3A_111 = arith.constant 0 : i32
        %dma_start3A_112 = tpu.memref_slice %arg5[%dma_start3A, %dma_start3A_111] : memref<2x128xi32, #tpu.memory_space<vmem>> -> memref<1x128xi32, #tpu.memory_space<vmem>>
        %dma_start3A_113 = tpu.memref_squeeze %dma_start3A_112 : memref<1x128xi32, #tpu.memory_space<vmem>> -> memref<128xi32, #tpu.memory_space<vmem>>
        %dma_start3A_114 = arith.constant 0 : i32
        %dma_start3A_115 = arith.constant 0 : i32
        %dma_start3A_116 = tpu.memref_slice %arg2[%dma_start3A_114, %dma_start3A_115] : memref<10240x128xf32, #tpu.memory_space<hbm>> -> memref<10240x128xf32, #tpu.memory_space<hbm>>
        tpu.enqueue_indirect_dma source(%dma_start3A_116 : memref<10240x128xf32, #tpu.memory_space<hbm>>) target(%arg7 : memref<128x128xf32, #tpu.memory_space<vmem>>) offsets(%dma_start3A_113 : memref<128xi32, #tpu.memory_space<vmem>>) semaphore(%arg11 : memref<!tpu.dma_semaphore, #tpu.memory_space<semaphore_mem>>)
      } else {
      }
      %ge3A_65 = arith.constant 1 : i32
      %ge3A_66 = arith.cmpi sge, %while3A_41, %ge3A_65 : i32
      %and3A_67 = arith.andi %eq3A_56, %ge3A_66 : i1
      %le3A = arith.cmpi sle, %while3A_41, %select_n3A : i32
      %and3A_68 = arith.andi %and3A_67, %le3A : i1
      %convert_element_type3A_69 = arith.extui %and3A_68 : i1 to i32
      %cond3A_70 = arith.constant 0 : i32
      %cond3A_71 = arith.cmpi ne, %convert_element_type3A_69, %cond3A_70 : i32
      scf.if %cond3A_71 {
        %dma_wait3A = arith.constant 0 : i32
        %dma_wait3A_110 = arith.constant 0 : i32
        %dma_wait3A_111 = tpu.memref_slice %arg6[%dma_wait3A, %dma_wait3A_110] : memref<2x128xi32, #tpu.memory_space<vmem>> -> memref<1x128xi32, #tpu.memory_space<vmem>>
        %dma_wait3A_112 = tpu.memref_squeeze %dma_wait3A_111 : memref<1x128xi32, #tpu.memory_space<vmem>> -> memref<128xi32, #tpu.memory_space<vmem>>
        %dma_wait3A_113 = arith.constant 0 : i32
        %dma_wait3A_114 = arith.constant 0 : i32
        %dma_wait3A_115 = tpu.memref_slice %arg2[%dma_wait3A_113, %dma_wait3A_114] : memref<10240x128xf32, #tpu.memory_space<hbm>> -> memref<10240x128xf32, #tpu.memory_space<hbm>>
        tpu.wait_indirect_dma semaphore(%arg12 : memref<!tpu.dma_semaphore, #tpu.memory_space<semaphore_mem>>) src(%dma_wait3A_115 : memref<10240x128xf32, #tpu.memory_space<hbm>>) dst(%arg8 : memref<128x128xf32, #tpu.memory_space<vmem>>)
        %dma_start3A = arith.constant 1 : i32
        %dma_start3A_116 = arith.constant 0 : i32
        %dma_start3A_117 = tpu.memref_slice %arg6[%dma_start3A, %dma_start3A_116] : memref<2x128xi32, #tpu.memory_space<vmem>> -> memref<1x128xi32, #tpu.memory_space<vmem>>
        %dma_start3A_118 = tpu.memref_squeeze %dma_start3A_117 : memref<1x128xi32, #tpu.memory_space<vmem>> -> memref<128xi32, #tpu.memory_space<vmem>>
        %dma_start3A_119 = arith.constant 0 : i32
        %dma_start3A_120 = arith.constant 0 : i32
        %dma_start3A_121 = tpu.memref_slice %arg10[%dma_start3A_119, %dma_start3A_120] : memref<10240x128xf32, #tpu.memory_space<vmem_shared>> -> memref<10240x128xf32, #tpu.memory_space<vmem_shared>>
        tpu.enqueue_indirect_dma source(%arg8 : memref<128x128xf32, #tpu.memory_space<vmem>>) target(%dma_start3A_121 : memref<10240x128xf32, #tpu.memory_space<vmem_shared>>) offsets(%dma_start3A_118 : memref<128xi32, #tpu.memory_space<vmem>>) semaphore(%arg14 : memref<!tpu.dma_semaphore, #tpu.memory_space<semaphore_mem>>) {add = true}
      } else {
      }
      %jit3A_72 = arith.constant 2 : i32
      %eq3A_73 = arith.constant 0 : i32
      %eq3A_74 = arith.cmpi eq, %jit3A_72, %eq3A_73 : i32
      %jit3A_75 = arith.constant 1 : i32
      %select_n3A_76 = arith.select %eq3A_74, %jit3A_75, %jit3A_72 : i32
      %rem3A_77 = arith.remsi %while3A_41, %select_n3A_76 : i32
      %ne3A_78 = arith.constant 0 : i32
      %ne3A_79 = arith.cmpi ne, %rem3A_77, %ne3A_78 : i32
      %lt3A_80 = arith.constant 0 : i32
      %lt3A_81 = arith.cmpi slt, %rem3A_77, %lt3A_80 : i32
      %lt3A_82 = arith.constant 0 : i32
      %lt3A_83 = arith.cmpi slt, %select_n3A_76, %lt3A_82 : i32
      %ne3A_84 = arith.xori %lt3A_81, %lt3A_83 : i1
      %and3A_85 = arith.andi %ne3A_84, %ne3A_79 : i1
      %add3A_86 = arith.addi %rem3A_77, %select_n3A_76 : i32
      %select_n3A_87 = arith.select %and3A_85, %add3A_86, %rem3A_77 : i32
      %eq3A_88 = arith.constant 1 : i32
      %eq3A_89 = arith.cmpi eq, %select_n3A_87, %eq3A_88 : i32
      %ge3A_90 = arith.constant 2 : i32
      %ge3A_91 = arith.cmpi sge, %while3A_41, %ge3A_90 : i32
      %and3A_92 = arith.andi %eq3A_89, %ge3A_91 : i1
      %convert_element_type3A_93 = arith.extui %and3A_92 : i1 to i32
      %cond3A_94 = arith.constant 0 : i32
      %cond3A_95 = arith.cmpi ne, %convert_element_type3A_93, %cond3A_94 : i32
      scf.if %cond3A_95 {
        %dma_wait3A = arith.constant 1 : i32
        %dma_wait3A_110 = arith.constant 0 : i32
        %dma_wait3A_111 = tpu.memref_slice %arg6[%dma_wait3A, %dma_wait3A_110] : memref<2x128xi32, #tpu.memory_space<vmem>> -> memref<1x128xi32, #tpu.memory_space<vmem>>
        %dma_wait3A_112 = tpu.memref_squeeze %dma_wait3A_111 : memref<1x128xi32, #tpu.memory_space<vmem>> -> memref<128xi32, #tpu.memory_space<vmem>>
        %dma_wait3A_113 = arith.constant 0 : i32
        %dma_wait3A_114 = arith.constant 0 : i32
        %dma_wait3A_115 = tpu.memref_slice %arg10[%dma_wait3A_113, %dma_wait3A_114] : memref<10240x128xf32, #tpu.memory_space<vmem_shared>> -> memref<10240x128xf32, #tpu.memory_space<vmem_shared>>
        tpu.wait_indirect_dma semaphore(%arg14 : memref<!tpu.dma_semaphore, #tpu.memory_space<semaphore_mem>>) src(%arg8 : memref<128x128xf32, #tpu.memory_space<vmem>>) dst(%dma_wait3A_115 : memref<10240x128xf32, #tpu.memory_space<vmem_shared>>)
      } else {
      }
      %lt3A_96 = arith.cmpi slt, %while3A_41, %select_n3A : i32
      %and3A_97 = arith.andi %eq3A_89, %lt3A_96 : i1
      %convert_element_type3A_98 = arith.extui %and3A_97 : i1 to i32
      %cond3A_99 = arith.constant 0 : i32
      %cond3A_100 = arith.cmpi ne, %convert_element_type3A_98, %cond3A_99 : i32
      scf.if %cond3A_100 {
        %add3A_110 = arith.addi %select_n3A_8, %while3A_41 : i32
        "tpu.region"() ({
          %run_scoped3A = tpu.sem_alloc : memref<!tpu.dma_semaphore, #tpu.memory_space<semaphore_mem>>
          %dma_start3A_117 = arith.constant 0 : i32
          %dma_start3A_118 = arith.constant 0 : i32
          %dma_start3A_119 = tpu.memref_slice %arg3[%add3A_110, %dma_start3A_117, %dma_start3A_118] : memref<2528x2x128xi32, #tpu.memory_space<hbm>> -> memref<1x2x128xi32, #tpu.memory_space<hbm>>
          %dma_start3A_120 = tpu.memref_squeeze %dma_start3A_119 : memref<1x2x128xi32, #tpu.memory_space<hbm>> -> memref<2x128xi32, #tpu.memory_space<hbm>>
          %dma_start3A_121 = arith.constant 0 : i32
          %dma_start3A_122 = arith.constant 0 : i32
          %dma_start3A_123 = tpu.memref_slice %arg3[%add3A_110, %dma_start3A_121, %dma_start3A_122] : memref<2528x2x128xi32, #tpu.memory_space<hbm>> -> memref<1x2x128xi32, #tpu.memory_space<hbm>>
          %dma_start3A_124 = tpu.memref_squeeze %dma_start3A_123 : memref<1x2x128xi32, #tpu.memory_space<hbm>> -> memref<2x128xi32, #tpu.memory_space<hbm>>
          tpu.enqueue_dma source(%dma_start3A_124 : memref<2x128xi32, #tpu.memory_space<hbm>>) target(%arg6 : memref<2x128xi32, #tpu.memory_space<vmem>>) target_semaphore(%run_scoped3A : memref<!tpu.dma_semaphore, #tpu.memory_space<semaphore_mem>>)
          %dma_wait3A = arith.constant 0 : i32
          %dma_wait3A_125 = arith.constant 0 : i32
          %dma_wait3A_126 = tpu.memref_slice %arg3[%add3A_110, %dma_wait3A, %dma_wait3A_125] : memref<2528x2x128xi32, #tpu.memory_space<hbm>> -> memref<1x2x128xi32, #tpu.memory_space<hbm>>
          %dma_wait3A_127 = tpu.memref_squeeze %dma_wait3A_126 : memref<1x2x128xi32, #tpu.memory_space<hbm>> -> memref<2x128xi32, #tpu.memory_space<hbm>>
          %dma_wait3A_128 = arith.constant 0 : i32
          %dma_wait3A_129 = arith.constant 0 : i32
          %dma_wait3A_130 = tpu.memref_slice %arg3[%add3A_110, %dma_wait3A_128, %dma_wait3A_129] : memref<2528x2x128xi32, #tpu.memory_space<hbm>> -> memref<1x2x128xi32, #tpu.memory_space<hbm>>
          %dma_wait3A_131 = tpu.memref_squeeze %dma_wait3A_130 : memref<1x2x128xi32, #tpu.memory_space<hbm>> -> memref<2x128xi32, #tpu.memory_space<hbm>>
          tpu.wait_dma2 semaphore(%run_scoped3A : memref<!tpu.dma_semaphore, #tpu.memory_space<semaphore_mem>>) src(%dma_wait3A_131 : memref<2x128xi32, #tpu.memory_space<hbm>>) dst(%arg6 : memref<2x128xi32, #tpu.memory_space<vmem>>)
          tpu.yield
        }) : () -> ()
        %dma_start3A = arith.constant 0 : i32
        %dma_start3A_111 = arith.constant 0 : i32
        %dma_start3A_112 = tpu.memref_slice %arg6[%dma_start3A, %dma_start3A_111] : memref<2x128xi32, #tpu.memory_space<vmem>> -> memref<1x128xi32, #tpu.memory_space<vmem>>
        %dma_start3A_113 = tpu.memref_squeeze %dma_start3A_112 : memref<1x128xi32, #tpu.memory_space<vmem>> -> memref<128xi32, #tpu.memory_space<vmem>>
        %dma_start3A_114 = arith.constant 0 : i32
        %dma_start3A_115 = arith.constant 0 : i32
        %dma_start3A_116 = tpu.memref_slice %arg2[%dma_start3A_114, %dma_start3A_115] : memref<10240x128xf32, #tpu.memory_space<hbm>> -> memref<10240x128xf32, #tpu.memory_space<hbm>>
        tpu.enqueue_indirect_dma source(%dma_start3A_116 : memref<10240x128xf32, #tpu.memory_space<hbm>>) target(%arg8 : memref<128x128xf32, #tpu.memory_space<vmem>>) offsets(%dma_start3A_113 : memref<128xi32, #tpu.memory_space<vmem>>) semaphore(%arg12 : memref<!tpu.dma_semaphore, #tpu.memory_space<semaphore_mem>>)
      } else {
      }
      %ge3A_101 = arith.constant 1 : i32
      %ge3A_102 = arith.cmpi sge, %while3A_41, %ge3A_101 : i32
      %and3A_103 = arith.andi %eq3A_89, %ge3A_102 : i1
      %le3A_104 = arith.cmpi sle, %while3A_41, %select_n3A : i32
      %and3A_105 = arith.andi %and3A_103, %le3A_104 : i1
      %convert_element_type3A_106 = arith.extui %and3A_105 : i1 to i32
      %cond3A_107 = arith.constant 0 : i32
      %cond3A_108 = arith.cmpi ne, %convert_element_type3A_106, %cond3A_107 : i32
      scf.if %cond3A_108 {
        %dma_wait3A = arith.constant 0 : i32
        %dma_wait3A_110 = arith.constant 0 : i32
        %dma_wait3A_111 = tpu.memref_slice %arg5[%dma_wait3A, %dma_wait3A_110] : memref<2x128xi32, #tpu.memory_space<vmem>> -> memref<1x128xi32, #tpu.memory_space<vmem>>
        %dma_wait3A_112 = tpu.memref_squeeze %dma_wait3A_111 : memref<1x128xi32, #tpu.memory_space<vmem>> -> memref<128xi32, #tpu.memory_space<vmem>>
        %dma_wait3A_113 = arith.constant 0 : i32
        %dma_wait3A_114 = arith.constant 0 : i32
        %dma_wait3A_115 = tpu.memref_slice %arg2[%dma_wait3A_113, %dma_wait3A_114] : memref<10240x128xf32, #tpu.memory_space<hbm>> -> memref<10240x128xf32, #tpu.memory_space<hbm>>
        tpu.wait_indirect_dma semaphore(%arg11 : memref<!tpu.dma_semaphore, #tpu.memory_space<semaphore_mem>>) src(%dma_wait3A_115 : memref<10240x128xf32, #tpu.memory_space<hbm>>) dst(%arg7 : memref<128x128xf32, #tpu.memory_space<vmem>>)
        %dma_start3A = arith.constant 1 : i32
        %dma_start3A_116 = arith.constant 0 : i32
        %dma_start3A_117 = tpu.memref_slice %arg5[%dma_start3A, %dma_start3A_116] : memref<2x128xi32, #tpu.memory_space<vmem>> -> memref<1x128xi32, #tpu.memory_space<vmem>>
        %dma_start3A_118 = tpu.memref_squeeze %dma_start3A_117 : memref<1x128xi32, #tpu.memory_space<vmem>> -> memref<128xi32, #tpu.memory_space<vmem>>
        %dma_start3A_119 = arith.constant 0 : i32
        %dma_start3A_120 = arith.constant 0 : i32
        %dma_start3A_121 = tpu.memref_slice %arg10[%dma_start3A_119, %dma_start3A_120] : memref<10240x128xf32, #tpu.memory_space<vmem_shared>> -> memref<10240x128xf32, #tpu.memory_space<vmem_shared>>
        tpu.enqueue_indirect_dma source(%arg7 : memref<128x128xf32, #tpu.memory_space<vmem>>) target(%dma_start3A_121 : memref<10240x128xf32, #tpu.memory_space<vmem_shared>>) offsets(%dma_start3A_118 : memref<128xi32, #tpu.memory_space<vmem>>) semaphore(%arg13 : memref<!tpu.dma_semaphore, #tpu.memory_space<semaphore_mem>>) {add = true}
      } else {
      }
      %while3A_109 = arith.constant 0 : i32
      scf.yield %while3A_109 : i32
    }
    %barrier3A_36 = arith.constant 0 : index
    tpu.barrier barrier_id(%barrier3A_36)
    %mul3A_37 = arith.constant 640 : i32
    %mul3A_38 = arith.muli %arg1, %mul3A_37 : i32
    %mul3A_39 = arith.constant 640 : i32
    %mul3A_40 = arith.muli %arg1, %mul3A_39 : i32
    "tpu.region"() ({
      %run_scoped3A = tpu.sem_alloc : memref<!tpu.dma_semaphore, #tpu.memory_space<semaphore_mem>>
      %dma_start3A = arith.constant 0 : i32
      %dma_start3A_41 = tpu.memref_slice %arg4[%arg0, %mul3A_40, %dma_start3A] : memref<2x10240x128xf32, #tpu.memory_space<hbm>> -> memref<1x640x128xf32, #tpu.memory_space<hbm>>
      %dma_start3A_42 = tpu.memref_squeeze %dma_start3A_41 : memref<1x640x128xf32, #tpu.memory_space<hbm>> -> memref<640x128xf32, #tpu.memory_space<hbm>>
      %dma_start3A_43 = arith.constant 0 : i32
      %dma_start3A_44 = tpu.memref_slice %arg10[%mul3A_38, %dma_start3A_43] : memref<10240x128xf32, #tpu.memory_space<vmem_shared>> -> memref<640x128xf32, #tpu.memory_space<vmem_shared>>
      tpu.enqueue_dma source(%dma_start3A_44 : memref<640x128xf32, #tpu.memory_space<vmem_shared>>) target(%dma_start3A_42 : memref<640x128xf32, #tpu.memory_space<hbm>>) target_semaphore(%run_scoped3A : memref<!tpu.dma_semaphore, #tpu.memory_space<semaphore_mem>>)
      %dma_wait3A = arith.constant 0 : i32
      %dma_wait3A_45 = tpu.memref_slice %arg4[%arg0, %mul3A_40, %dma_wait3A] : memref<2x10240x128xf32, #tpu.memory_space<hbm>> -> memref<1x640x128xf32, #tpu.memory_space<hbm>>
      %dma_wait3A_46 = tpu.memref_squeeze %dma_wait3A_45 : memref<1x640x128xf32, #tpu.memory_space<hbm>> -> memref<640x128xf32, #tpu.memory_space<hbm>>
      %dma_wait3A_47 = arith.constant 0 : i32
      %dma_wait3A_48 = tpu.memref_slice %arg10[%mul3A_38, %dma_wait3A_47] : memref<10240x128xf32, #tpu.memory_space<vmem_shared>> -> memref<640x128xf32, #tpu.memory_space<vmem_shared>>
      tpu.wait_dma2 semaphore(%run_scoped3A : memref<!tpu.dma_semaphore, #tpu.memory_space<semaphore_mem>>) src(%dma_wait3A_48 : memref<640x128xf32, #tpu.memory_space<vmem_shared>>) dst(%dma_wait3A_46 : memref<640x128xf32, #tpu.memory_space<hbm>>)
      tpu.yield
    }) : () -> ()
    return
  }
}

module attributes {stable_mosaic.version = 14 : i64} {
  func.func @_edge_deg_body(%arg0: i32, %arg1: memref<8000x16xbf16, #tpu.memory_space<vmem>>, %arg2: memref<1x1x8000xi32, #tpu.memory_space<vmem>>, %arg3: memref<1x1x8000xi32, #tpu.memory_space<vmem>>, %arg4: memref<64x128xi32, #tpu.memory_space<vmem>>, %arg5: memref<64x128xi32, #tpu.memory_space<vmem>>, %arg6: memref<16x128xbf16, #tpu.memory_space<vmem>>, %arg7: memref<1x128xf32, #tpu.memory_space<vmem>>, %arg8: memref<64x128xf32, #tpu.memory_space<vmem>>, %arg9: memref<64x128xf32, #tpu.memory_space<vmem>>, %arg10: memref<80x128xf32, #tpu.memory_space<vmem>>) attributes {dimension_semantics = [#tpu.dimension_semantics<arbitrary>], iteration_bounds = array<i64: 40>, scalar_prefetch = 0 : i64, scratch_operands = 0 : i64, tpu.core_type = #tpu.core_type<tc>, window_params = [{transform_indices = @transform_0, window_bounds = array<i64: 8000, 16>}, {transform_indices = @transform_1, window_bounds = array<i64: 1, 1, 8000>}, {transform_indices = @transform_2, window_bounds = array<i64: 1, 1, 8000>}, {pipeline_mode = #tpu.pipeline_mode<synchronous>, transform_indices = @transform_3, window_bounds = array<i64: 64, 128>}, {pipeline_mode = #tpu.pipeline_mode<synchronous>, transform_indices = @transform_4, window_bounds = array<i64: 64, 128>}, {pipeline_mode = #tpu.pipeline_mode<synchronous>, transform_indices = @transform_5, window_bounds = array<i64: 16, 128>}, {pipeline_mode = #tpu.pipeline_mode<synchronous>, transform_indices = @transform_6, window_bounds = array<i64: 1, 128>}, {pipeline_mode = #tpu.pipeline_mode<synchronous>, transform_indices = @transform_7, window_bounds = array<i64: 64, 128>}, {pipeline_mode = #tpu.pipeline_mode<synchronous>, transform_indices = @transform_8, window_bounds = array<i64: 64, 128>}, {pipeline_mode = #tpu.pipeline_mode<synchronous>, transform_indices = @transform_9, window_bounds = array<i64: 80, 128>}]} {
    %get3A = arith.constant 0 : index
    %get3A_0 = arith.constant 0 : index
    %get3A_1 = vector.load %arg1[%get3A, %get3A_0] : memref<8000x16xbf16, #tpu.memory_space<vmem>>, vector<8000x16xbf16>
    %get3A_2 = arith.constant 0 : index
    %get3A_3 = arith.constant 0 : index
    %get3A_4 = vector.load %arg6[%get3A_2, %get3A_3] : memref<16x128xbf16, #tpu.memory_space<vmem>>, vector<16x128xbf16>
    %dot_general3A = arith.constant dense<0.000000e+00> : vector<8000x128xf32>
    %dot_general3A_5 = tpu.matmul %get3A_1, %get3A_4, %dot_general3A {dimension_numbers = #tpu.dot_dimension_numbers<[1], [0], [0], [1], [0, 0, 1, 1], [], []>, transpose_lhs_hint = false} : vector<8000x16xbf16>, vector<16x128xbf16>, vector<8000x128xf32> -> vector<8000x128xf32>
    %get3A_6 = arith.constant 0 : index
    %get3A_7 = arith.constant 0 : index
    %get3A_8 = vector.load %arg7[%get3A_6, %get3A_7] : memref<1x128xf32, #tpu.memory_space<vmem>>, vector<1x128xf32>
    %add3A = vector.broadcast %get3A_8 : vector<1x128xf32> to vector<8000x128xf32>
    %add3A_9 = arith.addf %dot_general3A_5, %add3A : vector<8000x128xf32>
    %max3A = arith.constant 0.000000e+00 : f32
    %max3A_10 = vector.broadcast %max3A : f32 to vector<8000x128xf32>
    %max3A_11 = arith.maximumf %add3A_9, %max3A_10 : vector<8000x128xf32>
    %get3A_12 = arith.constant 0 : index
    %get3A_13 = arith.constant 0 : index
    %get3A_14 = arith.constant 0 : index
    %get3A_15 = vector.load %arg2[%get3A_12, %get3A_13, %get3A_14] : memref<1x1x8000xi32, #tpu.memory_space<vmem>>, vector<1x1x8000xi32>
    %get3A_16 = vector.shape_cast %get3A_15 : vector<1x1x8000xi32> to vector<1x8000xi32>
    %get3A_17 = arith.constant 0 : index
    %get3A_18 = arith.constant 0 : index
    %get3A_19 = vector.load %arg4[%get3A_17, %get3A_18] : memref<64x128xi32, #tpu.memory_space<vmem>>, vector<64x1xi32>
    %get3A_20 = arith.constant 0 : index
    %get3A_21 = arith.constant 0 : index
    %get3A_22 = vector.load %arg5[%get3A_20, %get3A_21] : memref<64x128xi32, #tpu.memory_space<vmem>>, vector<64x1xi32>
    %ge3A = vector.broadcast %get3A_16 : vector<1x8000xi32> to vector<64x8000xi32>
    %ge3A_23 = vector.broadcast %get3A_19 : vector<64x1xi32> to vector<64x8000xi32>
    %ge3A_24 = arith.cmpi sge, %ge3A, %ge3A_23 : vector<64x8000xi32>
    %lt3A = vector.broadcast %get3A_16 : vector<1x8000xi32> to vector<64x8000xi32>
    %lt3A_25 = vector.broadcast %get3A_22 : vector<64x1xi32> to vector<64x8000xi32>
    %lt3A_26 = arith.cmpi slt, %lt3A, %lt3A_25 : vector<64x8000xi32>
    %and3A = arith.andi %ge3A_24, %lt3A_26 : vector<64x8000xi1>
    %convert_element_type3A = arith.extui %and3A : vector<64x8000xi1> to vector<64x8000xi32>
    %convert_element_type3A_27 = arith.sitofp %convert_element_type3A : vector<64x8000xi32> to vector<64x8000xf32>
    %convert_element_type3A_28 = arith.truncf %convert_element_type3A_27 : vector<64x8000xf32> to vector<64x8000xbf16>
    %get3A_29 = arith.constant 0 : index
    %get3A_30 = arith.constant 0 : index
    %get3A_31 = arith.constant 0 : index
    %get3A_32 = vector.load %arg3[%get3A_29, %get3A_30, %get3A_31] : memref<1x1x8000xi32, #tpu.memory_space<vmem>>, vector<1x1x8000xi32>
    %get3A_33 = vector.shape_cast %get3A_32 : vector<1x1x8000xi32> to vector<1x8000xi32>
    %jit3A = arith.constant 128 : i32
    %div3A = vector.broadcast %jit3A : i32 to vector<1x8000xi32>
    %div3A_34 = arith.divsi %get3A_33, %div3A : vector<1x8000xi32>
    %sign3A = arith.constant 0 : i32
    %sign3A_35 = vector.broadcast %sign3A : i32 to vector<1x8000xi32>
    %sign3A_36 = arith.cmpi sgt, %get3A_33, %sign3A_35 : vector<1x8000xi32>
    %sign3A_37 = arith.extui %sign3A_36 : vector<1x8000xi1> to vector<1x8000xi32>
    %sign3A_38 = arith.constant 0 : i32
    %sign3A_39 = vector.broadcast %sign3A_38 : i32 to vector<1x8000xi32>
    %sign3A_40 = arith.cmpi slt, %get3A_33, %sign3A_39 : vector<1x8000xi32>
    %sign3A_41 = arith.extui %sign3A_40 : vector<1x8000xi1> to vector<1x8000xi32>
    %sign3A_42 = arith.subi %sign3A_37, %sign3A_41 : vector<1x8000xi32>
    %sign3A_43 = arith.constant 0 : i32
    %sign3A_44 = arith.cmpi sgt, %jit3A, %sign3A_43 : i32
    %sign3A_45 = arith.extui %sign3A_44 : i1 to i32
    %sign3A_46 = arith.constant 0 : i32
    %sign3A_47 = arith.cmpi slt, %jit3A, %sign3A_46 : i32
    %sign3A_48 = arith.extui %sign3A_47 : i1 to i32
    %sign3A_49 = arith.subi %sign3A_45, %sign3A_48 : i32
    %ne3A = vector.broadcast %sign3A_49 : i32 to vector<1x8000xi32>
    %ne3A_50 = arith.cmpi ne, %sign3A_42, %ne3A : vector<1x8000xi32>
    %rem3A = vector.broadcast %jit3A : i32 to vector<1x8000xi32>
    %rem3A_51 = arith.remsi %get3A_33, %rem3A : vector<1x8000xi32>
    %ne3A_52 = arith.constant 0 : i32
    %ne3A_53 = vector.broadcast %ne3A_52 : i32 to vector<1x8000xi32>
    %ne3A_54 = arith.cmpi ne, %rem3A_51, %ne3A_53 : vector<1x8000xi32>
    %and3A_55 = arith.andi %ne3A_50, %ne3A_54 : vector<1x8000xi1>
    %sub3A = arith.constant 1 : i32
    %sub3A_56 = vector.broadcast %sub3A : i32 to vector<1x8000xi32>
    %sub3A_57 = arith.subi %div3A_34, %sub3A_56 : vector<1x8000xi32>
    %select_n3A = arith.select %and3A_55, %sub3A_57, %div3A_34 : vector<1x8000xi1>, vector<1x8000xi32>
    %iota3A = tpu.iota {dimensions = array<i32: 0>} : vector<80x1xi32>
    %eq3A = vector.broadcast %select_n3A : vector<1x8000xi32> to vector<80x8000xi32>
    %eq3A_58 = vector.broadcast %iota3A : vector<80x1xi32> to vector<80x8000xi32>
    %eq3A_59 = arith.cmpi eq, %eq3A, %eq3A_58 : vector<80x8000xi32>
    %convert_element_type3A_60 = arith.extui %eq3A_59 : vector<80x8000xi1> to vector<80x8000xi32>
    %convert_element_type3A_61 = arith.sitofp %convert_element_type3A_60 : vector<80x8000xi32> to vector<80x8000xf32>
    %convert_element_type3A_62 = arith.truncf %convert_element_type3A_61 : vector<80x8000xf32> to vector<80x8000xbf16>
    %jit3A_63 = arith.constant 128 : i32
    %eq3A_64 = arith.constant 0 : i32
    %eq3A_65 = arith.cmpi eq, %jit3A_63, %eq3A_64 : i32
    %jit3A_66 = arith.constant 1 : i32
    %select_n3A_67 = arith.select %eq3A_65, %jit3A_66, %jit3A_63 : i32
    %rem3A_68 = vector.broadcast %select_n3A_67 : i32 to vector<1x8000xi32>
    %rem3A_69 = arith.remsi %get3A_33, %rem3A_68 : vector<1x8000xi32>
    %ne3A_70 = arith.constant 0 : i32
    %ne3A_71 = vector.broadcast %ne3A_70 : i32 to vector<1x8000xi32>
    %ne3A_72 = arith.cmpi ne, %rem3A_69, %ne3A_71 : vector<1x8000xi32>
    %lt3A_73 = arith.constant 0 : i32
    %lt3A_74 = vector.broadcast %lt3A_73 : i32 to vector<1x8000xi32>
    %lt3A_75 = arith.cmpi slt, %rem3A_69, %lt3A_74 : vector<1x8000xi32>
    %lt3A_76 = arith.constant 0 : i32
    %lt3A_77 = arith.cmpi slt, %select_n3A_67, %lt3A_76 : i32
    %ne3A_78 = vector.broadcast %lt3A_77 : i1 to vector<1x8000xi1>
    %ne3A_79 = vector.broadcast %ne3A_78 : vector<1x8000xi1> to vector<1x8000xi1>
    %ne3A_80 = arith.xori %lt3A_75, %ne3A_79 : vector<1x8000xi1>
    %and3A_81 = arith.andi %ne3A_80, %ne3A_72 : vector<1x8000xi1>
    %add3A_82 = vector.broadcast %select_n3A_67 : i32 to vector<1x8000xi32>
    %add3A_83 = arith.addi %rem3A_69, %add3A_82 : vector<1x8000xi32>
    %select_n3A_84 = arith.select %and3A_81, %add3A_83, %rem3A_69 : vector<1x8000xi1>, vector<1x8000xi32>
    %iota3A_85 = tpu.iota {dimensions = array<i32: 0>} : vector<128x1xi32>
    %eq3A_86 = vector.broadcast %select_n3A_84 : vector<1x8000xi32> to vector<128x8000xi32>
    %eq3A_87 = vector.broadcast %iota3A_85 : vector<128x1xi32> to vector<128x8000xi32>
    %eq3A_88 = arith.cmpi eq, %eq3A_86, %eq3A_87 : vector<128x8000xi32>
    %convert_element_type3A_89 = arith.extui %eq3A_88 : vector<128x8000xi1> to vector<128x8000xi32>
    %convert_element_type3A_90 = arith.sitofp %convert_element_type3A_89 : vector<128x8000xi32> to vector<128x8000xf32>
    %convert_element_type3A_91 = arith.truncf %convert_element_type3A_90 : vector<128x8000xf32> to vector<128x8000xbf16>
    %eq3A_92 = arith.constant 0 : i32
    %eq3A_93 = arith.cmpi eq, %arg0, %eq3A_92 : i32
    %convert_element_type3A_94 = arith.extui %eq3A_93 : i1 to i32
    %cond3A = arith.constant 0 : i32
    %cond3A_95 = arith.cmpi ne, %convert_element_type3A_94, %cond3A : i32
    scf.if %cond3A_95 {
      %broadcast_in_dim3A_125 = arith.constant 0.000000e+00 : f32
      %broadcast_in_dim3A_126 = vector.broadcast %broadcast_in_dim3A_125 : f32 to vector<64x128xf32>
      %swap3A_127 = arith.constant 0 : index
      %swap3A_128 = arith.constant 0 : index
      %swap3A_129 = vector.load %arg8[%swap3A_127, %swap3A_128] : memref<64x128xf32, #tpu.memory_space<vmem>>, vector<64x128xf32>
      tpu.vector_store %arg8[%swap3A_127, %swap3A_128], %broadcast_in_dim3A_126 {strides = array<i32>} : memref<64x128xf32, #tpu.memory_space<vmem>>, vector<64x128xf32>,
      %broadcast_in_dim3A_130 = arith.constant 0.000000e+00 : f32
      %broadcast_in_dim3A_131 = vector.broadcast %broadcast_in_dim3A_130 : f32 to vector<64x128xf32>
      %swap3A_132 = arith.constant 0 : index
      %swap3A_133 = arith.constant 0 : index
      %swap3A_134 = vector.load %arg9[%swap3A_132, %swap3A_133] : memref<64x128xf32, #tpu.memory_space<vmem>>, vector<64x128xf32>
      tpu.vector_store %arg9[%swap3A_132, %swap3A_133], %broadcast_in_dim3A_131 {strides = array<i32>} : memref<64x128xf32, #tpu.memory_space<vmem>>, vector<64x128xf32>,
      %broadcast_in_dim3A_135 = arith.constant 0.000000e+00 : f32
      %broadcast_in_dim3A_136 = vector.broadcast %broadcast_in_dim3A_135 : f32 to vector<80x128xf32>
      %swap3A_137 = arith.constant 0 : index
      %swap3A_138 = arith.constant 0 : index
      %swap3A_139 = vector.load %arg10[%swap3A_137, %swap3A_138] : memref<80x128xf32, #tpu.memory_space<vmem>>, vector<80x128xf32>
      tpu.vector_store %arg10[%swap3A_137, %swap3A_138], %broadcast_in_dim3A_136 {strides = array<i32>} : memref<80x128xf32, #tpu.memory_space<vmem>>, vector<80x128xf32>,
    } else {
    }
    %get3A_96 = arith.constant 0 : index
    %get3A_97 = arith.constant 0 : index
    %get3A_98 = vector.load %arg8[%get3A_96, %get3A_97] : memref<64x128xf32, #tpu.memory_space<vmem>>, vector<64x128xf32>
    %convert_element_type3A_99 = arith.truncf %max3A_11 : vector<8000x128xf32> to vector<8000x128xbf16>
    %dot_general3A_100 = arith.constant dense<0.000000e+00> : vector<64x128xf32>
    %dot_general3A_101 = tpu.matmul %convert_element_type3A_28, %convert_element_type3A_99, %dot_general3A_100 {dimension_numbers = #tpu.dot_dimension_numbers<[1], [0], [0], [1], [0, 0, 1, 1], [], []>, transpose_lhs_hint = false} : vector<64x8000xbf16>, vector<8000x128xbf16>, vector<64x128xf32> -> vector<64x128xf32>
    %add3A_102 = arith.addf %get3A_98, %dot_general3A_101 : vector<64x128xf32>
    %swap3A = arith.constant 0 : index
    %swap3A_103 = arith.constant 0 : index
    %swap3A_104 = vector.load %arg8[%swap3A, %swap3A_103] : memref<64x128xf32, #tpu.memory_space<vmem>>, vector<64x128xf32>
    tpu.vector_store %arg8[%swap3A, %swap3A_103], %add3A_102 {strides = array<i32>} : memref<64x128xf32, #tpu.memory_space<vmem>>, vector<64x128xf32>,
    %get3A_105 = arith.constant 0 : index
    %get3A_106 = arith.constant 0 : index
    %get3A_107 = vector.load %arg9[%get3A_105, %get3A_106] : memref<64x128xf32, #tpu.memory_space<vmem>>, vector<64x128xf32>
    %convert_element_type3A_108 = arith.extf %convert_element_type3A_28 : vector<64x8000xbf16> to vector<64x8000xf32>
    %reduce_sum3A = arith.constant dense<0.000000e+00> : vector<64xf32>
    %reduce_sum3A_109 = vector.multi_reduction <add>, %convert_element_type3A_108, %reduce_sum3A [1] : vector<64x8000xf32> to vector<64xf32>
    %broadcast_in_dim3A = vector.shape_cast %reduce_sum3A_109 : vector<64xf32> to vector<64x1xf32>
    %broadcast_in_dim3A_110 = vector.shape_cast %broadcast_in_dim3A : vector<64x1xf32> to vector<64x1xf32>
    %broadcast_in_dim3A_111 = vector.broadcast %broadcast_in_dim3A_110 : vector<64x1xf32> to vector<64x128xf32>
    %add3A_112 = arith.addf %get3A_107, %broadcast_in_dim3A_111 : vector<64x128xf32>
    %swap3A_113 = arith.constant 0 : index
    %swap3A_114 = arith.constant 0 : index
    %swap3A_115 = vector.load %arg9[%swap3A_113, %swap3A_114] : memref<64x128xf32, #tpu.memory_space<vmem>>, vector<64x128xf32>
    tpu.vector_store %arg9[%swap3A_113, %swap3A_114], %add3A_112 {strides = array<i32>} : memref<64x128xf32, #tpu.memory_space<vmem>>, vector<64x128xf32>,
    %get3A_116 = arith.constant 0 : index
    %get3A_117 = arith.constant 0 : index
    %get3A_118 = vector.load %arg10[%get3A_116, %get3A_117] : memref<80x128xf32, #tpu.memory_space<vmem>>, vector<80x128xf32>
    %dot_general3A_119 = arith.constant dense<0.000000e+00> : vector<80x128xf32>
    %dot_general3A_120 = tpu.matmul %convert_element_type3A_62, %convert_element_type3A_91, %dot_general3A_119 {dimension_numbers = #tpu.dot_dimension_numbers<[1], [1], [0], [0], [0, 0, 1, 0], [], []>, transpose_lhs_hint = false} : vector<80x8000xbf16>, vector<128x8000xbf16>, vector<80x128xf32> -> vector<80x128xf32>
    %add3A_121 = arith.addf %get3A_118, %dot_general3A_120 : vector<80x128xf32>
    %swap3A_122 = arith.constant 0 : index
    %swap3A_123 = arith.constant 0 : index
    %swap3A_124 = vector.load %arg10[%swap3A_122, %swap3A_123] : memref<80x128xf32, #tpu.memory_space<vmem>>, vector<80x128xf32>
    tpu.vector_store %arg10[%swap3A_122, %swap3A_123], %add3A_121 {strides = array<i32>} : memref<80x128xf32, #tpu.memory_space<vmem>>, vector<80x128xf32>,
    return
  }
  func.func @transform_0(%arg0: i32) -> (i32, i32) {
    %c0_i32 = arith.constant 0 : i32
    %c0_i32_0 = arith.constant 0 : i32
    return %arg0, %c0_i32 : i32, i32
  }
  func.func @transform_1(%arg0: i32) -> (i32, i32, i32) {
    %c0_i32 = arith.constant 0 : i32
    %c0_i32_0 = arith.constant 0 : i32
    %c0_i32_1 = arith.constant 0 : i32
    return %arg0, %c0_i32, %c0_i32_0 : i32, i32, i32
  }
  func.func @transform_2(%arg0: i32) -> (i32, i32, i32) {
    %c0_i32 = arith.constant 0 : i32
    %c0_i32_0 = arith.constant 0 : i32
    %c0_i32_1 = arith.constant 0 : i32
    return %arg0, %c0_i32, %c0_i32_0 : i32, i32, i32
  }
  func.func @transform_3(%arg0: i32) -> (i32, i32) {
    %c0_i32 = arith.constant 0 : i32
    %c0_i32_0 = arith.constant 0 : i32
    %c0_i32_1 = arith.constant 0 : i32
    return %c0_i32, %c0_i32_0 : i32, i32
  }
  func.func @transform_4(%arg0: i32) -> (i32, i32) {
    %c0_i32 = arith.constant 0 : i32
    %c0_i32_0 = arith.constant 0 : i32
    %c0_i32_1 = arith.constant 0 : i32
    return %c0_i32, %c0_i32_0 : i32, i32
  }
  func.func @transform_5(%arg0: i32) -> (i32, i32) {
    %c0_i32 = arith.constant 0 : i32
    %c0_i32_0 = arith.constant 0 : i32
    %c0_i32_1 = arith.constant 0 : i32
    return %c0_i32, %c0_i32_0 : i32, i32
  }
  func.func @transform_6(%arg0: i32) -> (i32, i32) {
    %c0_i32 = arith.constant 0 : i32
    %c0_i32_0 = arith.constant 0 : i32
    %c0_i32_1 = arith.constant 0 : i32
    return %c0_i32, %c0_i32_0 : i32, i32
  }
  func.func @transform_7(%arg0: i32) -> (i32, i32) {
    %c0_i32 = arith.constant 0 : i32
    %c0_i32_0 = arith.constant 0 : i32
    %c0_i32_1 = arith.constant 0 : i32
    return %c0_i32, %c0_i32_0 : i32, i32
  }
  func.func @transform_8(%arg0: i32) -> (i32, i32) {
    %c0_i32 = arith.constant 0 : i32
    %c0_i32_0 = arith.constant 0 : i32
    %c0_i32_1 = arith.constant 0 : i32
    return %c0_i32, %c0_i32_0 : i32, i32
  }
  func.func @transform_9(%arg0: i32) -> (i32, i32) {
    %c0_i32 = arith.constant 0 : i32
    %c0_i32_0 = arith.constant 0 : i32
    %c0_i32_1 = arith.constant 0 : i32
    return %c0_i32, %c0_i32_0 : i32, i32
  }
}

module attributes {stable_mosaic.version = 14 : i64} {
  func.func @_k1_body(%arg0: i32, %arg1: memref<2048x128xf32, #tpu.memory_space<vmem>>, %arg2: memref<128x128xf32, #tpu.memory_space<vmem>>, %arg3: memref<16x128xf32, #tpu.memory_space<vmem>>, %arg4: memref<2048x128xf32, #tpu.memory_space<vmem>>, %arg5: memref<2048x16xf32, #tpu.memory_space<vmem>>) attributes {dimension_semantics = [#tpu.dimension_semantics<arbitrary>], iteration_bounds = array<i64: 5>, scalar_prefetch = 0 : i64, scratch_operands = 0 : i64, tpu.core_type = #tpu.core_type<tc>, window_params = [{transform_indices = @transform_0, window_bounds = array<i64: 2048, 128>}, {pipeline_mode = #tpu.pipeline_mode<synchronous>, transform_indices = @transform_1, window_bounds = array<i64: 128, 128>}, {transform_indices = @transform_2, window_bounds = array<i64: 16, 128>}, {transform_indices = @transform_3, window_bounds = array<i64: 2048, 128>}, {transform_indices = @transform_4, window_bounds = array<i64: 2048, 16>}]} {
    %iota3A = tpu.iota {dimensions = array<i32: 0>} : vector<2048x16xi32>
    %jit3A = arith.constant 128 : i32
    %div3A = vector.broadcast %jit3A : i32 to vector<2048x16xi32>
    %div3A_0 = arith.divsi %iota3A, %div3A : vector<2048x16xi32>
    %sign3A = arith.constant 0 : i32
    %sign3A_1 = vector.broadcast %sign3A : i32 to vector<2048x16xi32>
    %sign3A_2 = arith.cmpi sgt, %iota3A, %sign3A_1 : vector<2048x16xi32>
    %sign3A_3 = arith.extui %sign3A_2 : vector<2048x16xi1> to vector<2048x16xi32>
    %sign3A_4 = arith.constant 0 : i32
    %sign3A_5 = vector.broadcast %sign3A_4 : i32 to vector<2048x16xi32>
    %sign3A_6 = arith.cmpi slt, %iota3A, %sign3A_5 : vector<2048x16xi32>
    %sign3A_7 = arith.extui %sign3A_6 : vector<2048x16xi1> to vector<2048x16xi32>
    %sign3A_8 = arith.subi %sign3A_3, %sign3A_7 : vector<2048x16xi32>
    %sign3A_9 = arith.constant 0 : i32
    %sign3A_10 = arith.cmpi sgt, %jit3A, %sign3A_9 : i32
    %sign3A_11 = arith.extui %sign3A_10 : i1 to i32
    %sign3A_12 = arith.constant 0 : i32
    %sign3A_13 = arith.cmpi slt, %jit3A, %sign3A_12 : i32
    %sign3A_14 = arith.extui %sign3A_13 : i1 to i32
    %sign3A_15 = arith.subi %sign3A_11, %sign3A_14 : i32
    %ne3A = vector.broadcast %sign3A_15 : i32 to vector<2048x16xi32>
    %ne3A_16 = arith.cmpi ne, %sign3A_8, %ne3A : vector<2048x16xi32>
    %rem3A = vector.broadcast %jit3A : i32 to vector<2048x16xi32>
    %rem3A_17 = arith.remsi %iota3A, %rem3A : vector<2048x16xi32>
    %ne3A_18 = arith.constant 0 : i32
    %ne3A_19 = vector.broadcast %ne3A_18 : i32 to vector<2048x16xi32>
    %ne3A_20 = arith.cmpi ne, %rem3A_17, %ne3A_19 : vector<2048x16xi32>
    %and3A = arith.andi %ne3A_16, %ne3A_20 : vector<2048x16xi1>
    %sub3A = arith.constant 1 : i32
    %sub3A_21 = vector.broadcast %sub3A : i32 to vector<2048x16xi32>
    %sub3A_22 = arith.subi %div3A_0, %sub3A_21 : vector<2048x16xi32>
    %select_n3A = arith.select %and3A, %sub3A_22, %div3A_0 : vector<2048x16xi1>, vector<2048x16xi32>
    %iota3A_23 = tpu.iota {dimensions = array<i32: 1>} : vector<2048x16xi32>
    %eq3A = arith.cmpi eq, %select_n3A, %iota3A_23 : vector<2048x16xi32>
    %convert_element_type3A = arith.extui %eq3A : vector<2048x16xi1> to vector<2048x16xi32>
    %convert_element_type3A_24 = arith.sitofp %convert_element_type3A : vector<2048x16xi32> to vector<2048x16xf32>
    %get3A = arith.constant 0 : index
    %get3A_25 = arith.constant 0 : index
    %get3A_26 = vector.load %arg3[%get3A, %get3A_25] : memref<16x128xf32, #tpu.memory_space<vmem>>, vector<16x128xf32>
    %dot_general3A = arith.constant dense<0.000000e+00> : vector<2048x128xf32>
    %dot_general3A_27 = tpu.matmul %convert_element_type3A_24, %get3A_26, %dot_general3A {dimension_numbers = #tpu.dot_dimension_numbers<[1], [0], [0], [1], [0, 0, 1, 1], [], []>, transpose_lhs_hint = false} : vector<2048x16xf32>, vector<16x128xf32>, vector<2048x128xf32> -> vector<2048x128xf32>
    %iota3A_28 = tpu.iota {dimensions = array<i32: 0>} : vector<2048x128xi32>
    %jit3A_29 = arith.constant 128 : i32
    %eq3A_30 = arith.constant 0 : i32
    %eq3A_31 = arith.cmpi eq, %jit3A_29, %eq3A_30 : i32
    %jit3A_32 = arith.constant 1 : i32
    %select_n3A_33 = arith.select %eq3A_31, %jit3A_32, %jit3A_29 : i32
    %rem3A_34 = vector.broadcast %select_n3A_33 : i32 to vector<2048x128xi32>
    %rem3A_35 = arith.remsi %iota3A_28, %rem3A_34 : vector<2048x128xi32>
    %ne3A_36 = arith.constant 0 : i32
    %ne3A_37 = vector.broadcast %ne3A_36 : i32 to vector<2048x128xi32>
    %ne3A_38 = arith.cmpi ne, %rem3A_35, %ne3A_37 : vector<2048x128xi32>
    %lt3A = arith.constant 0 : i32
    %lt3A_39 = vector.broadcast %lt3A : i32 to vector<2048x128xi32>
    %lt3A_40 = arith.cmpi slt, %rem3A_35, %lt3A_39 : vector<2048x128xi32>
    %lt3A_41 = arith.constant 0 : i32
    %lt3A_42 = arith.cmpi slt, %select_n3A_33, %lt3A_41 : i32
    %ne3A_43 = vector.broadcast %lt3A_42 : i1 to vector<2048x128xi1>
    %ne3A_44 = vector.broadcast %ne3A_43 : vector<2048x128xi1> to vector<2048x128xi1>
    %ne3A_45 = arith.xori %lt3A_40, %ne3A_44 : vector<2048x128xi1>
    %and3A_46 = arith.andi %ne3A_45, %ne3A_38 : vector<2048x128xi1>
    %add3A = vector.broadcast %select_n3A_33 : i32 to vector<2048x128xi32>
    %add3A_47 = arith.addi %rem3A_35, %add3A : vector<2048x128xi32>
    %select_n3A_48 = arith.select %and3A_46, %add3A_47, %rem3A_35 : vector<2048x128xi1>, vector<2048x128xi32>
    %iota3A_49 = tpu.iota {dimensions = array<i32: 1>} : vector<2048x128xi32>
    %eq3A_50 = arith.cmpi eq, %select_n3A_48, %iota3A_49 : vector<2048x128xi32>
    %jit3A_51 = arith.constant 0.000000e+00 : f32
    %broadcast_in_dim3A = vector.broadcast %jit3A_51 : f32 to vector<2048x128xf32>
    %select_n3A_52 = arith.select %eq3A_50, %dot_general3A_27, %broadcast_in_dim3A : vector<2048x128xi1>, vector<2048x128xf32>
    %reduce_sum3A = arith.constant dense<0.000000e+00> : vector<2048xf32>
    %reduce_sum3A_53 = vector.multi_reduction <add>, %select_n3A_52, %reduce_sum3A [1] : vector<2048x128xf32> to vector<2048xf32>
    %broadcast_in_dim3A_54 = vector.shape_cast %reduce_sum3A_53 : vector<2048xf32> to vector<2048x1xf32>
    %add3A_55 = arith.constant 1.000000e+00 : f32
    %add3A_56 = vector.broadcast %add3A_55 : f32 to vector<2048x1xf32>
    %add3A_57 = arith.addf %broadcast_in_dim3A_54, %add3A_56 : vector<2048x1xf32>
    %max3A = arith.constant 1.000000e+00 : f32
    %max3A_58 = vector.broadcast %max3A : f32 to vector<2048x1xf32>
    %max3A_59 = arith.maximumf %add3A_57, %max3A_58 : vector<2048x1xf32>
    %rsqrt3A = math.rsqrt %max3A_59 : vector<2048x1xf32>
    %get3A_60 = arith.constant 0 : index
    %get3A_61 = arith.constant 0 : index
    %get3A_62 = vector.load %arg1[%get3A_60, %get3A_61] : memref<2048x128xf32, #tpu.memory_space<vmem>>, vector<2048x128xf32>
    %get3A_63 = arith.constant 0 : index
    %get3A_64 = arith.constant 0 : index
    %get3A_65 = vector.load %arg2[%get3A_63, %get3A_64] : memref<128x128xf32, #tpu.memory_space<vmem>>, vector<128x128xf32>
    %dot_general3A_66 = arith.constant dense<0.000000e+00> : vector<2048x128xf32>
    %dot_general3A_67 = tpu.matmul %get3A_62, %get3A_65, %dot_general3A_66 {dimension_numbers = #tpu.dot_dimension_numbers<[1], [0], [0], [1], [0, 0, 1, 1], [], []>, transpose_lhs_hint = false} : vector<2048x128xf32>, vector<128x128xf32>, vector<2048x128xf32> -> vector<2048x128xf32>
    %mul3A = vector.broadcast %rsqrt3A : vector<2048x1xf32> to vector<2048x128xf32>
    %mul3A_68 = arith.mulf %dot_general3A_67, %mul3A : vector<2048x128xf32>
    %swap3A = arith.constant 0 : index
    %swap3A_69 = arith.constant 0 : index
    %swap3A_70 = vector.load %arg4[%swap3A, %swap3A_69] : memref<2048x128xf32, #tpu.memory_space<vmem>>, vector<2048x128xf32>
    tpu.vector_store %arg4[%swap3A, %swap3A_69], %mul3A_68 {strides = array<i32>} : memref<2048x128xf32, #tpu.memory_space<vmem>>, vector<2048x128xf32>,
    %broadcast_in_dim3A_71 = vector.shape_cast %rsqrt3A : vector<2048x1xf32> to vector<2048x1xf32>
    %broadcast_in_dim3A_72 = vector.broadcast %broadcast_in_dim3A_71 : vector<2048x1xf32> to vector<2048x16xf32>
    %swap3A_73 = arith.constant 0 : index
    %swap3A_74 = arith.constant 0 : index
    %swap3A_75 = vector.load %arg5[%swap3A_73, %swap3A_74] : memref<2048x16xf32, #tpu.memory_space<vmem>>, vector<2048x16xf32>
    tpu.vector_store %arg5[%swap3A_73, %swap3A_74], %broadcast_in_dim3A_72 {strides = array<i32>} : memref<2048x16xf32, #tpu.memory_space<vmem>>, vector<2048x16xf32>,
    return
  }
  func.func @transform_0(%arg0: i32) -> (i32, i32) {
    %c0_i32 = arith.constant 0 : i32
    %c0_i32_0 = arith.constant 0 : i32
    return %arg0, %c0_i32 : i32, i32
  }
  func.func @transform_1(%arg0: i32) -> (i32, i32) {
    %c0_i32 = arith.constant 0 : i32
    %c0_i32_0 = arith.constant 0 : i32
    %c0_i32_1 = arith.constant 0 : i32
    return %c0_i32, %c0_i32_0 : i32, i32
  }
  func.func @transform_2(%arg0: i32) -> (i32, i32) {
    %c0_i32 = arith.constant 0 : i32
    %c0_i32_0 = arith.constant 0 : i32
    return %arg0, %c0_i32 : i32, i32
  }
  func.func @transform_3(%arg0: i32) -> (i32, i32) {
    %c0_i32 = arith.constant 0 : i32
    %c0_i32_0 = arith.constant 0 : i32
    return %arg0, %c0_i32 : i32, i32
  }
  func.func @transform_4(%arg0: i32) -> (i32, i32) {
    %c0_i32 = arith.constant 0 : i32
    %c0_i32_0 = arith.constant 0 : i32
    return %arg0, %c0_i32 : i32, i32
  }
}

module attributes {stable_mosaic.version = 14 : i64} {
  func.func @_layer_mid_body(%arg0: i32, %arg1: i32, %arg2: memref<2x2048x128xf32, #tpu.memory_space<vmem>>, %arg3: memref<2048x128xf32, #tpu.memory_space<vmem>>, %arg4: memref<2048x16xf32, #tpu.memory_space<vmem>>, %arg5: memref<1x128xf32, #tpu.memory_space<vmem>>, %arg6: memref<1x128xf32, #tpu.memory_space<vmem>>, %arg7: memref<1x128xf32, #tpu.memory_space<vmem>>, %arg8: memref<128x128xf32, #tpu.memory_space<vmem>>, %arg9: memref<2048x128xf32, #tpu.memory_space<vmem>>, %arg10: memref<10240x128xf32, #tpu.memory_space<vmem>>, %arg11: memref<8x128xf32, #tpu.memory_space<vmem>>) attributes {dimension_semantics = [#tpu.dimension_semantics<arbitrary>, #tpu.dimension_semantics<arbitrary>], iteration_bounds = array<i64: 2, 5>, scalar_prefetch = 0 : i64, scratch_operands = 2 : i64, tpu.core_type = #tpu.core_type<tc>, window_params = [{transform_indices = @transform_0, window_bounds = array<i64: 2, 2048, 128>}, {transform_indices = @transform_1, window_bounds = array<i64: 2048, 128>}, {transform_indices = @transform_2, window_bounds = array<i64: 2048, 16>}, {pipeline_mode = #tpu.pipeline_mode<synchronous>, transform_indices = @transform_3, window_bounds = array<i64: 1, 128>}, {pipeline_mode = #tpu.pipeline_mode<synchronous>, transform_indices = @transform_4, window_bounds = array<i64: 1, 128>}, {pipeline_mode = #tpu.pipeline_mode<synchronous>, transform_indices = @transform_5, window_bounds = array<i64: 1, 128>}, {pipeline_mode = #tpu.pipeline_mode<synchronous>, transform_indices = @transform_6, window_bounds = array<i64: 128, 128>}, {transform_indices = @transform_7, window_bounds = array<i64: 2048, 128>}]} {
    %eq3A = arith.constant 0 : i32
    %eq3A_0 = arith.cmpi eq, %arg0, %eq3A : i32
    %convert_element_type3A = arith.extui %eq3A_0 : i1 to i32
    %cond3A = arith.constant 0 : i32
    %cond3A_1 = arith.cmpi ne, %convert_element_type3A, %cond3A : i32
    scf.if %cond3A_1 {
      %get3A = arith.constant 0 : index
      %get3A_7 = arith.constant 0 : index
      %get3A_8 = vector.load %arg4[%get3A, %get3A_7] : memref<2048x16xf32, #tpu.memory_space<vmem>>, vector<2048x1xf32>
      %get3A_9 = arith.constant 0 : index
      %get3A_10 = arith.constant 0 : index
      %get3A_11 = arith.constant 0 : index
      %get3A_12 = vector.load %arg2[%get3A_9, %get3A_10, %get3A_11] : memref<2x2048x128xf32, #tpu.memory_space<vmem>>, vector<1x2048x128xf32>
      %get3A_13 = vector.shape_cast %get3A_12 : vector<1x2048x128xf32> to vector<2048x128xf32>
      %get3A_14 = arith.constant 1 : index
      %get3A_15 = arith.constant 0 : index
      %get3A_16 = arith.constant 0 : index
      %get3A_17 = vector.load %arg2[%get3A_14, %get3A_15, %get3A_16] : memref<2x2048x128xf32, #tpu.memory_space<vmem>>, vector<1x2048x128xf32>
      %get3A_18 = vector.shape_cast %get3A_17 : vector<1x2048x128xf32> to vector<2048x128xf32>
      %add3A = arith.addf %get3A_13, %get3A_18 : vector<2048x128xf32>
      %get3A_19 = arith.constant 0 : index
      %get3A_20 = arith.constant 0 : index
      %get3A_21 = vector.load %arg3[%get3A_19, %get3A_20] : memref<2048x128xf32, #tpu.memory_space<vmem>>, vector<2048x128xf32>
      %add3A_22 = arith.addf %add3A, %get3A_21 : vector<2048x128xf32>
      %mul3A = vector.broadcast %get3A_8 : vector<2048x1xf32> to vector<2048x128xf32>
      %mul3A_23 = arith.mulf %mul3A, %add3A_22 : vector<2048x128xf32>
      %get3A_24 = arith.constant 0 : index
      %get3A_25 = arith.constant 0 : index
      %get3A_26 = vector.load %arg5[%get3A_24, %get3A_25] : memref<1x128xf32, #tpu.memory_space<vmem>>, vector<1x128xf32>
      %add3A_27 = vector.broadcast %get3A_26 : vector<1x128xf32> to vector<2048x128xf32>
      %add3A_28 = arith.addf %mul3A_23, %add3A_27 : vector<2048x128xf32>
      %mul3A_29 = arith.constant 2048 : i32
      %mul3A_30 = arith.muli %arg1, %mul3A_29 : i32
      %swap3A = arith.index_cast %mul3A_30 : i32 to index
      %swap3A_31 = arith.constant 0 : index
      %swap3A_32 = vector.load %arg10[%swap3A, %swap3A_31] : memref<10240x128xf32, #tpu.memory_space<vmem>>, vector<2048x128xf32>
      tpu.vector_store %arg10[%swap3A, %swap3A_31], %add3A_28 {strides = array<i32>} : memref<10240x128xf32, #tpu.memory_space<vmem>>, vector<2048x128xf32>,
      %eq3A_33 = arith.constant 0 : i32
      %eq3A_34 = arith.cmpi eq, %arg1, %eq3A_33 : i32
      %convert_element_type3A_35 = arith.extui %eq3A_34 : i1 to i32
      %cond3A_36 = arith.constant 0 : i32
      %cond3A_37 = arith.cmpi ne, %convert_element_type3A_35, %cond3A_36 : i32
      scf.if %cond3A_37 {
        %broadcast_in_dim3A_62 = arith.constant 0.000000e+00 : f32
        %broadcast_in_dim3A_63 = vector.broadcast %broadcast_in_dim3A_62 : f32 to vector<8x128xf32>
        %swap3A_64 = arith.constant 0 : index
        %swap3A_65 = arith.constant 0 : index
        %swap3A_66 = vector.load %arg11[%swap3A_64, %swap3A_65] : memref<8x128xf32, #tpu.memory_space<vmem>>, vector<8x128xf32>
        tpu.vector_store %arg11[%swap3A_64, %swap3A_65], %broadcast_in_dim3A_63 {strides = array<i32>} : memref<8x128xf32, #tpu.memory_space<vmem>>, vector<8x128xf32>,
      } else {
      }
      %get3A_38 = arith.constant 0 : index
      %get3A_39 = arith.constant 0 : index
      %get3A_40 = vector.load %arg11[%get3A_38, %get3A_39] : memref<8x128xf32, #tpu.memory_space<vmem>>, vector<1x128xf32>
      %reduce_sum3A = arith.constant dense<0.000000e+00> : vector<128xf32>
      %reduce_sum3A_41 = vector.multi_reduction <add>, %add3A_28, %reduce_sum3A [0] : vector<2048x128xf32> to vector<128xf32>
      %broadcast_in_dim3A = vector.shape_cast %reduce_sum3A_41 : vector<128xf32> to vector<1x128xf32>
      %add3A_42 = arith.addf %get3A_40, %broadcast_in_dim3A : vector<1x128xf32>
      %swap3A_43 = arith.constant 0 : index
      %swap3A_44 = arith.constant 0 : index
      %swap3A_45 = vector.load %arg11[%swap3A_43, %swap3A_44] : memref<8x128xf32, #tpu.memory_space<vmem>>, vector<1x128xf32>
      tpu.vector_store %arg11[%swap3A_43, %swap3A_44], %add3A_42 {strides = array<i32>} : memref<8x128xf32, #tpu.memory_space<vmem>>, vector<1x128xf32>,
      %get3A_46 = arith.constant 1 : index
      %get3A_47 = arith.constant 0 : index
      %get3A_48 = vector.load %arg11[%get3A_46, %get3A_47] : memref<8x128xf32, #tpu.memory_space<vmem>>, vector<1x128xf32>
      %mul3A_49 = arith.mulf %add3A_28, %add3A_28 : vector<2048x128xf32>
      %reduce_sum3A_50 = arith.constant dense<0.000000e+00> : vector<128xf32>
      %reduce_sum3A_51 = vector.multi_reduction <add>, %mul3A_49, %reduce_sum3A_50 [0] : vector<2048x128xf32> to vector<128xf32>
      %broadcast_in_dim3A_52 = vector.shape_cast %reduce_sum3A_51 : vector<128xf32> to vector<1x128xf32>
      %add3A_53 = arith.addf %get3A_48, %broadcast_in_dim3A_52 : vector<1x128xf32>
      %swap3A_54 = arith.constant 1 : index
      %swap3A_55 = arith.constant 0 : index
      %swap3A_56 = vector.load %arg11[%swap3A_54, %swap3A_55] : memref<8x128xf32, #tpu.memory_space<vmem>>, vector<1x128xf32>
      tpu.vector_store %arg11[%swap3A_54, %swap3A_55], %add3A_53 {strides = array<i32>} : memref<8x128xf32, #tpu.memory_space<vmem>>, vector<1x128xf32>,
      %eq3A_57 = arith.constant 4 : i32
      %eq3A_58 = arith.cmpi eq, %arg1, %eq3A_57 : i32
      %convert_element_type3A_59 = arith.extui %eq3A_58 : i1 to i32
      %cond3A_60 = arith.constant 0 : i32
      %cond3A_61 = arith.cmpi ne, %convert_element_type3A_59, %cond3A_60 : i32
      scf.if %cond3A_61 {
        %slice3A = vector.extract_strided_slice %add3A_28 {offsets = [2047, 0], sizes = [1, 128], strides = [1, 1]} : vector<2048x128xf32> to vector<1x128xf32>
        %get3A_62 = arith.constant 0 : index
        %get3A_63 = arith.constant 0 : index
        %get3A_64 = vector.load %arg11[%get3A_62, %get3A_63] : memref<8x128xf32, #tpu.memory_space<vmem>>, vector<1x128xf32>
        %mul3A_65 = arith.constant -2.400000e+02 : f32
        %mul3A_66 = vector.broadcast %mul3A_65 : f32 to vector<1x128xf32>
        %mul3A_67 = arith.mulf %mul3A_66, %slice3A : vector<1x128xf32>
        %add3A_68 = arith.addf %get3A_64, %mul3A_67 : vector<1x128xf32>
        %swap3A_69 = arith.constant 0 : index
        %swap3A_70 = arith.constant 0 : index
        %swap3A_71 = vector.load %arg11[%swap3A_69, %swap3A_70] : memref<8x128xf32, #tpu.memory_space<vmem>>, vector<1x128xf32>
        tpu.vector_store %arg11[%swap3A_69, %swap3A_70], %add3A_68 {strides = array<i32>} : memref<8x128xf32, #tpu.memory_space<vmem>>, vector<1x128xf32>,
        %get3A_72 = arith.constant 1 : index
        %get3A_73 = arith.constant 0 : index
        %get3A_74 = vector.load %arg11[%get3A_72, %get3A_73] : memref<8x128xf32, #tpu.memory_space<vmem>>, vector<1x128xf32>
        %mul3A_75 = arith.constant -2.400000e+02 : f32
        %mul3A_76 = vector.broadcast %mul3A_75 : f32 to vector<1x128xf32>
        %mul3A_77 = arith.mulf %mul3A_76, %slice3A : vector<1x128xf32>
        %mul3A_78 = arith.mulf %mul3A_77, %slice3A : vector<1x128xf32>
        %add3A_79 = arith.addf %get3A_74, %mul3A_78 : vector<1x128xf32>
        %swap3A_80 = arith.constant 1 : index
        %swap3A_81 = arith.constant 0 : index
        %swap3A_82 = vector.load %arg11[%swap3A_80, %swap3A_81] : memref<8x128xf32, #tpu.memory_space<vmem>>, vector<1x128xf32>
        tpu.vector_store %arg11[%swap3A_80, %swap3A_81], %add3A_79 {strides = array<i32>} : memref<8x128xf32, #tpu.memory_space<vmem>>, vector<1x128xf32>,
      } else {
      }
    } else {
    }
    %eq3A_2 = arith.constant 1 : i32
    %eq3A_3 = arith.cmpi eq, %arg0, %eq3A_2 : i32
    %convert_element_type3A_4 = arith.extui %eq3A_3 : i1 to i32
    %cond3A_5 = arith.constant 0 : i32
    %cond3A_6 = arith.cmpi ne, %convert_element_type3A_4, %cond3A_5 : i32
    scf.if %cond3A_6 {
      %get3A = arith.constant 0 : index
      %get3A_7 = arith.constant 0 : index
      %get3A_8 = vector.load %arg11[%get3A, %get3A_7] : memref<8x128xf32, #tpu.memory_space<vmem>>, vector<1x128xf32>
      %mul3A = arith.constant 9.99999974E-5 : f32
      %mul3A_9 = vector.broadcast %mul3A : f32 to vector<1x128xf32>
      %mul3A_10 = arith.mulf %get3A_8, %mul3A_9 : vector<1x128xf32>
      %get3A_11 = arith.constant 1 : index
      %get3A_12 = arith.constant 0 : index
      %get3A_13 = vector.load %arg11[%get3A_11, %get3A_12] : memref<8x128xf32, #tpu.memory_space<vmem>>, vector<1x128xf32>
      %mul3A_14 = arith.constant 9.99999974E-5 : f32
      %mul3A_15 = vector.broadcast %mul3A_14 : f32 to vector<1x128xf32>
      %mul3A_16 = arith.mulf %get3A_13, %mul3A_15 : vector<1x128xf32>
      %mul3A_17 = arith.mulf %mul3A_10, %mul3A_10 : vector<1x128xf32>
      %sub3A = arith.subf %mul3A_16, %mul3A_17 : vector<1x128xf32>
      %add3A = arith.constant 9.99999974E-6 : f32
      %add3A_18 = vector.broadcast %add3A : f32 to vector<1x128xf32>
      %add3A_19 = arith.addf %sub3A, %add3A_18 : vector<1x128xf32>
      %rsqrt3A = math.rsqrt %add3A_19 : vector<1x128xf32>
      %mul3A_20 = arith.constant 2048 : i32
      %mul3A_21 = arith.muli %arg1, %mul3A_20 : i32
      %get3A_22 = arith.index_cast %mul3A_21 : i32 to index
      %get3A_23 = arith.constant 0 : index
      %get3A_24 = vector.load %arg10[%get3A_22, %get3A_23] : memref<10240x128xf32, #tpu.memory_space<vmem>>, vector<2048x128xf32>
      %sub3A_25 = vector.broadcast %mul3A_10 : vector<1x128xf32> to vector<2048x128xf32>
      %sub3A_26 = arith.subf %get3A_24, %sub3A_25 : vector<2048x128xf32>
      %mul3A_27 = vector.broadcast %rsqrt3A : vector<1x128xf32> to vector<2048x128xf32>
      %mul3A_28 = arith.mulf %sub3A_26, %mul3A_27 : vector<2048x128xf32>
      %get3A_29 = arith.constant 0 : index
      %get3A_30 = arith.constant 0 : index
      %get3A_31 = vector.load %arg6[%get3A_29, %get3A_30] : memref<1x128xf32, #tpu.memory_space<vmem>>, vector<1x128xf32>
      %mul3A_32 = vector.broadcast %get3A_31 : vector<1x128xf32> to vector<2048x128xf32>
      %mul3A_33 = arith.mulf %mul3A_28, %mul3A_32 : vector<2048x128xf32>
      %get3A_34 = arith.constant 0 : index
      %get3A_35 = arith.constant 0 : index
      %get3A_36 = vector.load %arg7[%get3A_34, %get3A_35] : memref<1x128xf32, #tpu.memory_space<vmem>>, vector<1x128xf32>
      %add3A_37 = vector.broadcast %get3A_36 : vector<1x128xf32> to vector<2048x128xf32>
      %add3A_38 = arith.addf %mul3A_33, %add3A_37 : vector<2048x128xf32>
      %max3A = arith.constant 0.000000e+00 : f32
      %max3A_39 = vector.broadcast %max3A : f32 to vector<2048x128xf32>
      %max3A_40 = arith.maximumf %add3A_38, %max3A_39 : vector<2048x128xf32>
      %get3A_41 = arith.constant 0 : index
      %get3A_42 = arith.constant 0 : index
      %get3A_43 = vector.load %arg8[%get3A_41, %get3A_42] : memref<128x128xf32, #tpu.memory_space<vmem>>, vector<128x128xf32>
      %dot_general3A = arith.constant dense<0.000000e+00> : vector<2048x128xf32>
      %dot_general3A_44 = tpu.matmul %max3A_40, %get3A_43, %dot_general3A {dimension_numbers = #tpu.dot_dimension_numbers<[1], [0], [0], [1], [0, 0, 1, 1], [], []>, transpose_lhs_hint = false} : vector<2048x128xf32>, vector<128x128xf32>, vector<2048x128xf32> -> vector<2048x128xf32>
      %iota3A = tpu.iota {dimensions = array<i32: 0>} : vector<2048x1xi32>
      %mul3A_45 = arith.constant 2048 : i32
      %mul3A_46 = arith.muli %arg1, %mul3A_45 : i32
      %add3A_47 = vector.broadcast %mul3A_46 : i32 to vector<2048x1xi32>
      %add3A_48 = arith.addi %iota3A, %add3A_47 : vector<2048x1xi32>
      %lt3A = arith.constant 10000 : i32
      %lt3A_49 = vector.broadcast %lt3A : i32 to vector<2048x1xi32>
      %lt3A_50 = arith.cmpi slt, %add3A_48, %lt3A_49 : vector<2048x1xi32>
      %convert_element_type3A_51 = arith.extui %lt3A_50 : vector<2048x1xi1> to vector<2048x1xi32>
      %convert_element_type3A_52 = arith.sitofp %convert_element_type3A_51 : vector<2048x1xi32> to vector<2048x1xf32>
      %get3A_53 = arith.constant 0 : index
      %get3A_54 = arith.constant 0 : index
      %get3A_55 = vector.load %arg4[%get3A_53, %get3A_54] : memref<2048x16xf32, #tpu.memory_space<vmem>>, vector<2048x1xf32>
      %mul3A_56 = vector.broadcast %get3A_55 : vector<2048x1xf32> to vector<2048x128xf32>
      %mul3A_57 = arith.mulf %dot_general3A_44, %mul3A_56 : vector<2048x128xf32>
      %mul3A_58 = vector.broadcast %convert_element_type3A_52 : vector<2048x1xf32> to vector<2048x128xf32>
      %mul3A_59 = arith.mulf %mul3A_57, %mul3A_58 : vector<2048x128xf32>
      %swap3A = arith.constant 0 : index
      %swap3A_60 = arith.constant 0 : index
      %swap3A_61 = vector.load %arg9[%swap3A, %swap3A_60] : memref<2048x128xf32, #tpu.memory_space<vmem>>, vector<2048x128xf32>
      tpu.vector_store %arg9[%swap3A, %swap3A_60], %mul3A_59 {strides = array<i32>} : memref<2048x128xf32, #tpu.memory_space<vmem>>, vector<2048x128xf32>,
    } else {
    }
    return
  }
  func.func @transform_0(%arg0: i32, %arg1: i32) -> (i32, i32, i32) {
    %sub3A = arith.constant 1 : i32
    %sub3A_0 = arith.subi %sub3A, %arg0 : i32
    %mul3A = arith.muli %arg1, %sub3A_0 : i32
    %c0_i32 = arith.constant 0 : i32
    %c0_i32_1 = arith.constant 0 : i32
    %c0_i32_2 = arith.constant 0 : i32
    return %c0_i32, %mul3A, %c0_i32_1 : i32, i32, i32
  }
  func.func @transform_1(%arg0: i32, %arg1: i32) -> (i32, i32) {
    %sub3A = arith.constant 1 : i32
    %sub3A_0 = arith.subi %sub3A, %arg0 : i32
    %mul3A = arith.muli %arg1, %sub3A_0 : i32
    %c0_i32 = arith.constant 0 : i32
    %c0_i32_1 = arith.constant 0 : i32
    return %mul3A, %c0_i32 : i32, i32
  }
  func.func @transform_2(%arg0: i32, %arg1: i32) -> (i32, i32) {
    %c0_i32 = arith.constant 0 : i32
    %c0_i32_0 = arith.constant 0 : i32
    return %arg1, %c0_i32 : i32, i32
  }
  func.func @transform_3(%arg0: i32, %arg1: i32) -> (i32, i32) {
    %c0_i32 = arith.constant 0 : i32
    %c0_i32_0 = arith.constant 0 : i32
    %c0_i32_1 = arith.constant 0 : i32
    return %c0_i32, %c0_i32_0 : i32, i32
  }
  func.func @transform_4(%arg0: i32, %arg1: i32) -> (i32, i32) {
    %c0_i32 = arith.constant 0 : i32
    %c0_i32_0 = arith.constant 0 : i32
    %c0_i32_1 = arith.constant 0 : i32
    return %c0_i32, %c0_i32_0 : i32, i32
  }
  func.func @transform_5(%arg0: i32, %arg1: i32) -> (i32, i32) {
    %c0_i32 = arith.constant 0 : i32
    %c0_i32_0 = arith.constant 0 : i32
    %c0_i32_1 = arith.constant 0 : i32
    return %c0_i32, %c0_i32_0 : i32, i32
  }
  func.func @transform_6(%arg0: i32, %arg1: i32) -> (i32, i32) {
    %c0_i32 = arith.constant 0 : i32
    %c0_i32_0 = arith.constant 0 : i32
    %c0_i32_1 = arith.constant 0 : i32
    return %c0_i32, %c0_i32_0 : i32, i32
  }
  func.func @transform_7(%arg0: i32, %arg1: i32) -> (i32, i32) {
    %mul3A = arith.muli %arg1, %arg0 : i32
    %c0_i32 = arith.constant 0 : i32
    %c0_i32_0 = arith.constant 0 : i32
    return %mul3A, %c0_i32 : i32, i32
  }
}

module attributes {stable_mosaic.version = 14 : i64} {
  func.func @_layer_final_body(%arg0: i32, %arg1: i32, %arg2: memref<2x2048x128xf32, #tpu.memory_space<vmem>>, %arg3: memref<2048x128xf32, #tpu.memory_space<vmem>>, %arg4: memref<2048x16xf32, #tpu.memory_space<vmem>>, %arg5: memref<1x128xf32, #tpu.memory_space<vmem>>, %arg6: memref<1x128xf32, #tpu.memory_space<vmem>>, %arg7: memref<1x128xf32, #tpu.memory_space<vmem>>, %arg8: memref<1x1x2048xi32, #tpu.memory_space<vmem>>, %arg9: memref<64x128xf32, #tpu.memory_space<vmem>>, %arg10: memref<64x128xf32, #tpu.memory_space<vmem>>, %arg11: memref<128x128xf32, #tpu.memory_space<vmem>>, %arg12: memref<1x128xf32, #tpu.memory_space<vmem>>, %arg13: memref<64x128xf32, #tpu.memory_space<vmem>>, %arg14: memref<10240x128xf32, #tpu.memory_space<vmem>>, %arg15: memref<8x128xf32, #tpu.memory_space<vmem>>, %arg16: memref<64x128xf32, #tpu.memory_space<vmem>>, %arg17: memref<64x128xf32, #tpu.memory_space<vmem>>) attributes {dimension_semantics = [#tpu.dimension_semantics<arbitrary>, #tpu.dimension_semantics<arbitrary>], iteration_bounds = array<i64: 2, 5>, scalar_prefetch = 0 : i64, scratch_operands = 4 : i64, tpu.core_type = #tpu.core_type<tc>, window_params = [{transform_indices = @transform_0, window_bounds = array<i64: 2, 2048, 128>}, {transform_indices = @transform_1, window_bounds = array<i64: 2048, 128>}, {transform_indices = @transform_2, window_bounds = array<i64: 2048, 16>}, {pipeline_mode = #tpu.pipeline_mode<synchronous>, transform_indices = @transform_3, window_bounds = array<i64: 1, 128>}, {pipeline_mode = #tpu.pipeline_mode<synchronous>, transform_indices = @transform_4, window_bounds = array<i64: 1, 128>}, {pipeline_mode = #tpu.pipeline_mode<synchronous>, transform_indices = @transform_5, window_bounds = array<i64: 1, 128>}, {transform_indices = @transform_6, window_bounds = array<i64: 1, 1, 2048>}, {pipeline_mode = #tpu.pipeline_mode<synchronous>, transform_indices = @transform_7, window_bounds = array<i64: 64, 128>}, {pipeline_mode = #tpu.pipeline_mode<synchronous>, transform_indices = @transform_8, window_bounds = array<i64: 64, 128>}, {pipeline_mode = #tpu.pipeline_mode<synchronous>, transform_indices = @transform_9, window_bounds = array<i64: 128, 128>}, {pipeline_mode = #tpu.pipeline_mode<synchronous>, transform_indices = @transform_10, window_bounds = array<i64: 1, 128>}, {pipeline_mode = #tpu.pipeline_mode<synchronous>, transform_indices = @transform_11, window_bounds = array<i64: 64, 128>}]} {
    %eq3A = arith.constant 0 : i32
    %eq3A_0 = arith.cmpi eq, %arg0, %eq3A : i32
    %convert_element_type3A = arith.extui %eq3A_0 : i1 to i32
    %cond3A = arith.constant 0 : i32
    %cond3A_1 = arith.cmpi ne, %convert_element_type3A, %cond3A : i32
    scf.if %cond3A_1 {
      %get3A = arith.constant 0 : index
      %get3A_7 = arith.constant 0 : index
      %get3A_8 = vector.load %arg4[%get3A, %get3A_7] : memref<2048x16xf32, #tpu.memory_space<vmem>>, vector<2048x1xf32>
      %get3A_9 = arith.constant 0 : index
      %get3A_10 = arith.constant 0 : index
      %get3A_11 = arith.constant 0 : index
      %get3A_12 = vector.load %arg2[%get3A_9, %get3A_10, %get3A_11] : memref<2x2048x128xf32, #tpu.memory_space<vmem>>, vector<1x2048x128xf32>
      %get3A_13 = vector.shape_cast %get3A_12 : vector<1x2048x128xf32> to vector<2048x128xf32>
      %get3A_14 = arith.constant 1 : index
      %get3A_15 = arith.constant 0 : index
      %get3A_16 = arith.constant 0 : index
      %get3A_17 = vector.load %arg2[%get3A_14, %get3A_15, %get3A_16] : memref<2x2048x128xf32, #tpu.memory_space<vmem>>, vector<1x2048x128xf32>
      %get3A_18 = vector.shape_cast %get3A_17 : vector<1x2048x128xf32> to vector<2048x128xf32>
      %add3A = arith.addf %get3A_13, %get3A_18 : vector<2048x128xf32>
      %get3A_19 = arith.constant 0 : index
      %get3A_20 = arith.constant 0 : index
      %get3A_21 = vector.load %arg3[%get3A_19, %get3A_20] : memref<2048x128xf32, #tpu.memory_space<vmem>>, vector<2048x128xf32>
      %add3A_22 = arith.addf %add3A, %get3A_21 : vector<2048x128xf32>
      %mul3A = vector.broadcast %get3A_8 : vector<2048x1xf32> to vector<2048x128xf32>
      %mul3A_23 = arith.mulf %mul3A, %add3A_22 : vector<2048x128xf32>
      %get3A_24 = arith.constant 0 : index
      %get3A_25 = arith.constant 0 : index
      %get3A_26 = vector.load %arg5[%get3A_24, %get3A_25] : memref<1x128xf32, #tpu.memory_space<vmem>>, vector<1x128xf32>
      %add3A_27 = vector.broadcast %get3A_26 : vector<1x128xf32> to vector<2048x128xf32>
      %add3A_28 = arith.addf %mul3A_23, %add3A_27 : vector<2048x128xf32>
      %mul3A_29 = arith.constant 2048 : i32
      %mul3A_30 = arith.muli %arg1, %mul3A_29 : i32
      %swap3A = arith.index_cast %mul3A_30 : i32 to index
      %swap3A_31 = arith.constant 0 : index
      %swap3A_32 = vector.load %arg14[%swap3A, %swap3A_31] : memref<10240x128xf32, #tpu.memory_space<vmem>>, vector<2048x128xf32>
      tpu.vector_store %arg14[%swap3A, %swap3A_31], %add3A_28 {strides = array<i32>} : memref<10240x128xf32, #tpu.memory_space<vmem>>, vector<2048x128xf32>,
      %eq3A_33 = arith.constant 0 : i32
      %eq3A_34 = arith.cmpi eq, %arg1, %eq3A_33 : i32
      %convert_element_type3A_35 = arith.extui %eq3A_34 : i1 to i32
      %cond3A_36 = arith.constant 0 : i32
      %cond3A_37 = arith.cmpi ne, %convert_element_type3A_35, %cond3A_36 : i32
      scf.if %cond3A_37 {
        %broadcast_in_dim3A_62 = arith.constant 0.000000e+00 : f32
        %broadcast_in_dim3A_63 = vector.broadcast %broadcast_in_dim3A_62 : f32 to vector<8x128xf32>
        %swap3A_64 = arith.constant 0 : index
        %swap3A_65 = arith.constant 0 : index
        %swap3A_66 = vector.load %arg15[%swap3A_64, %swap3A_65] : memref<8x128xf32, #tpu.memory_space<vmem>>, vector<8x128xf32>
        tpu.vector_store %arg15[%swap3A_64, %swap3A_65], %broadcast_in_dim3A_63 {strides = array<i32>} : memref<8x128xf32, #tpu.memory_space<vmem>>, vector<8x128xf32>,
      } else {
      }
      %get3A_38 = arith.constant 0 : index
      %get3A_39 = arith.constant 0 : index
      %get3A_40 = vector.load %arg15[%get3A_38, %get3A_39] : memref<8x128xf32, #tpu.memory_space<vmem>>, vector<1x128xf32>
      %reduce_sum3A = arith.constant dense<0.000000e+00> : vector<128xf32>
      %reduce_sum3A_41 = vector.multi_reduction <add>, %add3A_28, %reduce_sum3A [0] : vector<2048x128xf32> to vector<128xf32>
      %broadcast_in_dim3A = vector.shape_cast %reduce_sum3A_41 : vector<128xf32> to vector<1x128xf32>
      %add3A_42 = arith.addf %get3A_40, %broadcast_in_dim3A : vector<1x128xf32>
      %swap3A_43 = arith.constant 0 : index
      %swap3A_44 = arith.constant 0 : index
      %swap3A_45 = vector.load %arg15[%swap3A_43, %swap3A_44] : memref<8x128xf32, #tpu.memory_space<vmem>>, vector<1x128xf32>
      tpu.vector_store %arg15[%swap3A_43, %swap3A_44], %add3A_42 {strides = array<i32>} : memref<8x128xf32, #tpu.memory_space<vmem>>, vector<1x128xf32>,
      %get3A_46 = arith.constant 1 : index
      %get3A_47 = arith.constant 0 : index
      %get3A_48 = vector.load %arg15[%get3A_46, %get3A_47] : memref<8x128xf32, #tpu.memory_space<vmem>>, vector<1x128xf32>
      %mul3A_49 = arith.mulf %add3A_28, %add3A_28 : vector<2048x128xf32>
      %reduce_sum3A_50 = arith.constant dense<0.000000e+00> : vector<128xf32>
      %reduce_sum3A_51 = vector.multi_reduction <add>, %mul3A_49, %reduce_sum3A_50 [0] : vector<2048x128xf32> to vector<128xf32>
      %broadcast_in_dim3A_52 = vector.shape_cast %reduce_sum3A_51 : vector<128xf32> to vector<1x128xf32>
      %add3A_53 = arith.addf %get3A_48, %broadcast_in_dim3A_52 : vector<1x128xf32>
      %swap3A_54 = arith.constant 1 : index
      %swap3A_55 = arith.constant 0 : index
      %swap3A_56 = vector.load %arg15[%swap3A_54, %swap3A_55] : memref<8x128xf32, #tpu.memory_space<vmem>>, vector<1x128xf32>
      tpu.vector_store %arg15[%swap3A_54, %swap3A_55], %add3A_53 {strides = array<i32>} : memref<8x128xf32, #tpu.memory_space<vmem>>, vector<1x128xf32>,
      %eq3A_57 = arith.constant 4 : i32
      %eq3A_58 = arith.cmpi eq, %arg1, %eq3A_57 : i32
      %convert_element_type3A_59 = arith.extui %eq3A_58 : i1 to i32
      %cond3A_60 = arith.constant 0 : i32
      %cond3A_61 = arith.cmpi ne, %convert_element_type3A_59, %cond3A_60 : i32
      scf.if %cond3A_61 {
        %slice3A = vector.extract_strided_slice %add3A_28 {offsets = [2047, 0], sizes = [1, 128], strides = [1, 1]} : vector<2048x128xf32> to vector<1x128xf32>
        %get3A_62 = arith.constant 0 : index
        %get3A_63 = arith.constant 0 : index
        %get3A_64 = vector.load %arg15[%get3A_62, %get3A_63] : memref<8x128xf32, #tpu.memory_space<vmem>>, vector<1x128xf32>
        %mul3A_65 = arith.constant -2.400000e+02 : f32
        %mul3A_66 = vector.broadcast %mul3A_65 : f32 to vector<1x128xf32>
        %mul3A_67 = arith.mulf %mul3A_66, %slice3A : vector<1x128xf32>
        %add3A_68 = arith.addf %get3A_64, %mul3A_67 : vector<1x128xf32>
        %swap3A_69 = arith.constant 0 : index
        %swap3A_70 = arith.constant 0 : index
        %swap3A_71 = vector.load %arg15[%swap3A_69, %swap3A_70] : memref<8x128xf32, #tpu.memory_space<vmem>>, vector<1x128xf32>
        tpu.vector_store %arg15[%swap3A_69, %swap3A_70], %add3A_68 {strides = array<i32>} : memref<8x128xf32, #tpu.memory_space<vmem>>, vector<1x128xf32>,
        %get3A_72 = arith.constant 1 : index
        %get3A_73 = arith.constant 0 : index
        %get3A_74 = vector.load %arg15[%get3A_72, %get3A_73] : memref<8x128xf32, #tpu.memory_space<vmem>>, vector<1x128xf32>
        %mul3A_75 = arith.constant -2.400000e+02 : f32
        %mul3A_76 = vector.broadcast %mul3A_75 : f32 to vector<1x128xf32>
        %mul3A_77 = arith.mulf %mul3A_76, %slice3A : vector<1x128xf32>
        %mul3A_78 = arith.mulf %mul3A_77, %slice3A : vector<1x128xf32>
        %add3A_79 = arith.addf %get3A_74, %mul3A_78 : vector<1x128xf32>
        %swap3A_80 = arith.constant 1 : index
        %swap3A_81 = arith.constant 0 : index
        %swap3A_82 = vector.load %arg15[%swap3A_80, %swap3A_81] : memref<8x128xf32, #tpu.memory_space<vmem>>, vector<1x128xf32>
        tpu.vector_store %arg15[%swap3A_80, %swap3A_81], %add3A_79 {strides = array<i32>} : memref<8x128xf32, #tpu.memory_space<vmem>>, vector<1x128xf32>,
      } else {
      }
    } else {
    }
    %eq3A_2 = arith.constant 1 : i32
    %eq3A_3 = arith.cmpi eq, %arg0, %eq3A_2 : i32
    %convert_element_type3A_4 = arith.extui %eq3A_3 : i1 to i32
    %cond3A_5 = arith.constant 0 : i32
    %cond3A_6 = arith.cmpi ne, %convert_element_type3A_4, %cond3A_5 : i32
    scf.if %cond3A_6 {
      %get3A = arith.constant 0 : index
      %get3A_7 = arith.constant 0 : index
      %get3A_8 = vector.load %arg15[%get3A, %get3A_7] : memref<8x128xf32, #tpu.memory_space<vmem>>, vector<1x128xf32>
      %mul3A = arith.constant 9.99999974E-5 : f32
      %mul3A_9 = vector.broadcast %mul3A : f32 to vector<1x128xf32>
      %mul3A_10 = arith.mulf %get3A_8, %mul3A_9 : vector<1x128xf32>
      %get3A_11 = arith.constant 1 : index
      %get3A_12 = arith.constant 0 : index
      %get3A_13 = vector.load %arg15[%get3A_11, %get3A_12] : memref<8x128xf32, #tpu.memory_space<vmem>>, vector<1x128xf32>
      %mul3A_14 = arith.constant 9.99999974E-5 : f32
      %mul3A_15 = vector.broadcast %mul3A_14 : f32 to vector<1x128xf32>
      %mul3A_16 = arith.mulf %get3A_13, %mul3A_15 : vector<1x128xf32>
      %mul3A_17 = arith.mulf %mul3A_10, %mul3A_10 : vector<1x128xf32>
      %sub3A = arith.subf %mul3A_16, %mul3A_17 : vector<1x128xf32>
      %add3A = arith.constant 9.99999974E-6 : f32
      %add3A_18 = vector.broadcast %add3A : f32 to vector<1x128xf32>
      %add3A_19 = arith.addf %sub3A, %add3A_18 : vector<1x128xf32>
      %rsqrt3A = math.rsqrt %add3A_19 : vector<1x128xf32>
      %mul3A_20 = arith.constant 2048 : i32
      %mul3A_21 = arith.muli %arg1, %mul3A_20 : i32
      %get3A_22 = arith.index_cast %mul3A_21 : i32 to index
      %get3A_23 = arith.constant 0 : index
      %get3A_24 = vector.load %arg14[%get3A_22, %get3A_23] : memref<10240x128xf32, #tpu.memory_space<vmem>>, vector<2048x128xf32>
      %sub3A_25 = vector.broadcast %mul3A_10 : vector<1x128xf32> to vector<2048x128xf32>
      %sub3A_26 = arith.subf %get3A_24, %sub3A_25 : vector<2048x128xf32>
      %mul3A_27 = vector.broadcast %rsqrt3A : vector<1x128xf32> to vector<2048x128xf32>
      %mul3A_28 = arith.mulf %sub3A_26, %mul3A_27 : vector<2048x128xf32>
      %get3A_29 = arith.constant 0 : index
      %get3A_30 = arith.constant 0 : index
      %get3A_31 = vector.load %arg6[%get3A_29, %get3A_30] : memref<1x128xf32, #tpu.memory_space<vmem>>, vector<1x128xf32>
      %mul3A_32 = vector.broadcast %get3A_31 : vector<1x128xf32> to vector<2048x128xf32>
      %mul3A_33 = arith.mulf %mul3A_28, %mul3A_32 : vector<2048x128xf32>
      %get3A_34 = arith.constant 0 : index
      %get3A_35 = arith.constant 0 : index
      %get3A_36 = vector.load %arg7[%get3A_34, %get3A_35] : memref<1x128xf32, #tpu.memory_space<vmem>>, vector<1x128xf32>
      %add3A_37 = vector.broadcast %get3A_36 : vector<1x128xf32> to vector<2048x128xf32>
      %add3A_38 = arith.addf %mul3A_33, %add3A_37 : vector<2048x128xf32>
      %max3A = arith.constant 0.000000e+00 : f32
      %max3A_39 = vector.broadcast %max3A : f32 to vector<2048x128xf32>
      %max3A_40 = arith.maximumf %add3A_38, %max3A_39 : vector<2048x128xf32>
      %get3A_41 = arith.constant 0 : index
      %get3A_42 = arith.constant 0 : index
      %get3A_43 = arith.constant 0 : index
      %get3A_44 = vector.load %arg8[%get3A_41, %get3A_42, %get3A_43] : memref<1x1x2048xi32, #tpu.memory_space<vmem>>, vector<1x1x2048xi32>
      %get3A_45 = vector.shape_cast %get3A_44 : vector<1x1x2048xi32> to vector<1x2048xi32>
      %iota3A = tpu.iota {dimensions = array<i32: 0>} : vector<64x1xi32>
      %eq3A_46 = vector.broadcast %get3A_45 : vector<1x2048xi32> to vector<64x2048xi32>
      %eq3A_47 = vector.broadcast %iota3A : vector<64x1xi32> to vector<64x2048xi32>
      %eq3A_48 = arith.cmpi eq, %eq3A_46, %eq3A_47 : vector<64x2048xi32>
      %convert_element_type3A_49 = arith.extui %eq3A_48 : vector<64x2048xi1> to vector<64x2048xi32>
      %convert_element_type3A_50 = arith.sitofp %convert_element_type3A_49 : vector<64x2048xi32> to vector<64x2048xf32>
      %eq3A_51 = arith.constant 0 : i32
      %eq3A_52 = arith.cmpi eq, %arg1, %eq3A_51 : i32
      %convert_element_type3A_53 = arith.extui %eq3A_52 : i1 to i32
      %cond3A_54 = arith.constant 0 : i32
      %cond3A_55 = arith.cmpi ne, %convert_element_type3A_53, %cond3A_54 : i32
      scf.if %cond3A_55 {
        %broadcast_in_dim3A_78 = arith.constant 0.000000e+00 : f32
        %broadcast_in_dim3A_79 = vector.broadcast %broadcast_in_dim3A_78 : f32 to vector<64x128xf32>
        %swap3A_80 = arith.constant 0 : index
        %swap3A_81 = arith.constant 0 : index
        %swap3A_82 = vector.load %arg16[%swap3A_80, %swap3A_81] : memref<64x128xf32, #tpu.memory_space<vmem>>, vector<64x128xf32>
        tpu.vector_store %arg16[%swap3A_80, %swap3A_81], %broadcast_in_dim3A_79 {strides = array<i32>} : memref<64x128xf32, #tpu.memory_space<vmem>>, vector<64x128xf32>,
        %broadcast_in_dim3A_83 = arith.constant 0.000000e+00 : f32
        %broadcast_in_dim3A_84 = vector.broadcast %broadcast_in_dim3A_83 : f32 to vector<64x128xf32>
        %swap3A_85 = arith.constant 0 : index
        %swap3A_86 = arith.constant 0 : index
        %swap3A_87 = vector.load %arg17[%swap3A_85, %swap3A_86] : memref<64x128xf32, #tpu.memory_space<vmem>>, vector<64x128xf32>
        tpu.vector_store %arg17[%swap3A_85, %swap3A_86], %broadcast_in_dim3A_84 {strides = array<i32>} : memref<64x128xf32, #tpu.memory_space<vmem>>, vector<64x128xf32>,
      } else {
      }
      %get3A_56 = arith.constant 0 : index
      %get3A_57 = arith.constant 0 : index
      %get3A_58 = vector.load %arg16[%get3A_56, %get3A_57] : memref<64x128xf32, #tpu.memory_space<vmem>>, vector<64x128xf32>
      %dot_general3A = arith.constant dense<0.000000e+00> : vector<64x128xf32>
      %dot_general3A_59 = tpu.matmul %convert_element_type3A_50, %max3A_40, %dot_general3A {dimension_numbers = #tpu.dot_dimension_numbers<[1], [0], [0], [1], [0, 0, 1, 1], [], []>, transpose_lhs_hint = false} : vector<64x2048xf32>, vector<2048x128xf32>, vector<64x128xf32> -> vector<64x128xf32>
      %add3A_60 = arith.addf %get3A_58, %dot_general3A_59 : vector<64x128xf32>
      %swap3A = arith.constant 0 : index
      %swap3A_61 = arith.constant 0 : index
      %swap3A_62 = vector.load %arg16[%swap3A, %swap3A_61] : memref<64x128xf32, #tpu.memory_space<vmem>>, vector<64x128xf32>
      tpu.vector_store %arg16[%swap3A, %swap3A_61], %add3A_60 {strides = array<i32>} : memref<64x128xf32, #tpu.memory_space<vmem>>, vector<64x128xf32>,
      %get3A_63 = arith.constant 0 : index
      %get3A_64 = arith.constant 0 : index
      %get3A_65 = vector.load %arg17[%get3A_63, %get3A_64] : memref<64x128xf32, #tpu.memory_space<vmem>>, vector<64x128xf32>
      %reduce_sum3A = arith.constant dense<0.000000e+00> : vector<64xf32>
      %reduce_sum3A_66 = vector.multi_reduction <add>, %convert_element_type3A_50, %reduce_sum3A [1] : vector<64x2048xf32> to vector<64xf32>
      %broadcast_in_dim3A = vector.shape_cast %reduce_sum3A_66 : vector<64xf32> to vector<64x1xf32>
      %broadcast_in_dim3A_67 = vector.shape_cast %broadcast_in_dim3A : vector<64x1xf32> to vector<64x1xf32>
      %broadcast_in_dim3A_68 = vector.broadcast %broadcast_in_dim3A_67 : vector<64x1xf32> to vector<64x128xf32>
      %add3A_69 = arith.addf %get3A_65, %broadcast_in_dim3A_68 : vector<64x128xf32>
      %swap3A_70 = arith.constant 0 : index
      %swap3A_71 = arith.constant 0 : index
      %swap3A_72 = vector.load %arg17[%swap3A_70, %swap3A_71] : memref<64x128xf32, #tpu.memory_space<vmem>>, vector<64x128xf32>
      tpu.vector_store %arg17[%swap3A_70, %swap3A_71], %add3A_69 {strides = array<i32>} : memref<64x128xf32, #tpu.memory_space<vmem>>, vector<64x128xf32>,
      %eq3A_73 = arith.constant 4 : i32
      %eq3A_74 = arith.cmpi eq, %arg1, %eq3A_73 : i32
      %convert_element_type3A_75 = arith.extui %eq3A_74 : i1 to i32
      %cond3A_76 = arith.constant 0 : i32
      %cond3A_77 = arith.cmpi ne, %convert_element_type3A_75, %cond3A_76 : i32
      scf.if %cond3A_77 {
        %get3A_78 = arith.constant 0 : index
        %get3A_79 = arith.constant 0 : index
        %get3A_80 = vector.load %arg10[%get3A_78, %get3A_79] : memref<64x128xf32, #tpu.memory_space<vmem>>, vector<64x128xf32>
        %get3A_81 = arith.constant 0 : index
        %get3A_82 = arith.constant 0 : index
        %get3A_83 = vector.load %arg9[%get3A_81, %get3A_82] : memref<64x128xf32, #tpu.memory_space<vmem>>, vector<64x128xf32>
        %get3A_84 = arith.constant 0 : index
        %get3A_85 = arith.constant 0 : index
        %get3A_86 = vector.load %arg11[%get3A_84, %get3A_85] : memref<128x128xf32, #tpu.memory_space<vmem>>, vector<128x128xf32>
        %dot_general3A_87 = arith.constant dense<0.000000e+00> : vector<64x128xf32>
        %dot_general3A_88 = tpu.matmul %get3A_83, %get3A_86, %dot_general3A_87 {dimension_numbers = #tpu.dot_dimension_numbers<[1], [0], [0], [1], [0, 0, 1, 1], [], []>, transpose_lhs_hint = false} : vector<64x128xf32>, vector<128x128xf32>, vector<64x128xf32> -> vector<64x128xf32>
        %get3A_89 = arith.constant 0 : index
        %get3A_90 = arith.constant 0 : index
        %get3A_91 = vector.load %arg12[%get3A_89, %get3A_90] : memref<1x128xf32, #tpu.memory_space<vmem>>, vector<1x128xf32>
        %mul3A_92 = vector.broadcast %get3A_91 : vector<1x128xf32> to vector<64x128xf32>
        %mul3A_93 = arith.mulf %get3A_80, %mul3A_92 : vector<64x128xf32>
        %add3A_94 = arith.addf %dot_general3A_88, %mul3A_93 : vector<64x128xf32>
        %max3A_95 = arith.constant 1.000000e+00 : f32
        %max3A_96 = vector.broadcast %max3A_95 : f32 to vector<64x128xf32>
        %max3A_97 = arith.maximumf %get3A_80, %max3A_96 : vector<64x128xf32>
        %div3A = arith.divf %add3A_94, %max3A_97 : vector<64x128xf32>
        %get3A_98 = arith.constant 0 : index
        %get3A_99 = arith.constant 0 : index
        %get3A_100 = vector.load %arg16[%get3A_98, %get3A_99] : memref<64x128xf32, #tpu.memory_space<vmem>>, vector<64x128xf32>
        %get3A_101 = arith.constant 0 : index
        %get3A_102 = arith.constant 0 : index
        %get3A_103 = vector.load %arg17[%get3A_101, %get3A_102] : memref<64x128xf32, #tpu.memory_space<vmem>>, vector<64x128xf32>
        %max3A_104 = arith.constant 1.000000e+00 : f32
        %max3A_105 = vector.broadcast %max3A_104 : f32 to vector<64x128xf32>
        %max3A_106 = arith.maximumf %get3A_103, %max3A_105 : vector<64x128xf32>
        %div3A_107 = arith.divf %get3A_100, %max3A_106 : vector<64x128xf32>
        %add3A_108 = arith.addf %div3A_107, %div3A : vector<64x128xf32>
        %swap3A_109 = arith.constant 0 : index
        %swap3A_110 = arith.constant 0 : index
        %swap3A_111 = vector.load %arg13[%swap3A_109, %swap3A_110] : memref<64x128xf32, #tpu.memory_space<vmem>>, vector<64x128xf32>
        tpu.vector_store %arg13[%swap3A_109, %swap3A_110], %add3A_108 {strides = array<i32>} : memref<64x128xf32, #tpu.memory_space<vmem>>, vector<64x128xf32>,
      } else {
      }
    } else {
    }
    return
  }
  func.func @transform_0(%arg0: i32, %arg1: i32) -> (i32, i32, i32) {
    %sub3A = arith.constant 1 : i32
    %sub3A_0 = arith.subi %sub3A, %arg0 : i32
    %mul3A = arith.muli %arg1, %sub3A_0 : i32
    %c0_i32 = arith.constant 0 : i32
    %c0_i32_1 = arith.constant 0 : i32
    %c0_i32_2 = arith.constant 0 : i32
    return %c0_i32, %mul3A, %c0_i32_1 : i32, i32, i32
  }
  func.func @transform_1(%arg0: i32, %arg1: i32) -> (i32, i32) {
    %sub3A = arith.constant 1 : i32
    %sub3A_0 = arith.subi %sub3A, %arg0 : i32
    %mul3A = arith.muli %arg1, %sub3A_0 : i32
    %c0_i32 = arith.constant 0 : i32
    %c0_i32_1 = arith.constant 0 : i32
    return %mul3A, %c0_i32 : i32, i32
  }
  func.func @transform_2(%arg0: i32, %arg1: i32) -> (i32, i32) {
    %c0_i32 = arith.constant 0 : i32
    %c0_i32_0 = arith.constant 0 : i32
    return %arg1, %c0_i32 : i32, i32
  }
  func.func @transform_3(%arg0: i32, %arg1: i32) -> (i32, i32) {
    %c0_i32 = arith.constant 0 : i32
    %c0_i32_0 = arith.constant 0 : i32
    %c0_i32_1 = arith.constant 0 : i32
    return %c0_i32, %c0_i32_0 : i32, i32
  }
  func.func @transform_4(%arg0: i32, %arg1: i32) -> (i32, i32) {
    %c0_i32 = arith.constant 0 : i32
    %c0_i32_0 = arith.constant 0 : i32
    %c0_i32_1 = arith.constant 0 : i32
    return %c0_i32, %c0_i32_0 : i32, i32
  }
  func.func @transform_5(%arg0: i32, %arg1: i32) -> (i32, i32) {
    %c0_i32 = arith.constant 0 : i32
    %c0_i32_0 = arith.constant 0 : i32
    %c0_i32_1 = arith.constant 0 : i32
    return %c0_i32, %c0_i32_0 : i32, i32
  }
  func.func @transform_6(%arg0: i32, %arg1: i32) -> (i32, i32, i32) {
    %c0_i32 = arith.constant 0 : i32
    %c0_i32_0 = arith.constant 0 : i32
    %c0_i32_1 = arith.constant 0 : i32
    return %arg1, %c0_i32, %c0_i32_0 : i32, i32, i32
  }
  func.func @transform_7(%arg0: i32, %arg1: i32) -> (i32, i32) {
    %c0_i32 = arith.constant 0 : i32
    %c0_i32_0 = arith.constant 0 : i32
    %c0_i32_1 = arith.constant 0 : i32
    return %c0_i32, %c0_i32_0 : i32, i32
  }
  func.func @transform_8(%arg0: i32, %arg1: i32) -> (i32, i32) {
    %c0_i32 = arith.constant 0 : i32
    %c0_i32_0 = arith.constant 0 : i32
    %c0_i32_1 = arith.constant 0 : i32
    return %c0_i32, %c0_i32_0 : i32, i32
  }
  func.func @transform_9(%arg0: i32, %arg1: i32) -> (i32, i32) {
    %c0_i32 = arith.constant 0 : i32
    %c0_i32_0 = arith.constant 0 : i32
    %c0_i32_1 = arith.constant 0 : i32
    return %c0_i32, %c0_i32_0 : i32, i32
  }
  func.func @transform_10(%arg0: i32, %arg1: i32) -> (i32, i32) {
    %c0_i32 = arith.constant 0 : i32
    %c0_i32_0 = arith.constant 0 : i32
    %c0_i32_1 = arith.constant 0 : i32
    return %c0_i32, %c0_i32_0 : i32, i32
  }
  func.func @transform_11(%arg0: i32, %arg1: i32) -> (i32, i32) {
    %c0_i32 = arith.constant 0 : i32
    %c0_i32_0 = arith.constant 0 : i32
    %c0_i32_1 = arith.constant 0 : i32
    return %c0_i32, %c0_i32_0 : i32, i32
  }
}

</mosaic_0001>

<sc_bundles>
// kernel: kernel.11.cloned.1.call-start
scs
__scs_entry_jumppad:
0x0: {  	(pc) =	sbr.rel $0x88, $3  }
0x1: {  	(tag) =	ssettag $0x0;
	lr =	simm.s32 $0x1  }
0x2: {  	[smem:$0x3F91] =	sst lr;
	_ =	strace $0xD0000000  }
0x3: {  	_ = 	snop  }
0x4: {  	_ = 	snop  }
0x5: {  	_ = 	snop  }
0x6: {  	_ = 	snop  }
0x7: {  	_ = 	snop  }
__scs_overlays_trampoline_lowered:
0x8: {  	[smem:$0x3FA0] =	sst s0  }
0x9: {  	[smem:$0x3FA1] =	sst s1  }
0xa: {  	[smem:$0x3FA2] =	sst s2  }
0xb: {  	[smem:$0x3FA3] =	sst s3  }
0xc: {  	[smem:$0x3FA4] =	sst s4  }
0xd: {  	[smem:$0x3FA5] =	sst s5  }
0xe: {  	[smem:$0x3FA6] =	sst s6  }
0xf: {  	[smem:$0x3FA7] =	sst s7  }
0x10: {  	[smem:$0x3FA8] =	sst s8  }
0x11: {  	[smem:$0x3FA9] =	sst s9;
	s0 =	simm.s32 @!p0 $0x0  }
0x12: {  	s1 =	sld [smem:$0x3F8F];
	s0 =	simm.s32 @p0 $0x1  }
0x13: {  	[smem:$0x3FAA] =	sst s0;
	s0 =	simm.s32 @!p1 $0x0  }
0x14: {  	s2 =	sld [smem:$0x3F8E];
	s0 =	simm.s32 @p1 $0x1  }
0x15: {  	[smem:$0x3FAB] =	sst s0;
	s0 =	simm.s32 @!p2 $0x0  }
0x16: {  	s3 =	sld [smem:$0x3FDB];
	s0 =	simm.s32 @p2 $0x1  }
0x17: {  	s4 =	simm.s32 $0x1BF5;
	[smem:$0x3FAD] =	sst s0  }
0x18: {  	s0 =	sld [smem:$0x3F90];
	_ =	swait.ge [sflag:s4], $0x0  }
0x19: {  	s7 =	sld [smem:$0x3F91]  }
0x1a: {  	s8 =	sadd.s32 $0xFFFFE003, lr  }
0x1b: {  	s9 =	sadd.s32 $0xFFFFFEF7, lr;
	s5 =	simm.s32 $0xFFFFFFFF;
	p2 =	slt.u32 s8, $0xFFFFF086  }
0x1c: {  	p1 =	slt.u32 s9, $0xF7A;
	s5 =	simm.s32 @!p2 $0x0  }
0x1d: {  	s5 =	simm.s32 @p1 $0x1;
	p0 =	seq.s32 s7, s2  }
0x1e: {  	s7 =	smul.u32 @!p0 $0xF7A, s2;
	p2 =	seq.s32 @!p0 s5, $0x0  }
0x1f: {  	s9 =	smul.u32 $0xF7A, s1;
	s8 =	simm.s32 @!p0 $0x1BF5;
	p2 =	por !p2, p0  }
0x20: {  	[sflag:s8] =	ssyncset.s32 @!p0 $0xFFFFF086;
	s6 =	sadd.s32 @!p0 s3, s7;
	s7 =	simm.s32 @!p0 $0x108  }
0x21: {  	s3 =	sadd.s32 s3, s9;
	s6 =	sadd.s32 @!p0 $0x88, s6;
	s7 =	simm.s32 @p2 $0x1082  }
0x22: {  	[simem:s7], [sflag:s8] =	dma.local @!p0 [hbm:s6], $0xF7A  }
0x23: {  	s9 =	sor.u32 $0xD0000000, s2;
	s6 =	simm.s32 $0x108;
	_ =	swait.ge @!p0 [sflag:s8], $0x0  }
0x24: {  	s3 =	sadd.s32 $0x88, s3;
	s6 =	simm.s32 @!p1 $0x1082;
	[sflag:s4] =	ssyncset.s32 $0xFFFFF086  }
0x25: {  	[simem:s6], [sflag:s4] =	dma.local [hbm:s3], $0xF7A  }
0x26: {  	[smem:$0x3F91] =	sst s1;
	(tag) =	ssettag s2;
	_ =	strace s9  }
0x27: {  	s1 =	sld [smem:$0x3FA1]  }
0x28: {  	s2 =	sld [smem:$0x3FA2]  }
0x29: {  	s4 =	sld [smem:$0x3FA4]  }
0x2a: {  	p0 =	seq.s32 s5, $0x0;
	s5 =	sld [smem:$0x3FA5]  }
0x2b: {  	s6 =	sld [smem:$0x3FA6]  }
0x2c: {  	s7 =	sld [smem:$0x3FA7]  }
0x2d: {  	s3 =	simm.s32 $0x108;
	s8 =	sld [smem:$0x3FA8]  }
0x2e: {  	s3 =	simm.s32 @!p0 $0x1082;
	s9 =	sld [smem:$0x3FA9]  }
0x2f: {  	lr =	sadd.s32 s0, s3;
	s0 =	sld [smem:$0x3FA0]  }
0x30: {  	s3 =	sld [smem:$0x3FA3]  }
0x31: {  	[smem:$0x3FAC] =	sst s10  }
0x32: {  	s10 =	sld [smem:$0x3FAA];
	_ =	sdelay $0x3  }
0x33: {  	p0 =	seq.s32 s10, $0x1;
	s10 =	sld [smem:$0x3FAC];
	_ =	sdelay $0x3  }
0x34: {  	[smem:$0x3FAC] =	sst s10  }
0x35: {  	s10 =	sld [smem:$0x3FAB];
	_ =	sdelay $0x3  }
0x36: {  	p1 =	seq.s32 s10, $0x1;
	s10 =	sld [smem:$0x3FAC];
	_ =	sdelay $0x3  }
0x37: {  	[smem:$0x3FAC] =	sst s10  }
0x38: {  	s10 =	sld [smem:$0x3FAD]  }
0x39: {  	_ = 	snop;
	(pc) =	sbr.ind lr, $3  }
0x3a: {  	_ = 	snop  }
0x3b: {  	_ = 	snop  }
0x3c: {  	p2 =	seq.s32 s10, $0x1;
	s10 =	sld [smem:$0x3FAC]  }
0x3d: {  	_ =	shalt  }
0x3e: {  	_ =	shalt  }
0x3f: {  	_ =	shalt  }
0x40: {  	_ =	shalt  }
0x41: {  	_ =	shalt  }
0x42: {  	_ =	shalt  }
0x43: {  	_ =	shalt  }
0x44: {  	_ =	shalt  }
0x45: {  	_ =	shalt  }
0x46: {  	_ =	shalt  }
0x47: {  	_ =	shalt  }
0x48: {  	_ =	shalt  }
0x49: {  	_ =	shalt  }
0x4a: {  	_ =	shalt  }
0x4b: {  	_ =	shalt  }
0x4c: {  	_ =	shalt  }
0x4d: {  	_ =	shalt  }
0x4e: {  	_ =	shalt  }
0x4f: {  	_ =	shalt  }
0x50: {  	_ =	shalt  }
0x51: {  	_ =	shalt  }
0x52: {  	_ =	shalt  }
0x53: {  	_ =	shalt  }
0x54: {  	_ =	shalt  }
0x55: {  	_ =	shalt  }
0x56: {  	_ =	shalt  }
0x57: {  	_ =	shalt  }
0x58: {  	_ =	shalt  }
0x59: {  	_ =	shalt  }
0x5a: {  	_ =	shalt  }
0x5b: {  	_ =	shalt  }
0x5c: {  	_ =	shalt  }
0x5d: {  	_ =	shalt  }
0x5e: {  	_ =	shalt  }
0x5f: {  	_ =	shalt  }
0x60: {  	_ =	shalt  }
0x61: {  	_ =	shalt  }
0x62: {  	_ =	shalt  }
0x63: {  	_ =	shalt  }
0x64: {  	_ =	shalt  }
0x65: {  	_ =	shalt  }
0x66: {  	_ =	shalt  }
0x67: {  	_ =	shalt  }
0x68: {  	_ =	shalt  }
0x69: {  	_ =	shalt  }
0x6a: {  	_ =	shalt  }
0x6b: {  	_ =	shalt  }
0x6c: {  	_ =	shalt  }
0x6d: {  	_ =	shalt  }
0x6e: {  	_ =	shalt  }
0x6f: {  	_ =	shalt  }
0x70: {  	_ =	shalt  }
0x71: {  	_ =	shalt  }
0x72: {  	_ =	shalt  }
0x73: {  	_ =	shalt  }
0x74: {  	_ =	shalt  }
0x75: {  	_ =	shalt  }
0x76: {  	_ =	shalt  }
0x77: {  	_ =	shalt  }
0x78: {  	_ =	shalt  }
0x79: {  	_ =	shalt  }
0x7a: {  	_ =	shalt  }
0x7b: {  	_ =	shalt  }
0x7c: {  	_ =	shalt  }
0x7d: {  	_ =	shalt  }
0x7e: {  	_ =	shalt  }
0x7f: {  	_ =	shalt  }
0x80: {  	_ =	shalt  }
0x81: {  	_ =	shalt  }
0x82: {  	_ =	shalt  }
0x83: {  	_ =	shalt  }
0x84: {  	_ =	shalt  }
0x85: {  	_ =	shalt  }
0x86: {  	_ =	shalt  }
0x87: {  	_ =	shalt  }
.Lfunc_end0:
.L_simem_size_0:
called_computation.1_lowered:
.L_overlay_start_0:
0x88: {  	s2 =	sld [smem:$0x3FD9]  }
0x89: {  	s3 =	sld [smem:$0x3FFE];
	_ =	sdelay $0x1  }
0x8a: {  	s1 =	srdreg.scid  }
0x8b: {  	s0 =	sand.u32 $0x1, s1  }
0x8c: {  	s16 =	sshll.u32 s0, $0xA;
	s2 =	sadd.s32 s3, s2  }
0x8d: {  	s2 =	sadd.s32 s2, s16  }
0x8e: {  	[smem:$0x3FB8] =	sst s2  }
0x8f: {  	_ = 	snop  }
0x90: {  	(tm) =	ssettm $0x1  }
0x91: {  	s17 =	sld [smem:$0x3FFB];
	_ =	sdelay $0x3  }
0x92: {  	_ =	strace s17  }
0x93: {  	s2 =	sld [smem:$0x3FFC];
	_ =	sdelay $0x3  }
0x94: {  	_ =	strace s2  }
0x95: {  	s2 =	sld [smem:$0x3FFD];
	_ =	sdelay $0x3  }
0x96: {  	_ =	strace s2  }
0x97: {  	_ =	strace $0x8FFFFFFF  }
0x98: {  	s18 =	sld [smem:$0x3FDB];
	_ =	sdelay $0x1  }
0x99: {  	s19 =	simm.s32 $_scs_section_size  }
0x9a: {  	s4 =	simm.s32 $_size__tile_overlayer_lowered;
	s5 =	simm.s32 $_tile_overlayer_lowered  }
0x9b: {  	s22 =	simm.s32 $0x1BFF;
	s21 =	sshll.u32 s5, $0x1;
	s2 =	sadd.s32 s19, s18  }
0x9c: {  	s6 =	simm.s32 $0x0;
	s20 =	sshll.u32 s4, $0x1;
	s4 =	sadd.s32 s21, s2  }
0x9d: {  	[timem:s6], [sflag:s22] =	dma.local [hbm:s4], s20  }
0x9e: {  	_ =	swait.ge [sflag:s22], s20  }
0x9f: {  	s3 =	ssub.s32 $0x0, s20;
	[sflag:s22] =	ssyncset.done $0x0  }
0xa0: {  	[sflag:s22] =	ssyncadd.s32 s3;
	_ =	sdelay $0x1  }
0xa1: {  	s23 =	simm.s32 $0x1B8B  }
0xa2: {  	_ =	swait.ge [sflag:s23], $0x1  }
0xa3: {  	[sflag:s23] =	ssyncset.done $0x0  }
0xa4: {  	s25 =	simm.s32 $0x1B8E;
	s24 =	sld [smem:$0x3FFE];
	[sflag:s23] =	ssyncadd.s32 $0xFFFFFFFF  }
0xa5: {  	s26 =	simm.s32 $execute0_lowered;
	[smem:$0x3FD2] =	sst s25  }
0xa6: {  	s4 =	sshll.u32 s26, $0x1;
	_ =	strace $0x80000049;
	[dreg:$0x1] =	wrdreg $0xFFFFFFFF  }
0xa7: {  	s28 =	simm.s32 $_size_execute0_lowered;
	s2 =	sadd.s32 s2, s4;
	[dreg:$0x0] =	wrdreg $0x0  }
0xa8: {  	s4 =	sshll.u32 s28, $0x1;
	[dreg:$0x2] =	wrdreg s2  }
0xa9: {  	[dreg:$0x3] =	wrdreg s4  }
0xaa: {  	[dreg:$0x4] =	wrdreg $0xC0  }
0xab: {  	_ =	task [dreg:s6], $0x5FFFF  }
0xac: {  	[dreg:$0x1] =	wrdreg $0xFFFFFFFF  }
0xad: {  	[dreg:$0x0] =	wrdreg $0x60  }
0xae: {  	[dreg:$0x2] =	wrdreg s24  }
0xaf: {  	[dreg:$0x3] =	wrdreg $0xA2000  }
0xb0: {  	[dreg:$0x4] =	wrdreg $0x9  }
0xb1: {  	_ =	task.clear_ibuf [dreg:s6], $0x5FFFF;
	_ =	strace $0x90000049  }
0xb2: {  	s29 =	simm.s32 $0x9;
	_ =	strace $0x8000004B  }
0xb3: {  	_ =	swait.ge [sflag:s29], $0x1  }
0xb4: {  	[sflag:s29] =	ssyncadd.s32 $0xFFFFFFFF  }
0xb5: {  	_ =	strace $0x9000004B  }
0xb6: {  	_ =	sfence  }
0xb7: {  	s30 =	sld [smem:$0x0];
	_ =	sdelay $0x2  }
0xb8: {  	s31 =	sshll.u32 s1, $0xD;
	s1 =	sshrl.u32 s1, $0x2  }
0xb9: {  	s3 =	sand.u32 $0x4000, s31;
	s1 =	sadd.s32 s1, s30  }
0xba: {  	s0 =	sor.u32 s3, s0;
	s1 =	sshll.u32 s1, $0x11  }
0xbb: {  	s0 =	sor.u32 s1, s0  }
0xbc: {  	s0 =	sadd.s32 $0x8F2B, s0  }
0xbd: {  	[sflag:s0] =	ssyncadd.remote.s32 $0x1  }
0xbe: {  	_ =	sfence.sel $0xFFFF  }
0xbf: {  	[dreg:$0x0] =	wrdreg $0xFFFFFFFF;
	(pc) =	sbr.abs _section_cstart, $3  }
0xc0: {  	[dreg:$0x1] =	wrdreg $0xFFFFFFFF  }
0xc1: {  	_ =	task.clear_ibuf [dreg:s6], $0x2FFFF;
	_ =	strace $0x9FFFFFFF  }
0xc2: {  	(tm) =	ssettm $0x7FFFFFFF  }
0xc3: {  	_ =	shalt  }
tec
execute0_lowered:
.L_overlay_start_1:
0x0: {  	(tag) =	ssettag $0x1  }
0x1: {  	s6 =	rddreg [dreg:$0x0]  }
0x2: {  	s1 =	rddreg [dreg:$0x1];
	s0 =	stileid.u32  }
0x3: {  	s3 =	simm.s32 $0x0;
	s2 =	srdreg.scid;
	s9 =	smul.u32 $0x14000, s0  }
0x4: {  	s20 =	simm.s32 $0x8200;
	s21 =	simm.s32 $0x5;
	s10 =	smul.u32 $0x8A, s0  }
0x5: {  	[smem:$0x7FF] =	sst s3;
	s7 =	sand.u32 $0x1, s2;
	s12 =	smul.u32 $0x14, s0  }
0x6: {  	s4 =	sadd.s32 $0x3C00, s6;
	s5 =	sadd.s32 $0x274C00, s6;
	s30 =	smul.u32 $0x50000, s0  }
0x7: {  	s8 =	smul.u32 $0x140000, s7;
	_ =	strace $0x8000004A;
	s29 =	ssub.s32 $0x2, s7  }
0x8: {  	p0 =	seq.s32 s7, $0x0;
	s11 =	sshrl.u32 s29, $0x1;
	s19 =	sadd.s32 $0x8A0, s12  }
0x9: {  	s31 =	sshrl.u32 s30, $0x2;
	s8 =	sadd.s32 s9, s8;
	s9 =	ssub.s32 s29, s11  }
0xa: {  	s19 =	smov.u32 @p0 s10;
	s7 =	sadd.s32 s31, s1;
	s8 =	sshrl.u32 s8, $0x3  }
0xb: {  	s9 =	smax.u32 s9, $0x1;
	s10 =	sadd.s32 $0x2000, s7;
	s11 =	sadd.s32 $0x4000, s7  }
0xc: {  	s12 =	sadd.s32 $0x6000, s7;
	s13 =	sadd.s32 $0x8000, s7;
	s14 =	sadd.s32 $0xA000, s7  }
0xd: {  	s15 =	sadd.s32 $0xC000, s7;
	s16 =	sadd.s32 $0xE000, s7;
	s17 =	sadd.s32 $0x10000, s7  }
0xe: {  	s18 =	sadd.s32 $0x12000, s7;
	s8 =	sadd.s32 s8, s6;
	s6 =	simm.s32 $0x8A  }
0xf: {  	v0 =	vimm.f32 $0.0e+00;
	s19 =	sshll.u32 s19, $0x5;
	s6 =	simm.s32 @!p0 $0x14;
	s8 =	sadd.s32 $0x2BC00, s8  }
.LBB2_1:
0x10: {  	s22 =	simm.s32 $0x0;
	s23 =	simm.s32 $0x200  }
.LBB2_2:
0x11: {  	p0 =	sne.s32 s23, $0x7E00;
	[tilespmem:s22+$0x8270] =	vst v0  }
0x12: {  	[tilespmem:s22+$0x8200] =	vst v0  }
0x13: {  	[tilespmem:s22+$0x8210] =	vst v0  }
.Ltmp0:
0x14: {  	[tilespmem:s22+$0x8220] =	vst v0;
	(pc) =	sbr.rel @p0 .LBB2_2-.Ltmp0, $4  }
0x15: {  	[tilespmem:s22+$0x8230] =	vst v0  }
0x16: {  	[tilespmem:s22+$0x8240] =	vst v0  }
0x17: {  	[tilespmem:s22+$0x8250] =	vst v0  }
0x18: {  	[tilespmem:s22+$0x8260] =	vst v0;
	s22 =	sshra.s32 s23, $0x2;
	s23 =	sadd.s32 $0x200, s23  }
0x19: {  	[tilespmem:s22+$0x8270] =	vst v0  }
0x1a: {  	[tilespmem:s22+$0x8200] =	vst v0  }
0x1b: {  	[tilespmem:s22+$0x8210] =	vst v0  }
0x1c: {  	[tilespmem:s22+$0x8220] =	vst v0  }
0x1d: {  	[tilespmem:s22+$0x8230] =	vst v0  }
0x1e: {  	[tilespmem:s22+$0x8240] =	vst v0  }
0x1f: {  	[tilespmem:s22+$0x8250] =	vst v0  }
0x20: {  	[tilespmem:s22+$0x8260] =	vst v0  }
0x21: {  	[spmem:s7] =	stream.linear.scatter [tilespmem:s20], [sflag:$0x5], $0x2000, $0x38;
	[tilespmem:$0x1E200] =	vst v63  }
0x22: {  	_ =	swait.ge [sflag:s21], $0x2000  }
0x23: {  	[sflag:s21] =	ssyncset.done $0x0  }
0x24: {  	[sflag:s21] =	ssyncadd.s32 $0xFFFFE000  }
0x25: {  	[spmem:s10] =	stream.linear.scatter [tilespmem:s20], [sflag:$0x5], $0x2000, $0x38;
	[tilespmem:$0x1E200] =	vst v63  }
0x26: {  	_ =	swait.ge [sflag:s21], $0x2000  }
0x27: {  	[sflag:s21] =	ssyncset.done $0x0  }
0x28: {  	[sflag:s21] =	ssyncadd.s32 $0xFFFFE000  }
0x29: {  	[spmem:s11] =	stream.linear.scatter [tilespmem:s20], [sflag:$0x5], $0x2000, $0x38;
	[tilespmem:$0x1E200] =	vst v63  }
0x2a: {  	_ =	swait.ge [sflag:s21], $0x2000  }
0x2b: {  	[sflag:s21] =	ssyncset.done $0x0  }
0x2c: {  	[sflag:s21] =	ssyncadd.s32 $0xFFFFE000  }
0x2d: {  	[spmem:s12] =	stream.linear.scatter [tilespmem:s20], [sflag:$0x5], $0x2000, $0x38;
	[tilespmem:$0x1E200] =	vst v63  }
0x2e: {  	_ =	swait.ge [sflag:s21], $0x2000  }
0x2f: {  	[sflag:s21] =	ssyncset.done $0x0  }
0x30: {  	[sflag:s21] =	ssyncadd.s32 $0xFFFFE000  }
0x31: {  	[spmem:s13] =	stream.linear.scatter [tilespmem:s20], [sflag:$0x5], $0x2000, $0x38;
	[tilespmem:$0x1E200] =	vst v63  }
0x32: {  	_ =	swait.ge [sflag:s21], $0x2000  }
0x33: {  	[sflag:s21] =	ssyncset.done $0x0  }
0x34: {  	[sflag:s21] =	ssyncadd.s32 $0xFFFFE000  }
0x35: {  	[spmem:s14] =	stream.linear.scatter [tilespmem:s20], [sflag:$0x5], $0x2000, $0x38;
	[tilespmem:$0x1E200] =	vst v63  }
0x36: {  	_ =	swait.ge [sflag:s21], $0x2000  }
0x37: {  	[sflag:s21] =	ssyncset.done $0x0  }
0x38: {  	[sflag:s21] =	ssyncadd.s32 $0xFFFFE000  }
0x39: {  	[spmem:s15] =	stream.linear.scatter [tilespmem:s20], [sflag:$0x5], $0x2000, $0x38;
	[tilespmem:$0x1E200] =	vst v63  }
0x3a: {  	_ =	swait.ge [sflag:s21], $0x2000  }
0x3b: {  	[sflag:s21] =	ssyncset.done $0x0  }
0x3c: {  	[sflag:s21] =	ssyncadd.s32 $0xFFFFE000  }
0x3d: {  	[spmem:s16] =	stream.linear.scatter [tilespmem:s20], [sflag:$0x5], $0x2000, $0x38;
	[tilespmem:$0x1E200] =	vst v63  }
0x3e: {  	_ =	swait.ge [sflag:s21], $0x2000  }
0x3f: {  	[sflag:s21] =	ssyncset.done $0x0  }
0x40: {  	[sflag:s21] =	ssyncadd.s32 $0xFFFFE000  }
0x41: {  	[spmem:s17] =	stream.linear.scatter [tilespmem:s20], [sflag:$0x5], $0x2000, $0x38;
	[tilespmem:$0x1E200] =	vst v63  }
0x42: {  	_ =	swait.ge [sflag:s21], $0x2000  }
0x43: {  	s23 =	simm.s32 $0x0;
	[sflag:s21] =	ssyncset.done $0x0  }
0x44: {  	p0 =	por $0x1, $0x1;
	p3 =	sne.s32 s6, $0x0;
	[sflag:s21] =	ssyncadd.s32 $0xFFFFE000  }
0x45: {  	[spmem:s18] =	stream.linear.scatter [tilespmem:s20], [sflag:$0x5], $0x2000, $0x38;
	[tilespmem:$0x1E200] =	vst v63  }
.Ltmp1:
0x46: {  	s22 =	simm.s32 $0x1;
	_ =	swait.ge [sflag:s21], $0x2000;
	(pc) =	sbr.rel @!p3 .LBB2_4-.Ltmp1, $4  }
0x47: {  	p4 =	sle.u32 s6, $0x0;
	s26 =	sand.u32 $0x1, s23;
	[sflag:s21] =	ssyncset.done $0x0  }
0x48: {  	p1 =	sne.s32 s26, $0x0;
	p6 =	sne.s32 @!p0 s26, $0x0;
	[sflag:s21] =	ssyncadd.s32 $0xFFFFE000  }
0x49: {  	p0 =	por p0, p0;
	p2 =	sle.u32 @!p1 s6, $0xFFFFFFFF;
	[bflag:$0x0] =	sbarrier.arrive $0xFFFF  }
0x4a: {  	p5 =	por p1, p1;
	p1 =	por p2, p2;
	p2 =	por $0x0, $0x0  }
0x4b: {  	p2 =	por p6, p0;
	p3 =	sne.s32 @!p4 s26, $0x0;
	s25 =	sand.u32 $0x1, s22  }
0x4c: {  	p1 =	por p1, p5;
	p6 =	seq.s32 s26, $0x1;
	s23 =	simm.s32 @!p2 $0x3  }
0x4d: {  	p3 =	por p3, p4;
	s26 =	simm.s32 @!p1 $0x80;
	_ =	swait.ge @!p2 [sflag:s23], $0x4000  }
0x4e: {  	s24 =	sand.u32 @!p3 $0x1FFFFFC0, s19;
	s28 =	simm.s32 @!p3 $0x5;
	[sflag:s23] =	ssyncset.done @!p2 $0x0  }
0x4f: {  	[sflag:s23] =	ssyncadd.s32 @!p2 $0xFFFFC000;
	s23 =	sadd.s32 @!p3 s5, s24;
	s24 =	simm.s32 @!p3 $0x0  }
0x50: {  	[tilespmem:s24], [sflag:$0x5] =	stream.linear.gather @!p3 [hbm4b:s23+s24], $0x100, $0x38;
	[tilespmem:$0x1E200] =	vst v63  }
0x51: {  	s29 =	simm.s32 @p6 $0x200;
	s30 =	simm.s32 @p6 $0x80;
	_ =	swait.ge @!p3 [sflag:s28], $0x100  }
0x52: {  	s22 =	simm.s32 @!p3 $0x200;
	p2 =	por $0x1, $0x1;
	[sflag:s28] =	ssyncset.done @!p3 $0x0  }
0x53: {  	s23 =	simm.s32 @!p3 $0x80;
	[sflag:s28] =	ssyncadd.s32 @!p3 $0xFFFFFF00;
	s28 =	simm.s32 @!p1 $0x2  }
0x54: {  	[tilespmem:s22], [sflag:$0x1] =	stream.indirect.gather @!p3 [hbm4b:s4+s23], $0x80, s24, s23, $0xb8;
	[tilespmem:$0x1E200] =	vst v63  }
0x55: {  	p5 =	sne.s32 @!p2 s25, $0x0;
	s23 =	simm.s32 @!p1 $0x180;
	_ =	swait.ge @!p1 [sflag:s28], $0x4000  }
0x56: {  	p3 =	por !p6, p0;
	p0 =	por !p6, !p6;
	[sflag:s28] =	ssyncset.done @!p1 $0x0  }
0x57: {  	s24 =	simm.s32 @!p1 $0x4200;
	p0 =	por p4, p0;
	[sflag:s28] =	ssyncadd.s32 @!p1 $0xFFFFC000  }
0x58: {  	[spmem:s1] =	stream.indirect.scatter.add.f32 @!p1 [tilespmem:s24], [sflag:$0x4], $0x80, s23, s26, $0xb8;
	[tilespmem:$0x1E200] =	vst v63  }
0x59: {  	s28 =	simm.s32 @!p0 $0x5;
	p1 =	sne.s32 s25, $0x0;
	s23 =	simm.s32 @!p3 $0x4  }
0x5a: {  	s24 =	simm.s32 @!p0 $0x0;
	s26 =	simm.s32 @!p0 $0x100;
	_ =	swait.ge @!p3 [sflag:s23], $0x4000  }
0x5b: {  	p2 =	sle.u32 @!p1 s6, $0x0;
	p4 =	por p1, p1;
	[sflag:s23] =	ssyncset.done @!p3 $0x0  }
0x5c: {  	s0 =	simm.s32 @!p4 $0x0;
	p1 =	por p2, p2;
	[sflag:s23] =	ssyncadd.s32 @!p3 $0xFFFFC000  }
0x5d: {  	s23 =	sadd.s32 @!p0 s19, s5;
	p3 =	sne.s32 s6, $0x1;
	s0 =	simm.s32 @p4 $0x1  }
0x5e: {  	[tilespmem:s26], [sflag:$0x5] =	stream.linear.gather @!p0 [hbm4b:s23+s24], $0x100, $0x38;
	[tilespmem:$0x1E200] =	vst v63  }
0x5f: {  	s23 =	simm.s32 @!p0 $0x80;
	s24 =	simm.s32 @!p0 $0x4200;
	_ =	swait.ge @!p0 [sflag:s28], $0x100  }
0x60: {  	[smem:$0x7FC] =	sst s0;
	[sflag:s28] =	ssyncset.done @!p0 $0x0;
	s0 =	simm.s32 @!p1 $0x0  }
.Ltmp2:
0x61: {  	[sflag:s28] =	ssyncadd.s32 @!p0 $0xFFFFFF00;
	s0 =	simm.s32 @p1 $0x1;
	(pc) =	sbr.rel @!p3 .LBB2_6-.Ltmp2, $4  }
0x62: {  	[tilespmem:s24], [sflag:$0x2] =	stream.indirect.gather @!p0 [hbm4b:s4+s23], $0x80, s26, s23, $0xb8;
	[tilespmem:$0x1E200] =	vst v63  }
0x63: {  	p4 =	por $0x1, $0x1;
	s28 =	simm.s32 @p6 $0x1;
	[smem:$0x7FD] =	sst s0  }
0x64: {  	s22 =	simm.s32 $0x2;
	p0 =	por p4, p4;
	_ =	swait.ge @p6 [sflag:s28], $0x4000  }
0x65: {  	s24 =	sadd.s32 $0x20, s19;
	p4 =	sle.u32 s6, $0x1;
	[sflag:s28] =	ssyncset.done @p6 $0x0  }
.LBB2_7:
0x66: {  	s0 =	sand.u32 $0x1, s22;
	p2 =	slt.u32 s22, $0x2  }
0x67: {  	[sflag:s28] =	ssyncadd.s32 @p6 $0xFFFFC000;
	p1 =	por p0, p0;
	s2 =	simm.s32 @!p2 $0x0  }
0x68: {  	[spmem:s1] =	stream.indirect.scatter.add.f32 @p6 [tilespmem:s29], [sflag:$0x3], $0x80, s30, s30, $0xb8;
	[tilespmem:$0x1E200] =	vst v63  }
0x69: {  	p3 =	por p5, p0;
	p0 =	sne.s32 @!p2 s0, $0x0;
	s2 =	simm.s32 @p2 $0x1  }
0x6a: {  	[smem:$0x7F9] =	sst s2;
	s2 =	simm.s32 @!p0 $0x0  }
0x6b: {  	s31 =	smov.u32 s22;
	s26 =	smov.u32 s22;
	s2 =	simm.s32 @p0 $0x1  }
0x6c: {  	p5 =	sne.s32 @!p4 s25, $0x0;
	s29 =	simm.s32 @!p3 $0x3;
	[smem:$0x7FA] =	sst s2  }
0x6d: {  	s28 =	sadd.s32 $0xFFFFFFFF, s26;
	p5 =	por p5, p4;
	_ =	swait.ge @!p3 [sflag:s29], $0x4000  }
0x6e: {  	p6 =	sne.s32 s0, $0x0;
	s30 =	sand.u32 @!p5 $0x1FFFFFC0, s24;
	[sflag:s29] =	ssyncset.done @!p3 $0x0  }
0x6f: {  	p2 =	sne.s32 s31, s6;
	[sflag:s29] =	ssyncadd.s32 @!p3 $0xFFFFC000;
	s29 =	sadd.s32 @!p5 s5, s30  }
0x70: {  	s30 =	simm.s32 @!p5 $0x0;
	p3 =	sge.u32 @!p6 s28, s6;
	s28 =	simm.s32 @!p2 $0x0  }
0x71: {  	[tilespmem:s30], [sflag:$0x5] =	stream.linear.gather @!p5 [hbm4b:s29+s30], $0x100, $0x38;
	[tilespmem:$0x1E200] =	vst v63  }
0x72: {  	s28 =	simm.s32 @p2 $0x1  }
0x73: {  	s2 =	simm.s32 @!p5 $0x5;
	[smem:$0x7FB] =	sst s28  }
0x74: {  	_ =	swait.ge @!p5 [sflag:s2], $0x100  }
0x75: {  	s29 =	sld [smem:$0x7FC];
	_ =	sdelay $0x2  }
0x76: {  	[sflag:s2] =	ssyncset.done @!p5 $0x0;
	p0 =	seq.s32 s29, $0x1;
	s29 =	sld [smem:$0x7FD]  }
0x77: {  	s28 =	simm.s32 @!p5 $0x200;
	[sflag:s2] =	ssyncadd.s32 @!p5 $0xFFFFFF00;
	s2 =	simm.s32 @!p5 $0x80  }
0x78: {  	[tilespmem:s28], [sflag:$0x1] =	stream.indirect.gather @!p5 [hbm4b:s4+s2], $0x80, s30, s2, $0xb8;
	[tilespmem:$0x1E200] =	vst v63  }
0x79: {  	p2 =	por p4, p4;
	p5 =	por p6, p6;
	p4 =	seq.s32 s29, $0x1  }
0x7a: {  	s28 =	simm.s32 @!p5 $0x0;
	p4 =	por p4, p0  }
0x7b: {  	p6 =	seq.s32 s25, $0x1;
	s28 =	simm.s32 @p5 $0x1;
	s29 =	simm.s32 @!p4 $0x2  }
0x7c: {  	p5 =	por !p6, p1;
	p1 =	por !p6, !p6;
	_ =	swait.ge @!p4 [sflag:s29], $0x4000  }
0x7d: {  	s2 =	simm.s32 @!p4 $0x180;
	s25 =	simm.s32 @!p4 $0x80;
	[sflag:s29] =	ssyncset.done @!p4 $0x0  }
0x7e: {  	[smem:$0x7FC] =	sst s28;
	s28 =	simm.s32 @!p4 $0x4200;
	[sflag:s29] =	ssyncadd.s32 @!p4 $0xFFFFC000  }
0x7f: {  	[spmem:s1] =	stream.indirect.scatter.add.f32 @!p4 [tilespmem:s28], [sflag:$0x4], $0x80, s2, s25, $0xb8;
	[tilespmem:$0x1E200] =	vst v63  }
0x80: {  	p1 =	por p2, p1;
	s2 =	simm.s32 @!p5 $0x4  }
0x81: {  	p2 =	por p3, p3;
	s29 =	simm.s32 @!p1 $0x100;
	_ =	swait.ge @!p5 [sflag:s2], $0x4000  }
0x82: {  	s25 =	smov.u32 s0;
	s31 =	sld [smem:$0x7F9];
	[sflag:s2] =	ssyncset.done @!p5 $0x0  }
0x83: {  	s0 =	simm.s32 @!p1 $0x0;
	[sflag:s2] =	ssyncadd.s32 @!p5 $0xFFFFC000;
	s2 =	sadd.s32 @!p1 s24, s5  }
0x84: {  	[tilespmem:s29], [sflag:$0x5] =	stream.linear.gather @!p1 [hbm4b:s2+s0], $0x100, $0x38;
	[tilespmem:$0x1E200] =	vst v63  }
0x85: {  	s28 =	simm.s32 @!p1 $0x5;
	s0 =	simm.s32 @!p2 $0x0;
	p4 =	seq.s32 s31, $0x1  }
0x86: {  	s31 =	sld [smem:$0x7FA];
	_ =	swait.ge @!p1 [sflag:s28], $0x100;
	s0 =	simm.s32 @p2 $0x1  }
0x87: {  	s2 =	simm.s32 @!p1 $0x4200;
	[smem:$0x7FD] =	sst s0;
	[sflag:s28] =	ssyncset.done @!p1 $0x0  }
0x88: {  	s0 =	simm.s32 @!p1 $0x80;
	[sflag:s28] =	ssyncadd.s32 @!p1 $0xFFFFFF00;
	s28 =	simm.s32 @p6 $0x1  }
0x89: {  	[tilespmem:s2], [sflag:$0x2] =	stream.indirect.gather @!p1 [hbm4b:s4+s0], $0x80, s29, s0, $0xb8;
	[tilespmem:$0x1E200] =	vst v63  }
0x8a: {  	_ =	swait.ge @p6 [sflag:s28], $0x4000  }
0x8b: {  	p5 =	seq.s32 s31, $0x1;
	s31 =	sld [smem:$0x7FB];
	_ =	sdelay $0x2  }
0x8c: {  	p2 =	seq.s32 s31, $0x1  }
.Ltmp3:
0x8d: {  	_ = 	snop;
	(pc) =	sbr.rel @p2 .LBB2_7-.Ltmp3, $4  }
0x8e: {  	_ = 	snop  }
0x8f: {  	s23 =	smov.u32 s22;
	s22 =	sadd.s32 $0x1, s22  }
0x90: {  	s30 =	simm.s32 @p6 $0x80;
	s24 =	sadd.s32 $0x20, s24;
	p0 =	por p4, p4  }
0x91: {  	p4 =	sge.u32 s26, s6;
	s29 =	simm.s32 @p6 $0x200;
	[sflag:s28] =	ssyncset.done @p6 $0x0  }
0x92: {  	s0 =	sld [smem:$0x7FC]  }
0x93: {  	s31 =	sld [smem:$0x7FD];
	_ =	sdelay $0x1  }
0x94: {  	p3 =	por p5, p5;
	s26 =	smov.u32 s25  }
0x95: {  	p2 =	por $0x1, $0x1;
	p5 =	seq.s32 s0, $0x1;
	p1 =	seq.s32 s31, $0x1  }
.LBB2_9:
0x96: {  	p2 =	por !p6, !p2  }
0x97: {  	p3 =	por p3, p0;
	[sflag:s28] =	ssyncadd.s32 @!p2 $0xFFFFC000  }
0x98: {  	[spmem:s1] =	stream.indirect.scatter.add.f32 @!p2 [tilespmem:s29], [sflag:$0x3], $0x80, s30, s30, $0xb8;
	[tilespmem:$0x1E200] =	vst v63  }
0x99: {  	s0 =	simm.s32 @!p3 $0x3;
	p2 =	sne.s32 @!p4 s26, $0x0  }
0x9a: {  	_ =	swait.ge @!p3 [sflag:s0], $0x4000;
	p2 =	por p2, p4  }
0x9b: {  	[sflag:s0] =	ssyncset.done @!p3 $0x0;
	s2 =	sand.u32 @!p2 $0x1FFFFFC0, s24;
	s25 =	simm.s32 @!p2 $0x5  }
0x9c: {  	[sflag:s0] =	ssyncadd.s32 @!p3 $0xFFFFC000;
	s0 =	sadd.s32 @!p2 s5, s2;
	s2 =	simm.s32 @!p2 $0x0  }
0x9d: {  	[tilespmem:s2], [sflag:$0x5] =	stream.linear.gather @!p2 [hbm4b:s0+s2], $0x100, $0x38;
	[tilespmem:$0x1E200] =	vst v63  }
0x9e: {  	_ =	swait.ge @!p2 [sflag:s25], $0x100  }
0x9f: {  	p3 =	por p1, p5;
	s0 =	simm.s32 @!p2 $0x200;
	[sflag:s25] =	ssyncset.done @!p2 $0x0  }
0xa0: {  	s28 =	simm.s32 @!p3 $0x2;
	[sflag:s25] =	ssyncadd.s32 @!p2 $0xFFFFFF00;
	s25 =	simm.s32 @!p2 $0x80  }
0xa1: {  	[tilespmem:s0], [sflag:$0x1] =	stream.indirect.gather @!p2 [hbm4b:s4+s25], $0x80, s2, s25, $0xb8;
	[tilespmem:$0x1E200] =	vst v63  }
0xa2: {  	s0 =	simm.s32 @!p3 $0x180;
	_ =	swait.ge @!p3 [sflag:s28], $0x4000  }
0xa3: {  	s2 =	simm.s32 @!p3 $0x4200;
	p2 =	seq.s32 s26, $0x1;
	[sflag:s28] =	ssyncset.done @!p3 $0x0  }
0xa4: {  	s25 =	simm.s32 @!p3 $0x80;
	p0 =	por !p2, p0;
	[sflag:s28] =	ssyncadd.s32 @!p3 $0xFFFFC000  }
0xa5: {  	[spmem:s1] =	stream.indirect.scatter.add.f32 @!p3 [tilespmem:s2], [sflag:$0x4], $0x80, s0, s25, $0xb8;
	[tilespmem:$0x1E200] =	vst v63  }
0xa6: {  	p6 =	por !p2, !p2;
	s0 =	simm.s32 @!p0 $0x4  }
0xa7: {  	p1 =	por p4, p6;
	_ =	swait.ge @!p0 [sflag:s0], $0x4000  }
0xa8: {  	s26 =	simm.s32 @!p1 $0x5;
	s2 =	simm.s32 @!p1 $0x0;
	[sflag:s0] =	ssyncset.done @!p0 $0x0  }
0xa9: {  	s25 =	simm.s32 @!p1 $0x100;
	[sflag:s0] =	ssyncadd.s32 @!p0 $0xFFFFC000;
	s0 =	sadd.s32 @!p1 s24, s5  }
0xaa: {  	[tilespmem:s25], [sflag:$0x5] =	stream.linear.gather @!p1 [hbm4b:s0+s2], $0x100, $0x38;
	[tilespmem:$0x1E200] =	vst v63  }
0xab: {  	_ =	swait.ge @!p1 [sflag:s26], $0x100  }
0xac: {  	s0 =	simm.s32 @!p1 $0x80;
	[sflag:s26] =	ssyncset.done @!p1 $0x0  }
0xad: {  	s2 =	simm.s32 @!p1 $0x4200;
	[sflag:s26] =	ssyncadd.s32 @!p1 $0xFFFFFF00;
	s26 =	simm.s32 @p2 $0x1  }
0xae: {  	[tilespmem:s2], [sflag:$0x2] =	stream.indirect.gather @!p1 [hbm4b:s4+s0], $0x80, s25, s0, $0xb8;
	[tilespmem:$0x1E200] =	vst v63  }
0xaf: {  	_ =	swait.ge @p2 [sflag:s26], $0x4000  }
0xb0: {  	[sflag:s26] =	ssyncset.done @p2 $0x0  }
0xb1: {  	s0 =	simm.s32 @p2 $0x200;
	s2 =	simm.s32 @p2 $0x80;
	[sflag:s26] =	ssyncadd.s32 @p2 $0xFFFFC000  }
0xb2: {  	[spmem:s1] =	stream.indirect.scatter.add.f32 @p2 [tilespmem:s0], [sflag:$0x3], $0x80, s2, s2, $0xb8;
	[tilespmem:$0x1E200] =	vst v63  }
0xb3: {  	p0 =	sge.u32 @p2 s22, s6;
	s0 =	simm.s32 @p2 $0x3  }
0xb4: {  	p0 =	por p0, !p2;
	s2 =	sadd.s32 $0x20, s24;
	_ =	swait.ge @p2 [sflag:s0], $0x4000  }
0xb5: {  	s24 =	sand.u32 @!p0 $0x1FFFFFC0, s2;
	[sflag:s0] =	ssyncset.done @p2 $0x0  }
0xb6: {  	[sflag:s0] =	ssyncadd.s32 @p2 $0xFFFFC000;
	s0 =	sadd.s32 @!p0 s5, s24;
	s24 =	simm.s32 @!p0 $0x0  }
0xb7: {  	[tilespmem:s24], [sflag:$0x5] =	stream.linear.gather @!p0 [hbm4b:s0+s24], $0x100, $0x38;
	[tilespmem:$0x1E200] =	vst v63  }
0xb8: {  	s0 =	simm.s32 @!p0 $0x5  }
0xb9: {  	_ =	swait.ge @!p0 [sflag:s0], $0x100  }
0xba: {  	[sflag:s0] =	ssyncset.done @!p0 $0x0  }
0xbb: {  	s25 =	simm.s32 @!p0 $0x200;
	[sflag:s0] =	ssyncadd.s32 @!p0 $0xFFFFFF00;
	s0 =	simm.s32 @!p0 $0x80  }
0xbc: {  	[tilespmem:s25], [sflag:$0x1] =	stream.indirect.gather @!p0 [hbm4b:s4+s0], $0x80, s24, s0, $0xb8;
	[tilespmem:$0x1E200] =	vst v63  }
0xbd: {  	p0 =	sge.u32 @p2 s23, s6  }
0xbe: {  	p0 =	por p0, !p2  }
0xbf: {  	s0 =	simm.s32 @!p0 $0x2  }
0xc0: {  	_ =	swait.ge @!p0 [sflag:s0], $0x4000  }
0xc1: {  	s29 =	sand.u32 $0x1, s22;
	s24 =	simm.s32 @!p0 $0x180;
	[sflag:s0] =	ssyncset.done @!p0 $0x0  }
0xc2: {  	s25 =	simm.s32 @!p0 $0x4200;
	[sflag:s0] =	ssyncadd.s32 @!p0 $0xFFFFC000;
	s0 =	simm.s32 @!p0 $0x80  }
0xc3: {  	[spmem:s1] =	stream.indirect.scatter.add.f32 @!p0 [tilespmem:s25], [sflag:$0x4], $0x80, s24, s0, $0xb8;
	[tilespmem:$0x1E200] =	vst v63  }
0xc4: {  	p3 =	slt.u32 @!p2 s22, s6;
	p1 =	slt.u32 @p2 s22, s6;
	p0 =	seq.s32 s29, $0x0  }
0xc5: {  	p1 =	por @!p2 p3, p3;
	s0 =	simm.s32 @!p0 $0x4  }
0xc6: {  	p1 =	por !p1, p0;
	_ =	swait.ge @!p0 [sflag:s0], $0x4000  }
0xc7: {  	s22 =	simm.s32 @!p1 $0x100;
	[sflag:s0] =	ssyncset.done @!p0 $0x0  }
0xc8: {  	[sflag:s0] =	ssyncadd.s32 @!p0 $0xFFFFC000;
	s0 =	sadd.s32 @!p1 s2, s5;
	s2 =	simm.s32 @!p1 $0x0  }
0xc9: {  	[tilespmem:s22], [sflag:$0x5] =	stream.linear.gather @!p1 [hbm4b:s0+s2], $0x100, $0x38;
	[tilespmem:$0x1E200] =	vst v63  }
0xca: {  	s0 =	simm.s32 @!p1 $0x5  }
0xcb: {  	_ =	swait.ge @!p1 [sflag:s0], $0x100  }
0xcc: {  	[sflag:s0] =	ssyncset.done @!p1 $0x0  }
0xcd: {  	s2 =	simm.s32 @!p1 $0x4200;
	[sflag:s0] =	ssyncadd.s32 @!p1 $0xFFFFFF00;
	s0 =	simm.s32 @!p1 $0x80  }
0xce: {  	[tilespmem:s2], [sflag:$0x2] =	stream.indirect.gather @!p1 [hbm4b:s4+s0], $0x80, s22, s0, $0xb8;
	[tilespmem:$0x1E200] =	vst v63  }
0xcf: {  	p1 =	sge.u32 @!p0 s23, s6  }
0xd0: {  	p0 =	por p1, p0  }
0xd1: {  	s0 =	simm.s32 @!p0 $0x1  }
0xd2: {  	_ =	swait.ge @!p0 [sflag:s0], $0x4000  }
0xd3: {  	s30 =	stileid.u32;
	[sflag:s0] =	ssyncset.done @!p0 $0x0  }
0xd4: {  	s2 =	simm.s32 @!p0 $0x200;
	[sflag:s0] =	ssyncadd.s32 @!p0 $0xFFFFC000;
	s0 =	simm.s32 @!p0 $0x80  }
0xd5: {  	[spmem:s1] =	stream.indirect.scatter.add.f32 @!p0 [tilespmem:s2], [sflag:$0x3], $0x80, s0, s0, $0xb8;
	[tilespmem:$0x1E200] =	vst v63  }
0xd6: {  	s31 =	sshrl.u32 s7, $0x3;
	s3 =	sadd.s32 $0x1, s3;
	s0 =	sshll.u32 s30, $0x6  }
0xd7: {  	p0 =	sne.s32 s3, s9;
	[bflag:$0x0] =	sbarrier.arrive $0xFFFF;
	s0 =	sor.u32 $0x1C05, s0  }
0xd8: {  	[hbm:s8], [sflag:s0] =	dma.local [spmem:s31], $0x2800  }
.Ltmp4:
0xd9: {  	_ = 	snop;
	(pc) =	sbr.rel @p0 .LBB2_1-.Ltmp4, $4  }
.Ltmp5:
0xda: {  	_ = 	snop;
	(pc) =	sbr.rel @!p0 .LBB2_10-.Ltmp5, $4  }
0xdb: {  	_ =	swait.ge [sflag:s21], $0x2800  }
0xdc: {  	[sflag:s21] =	ssyncset.done $0x0  }
0xdd: {  	[sflag:s21] =	ssyncadd.s32 $0xFFFFD800  }
0xde: {  	_ = 	snop  }
.LBB2_4:
.Ltmp6:
0xdf: {  	(pc) =	sbr.rel .LBB2_9-.Ltmp6, $2  }
0xe0: {  	_ =	sdelay $0x2  }
0xe1: {  	p3 =	por p6, p6;
	s24 =	smov.u32 s19  }
.LBB2_6:
.Ltmp7:
0xe2: {  	s0 =	sld [smem:$0x7FC];
	(pc) =	sbr.rel .LBB2_9-.Ltmp7, $3  }
0xe3: {  	s31 =	sld [smem:$0x7FD];
	_ =	sdelay $0x1  }
0xe4: {  	p3 =	por p5, p5;
	s23 =	simm.s32 $0x1;
	s26 =	smov.u32 s25  }
0xe5: {  	p2 =	por $0x1, $0x1;
	p5 =	seq.s32 s0, $0x1;
	p1 =	seq.s32 s31, $0x1  }
.LBB2_10:
0xe6: {  	_ =	sfence.sel $0x180000  }
0xe7: {  	[bflag:$0x0] =	sbarrier.arrive $0xFFFF  }
0xe8: {  	_ =	strace $0x9000004A  }
0xe9: {  	s0 =	stileid.u32;
	[bflag:$0x2] =	sbarrier.arrive $0xFFFF  }
0xea: {  	p0 =	sne.s32 s0, $0x0;
	s0 =	rddreg [dreg:$0x2]  }
0xeb: {  	s0 =	sadd.s32 @!p0 $0x100000, s0  }
0xec: {  	[sflag:s0] =	ssyncadd.tile.s32 @!p0 $0x1;
	_ =	shalt  }
.Lfunc_end2:
_tile_overlayer_lowered:
.L_overlay_start_2:
0xed: {  	(tag) =	ssettag $0x2  }
0xee: {  	s0 =	rddreg [dreg:$0x0];
	s2 =	stileid.u32  }
0xef: {  	s1 =	rddreg [dreg:$0x1];
	p0 =	sne.s32 s2, $0x0  }
0xf0: {  	s3 =	rddreg [dreg:$0x2];
	[bflag:$0x3] =	sbarrier.arrive $0xFFFF;
	s2 =	simm.s32 @!p0 $0x1C05  }
0xf1: {  	[timem:s3], [sflag:s2] =	dma.local @!p0 [hbm:s0], s1  }
0xf2: {  	s0 =	simm.s32 @!p0 $0x5  }
0xf3: {  	_ =	swait.ge @!p0 [sflag:s0], s1  }
0xf4: {  	s1 =	ssub.s32 @!p0 $0x0, s1;
	[sflag:s0] =	ssyncset.done @!p0 $0x0  }
0xf5: {  	[sflag:s0] =	ssyncadd.s32 @!p0 s1  }
0xf6: {  	[bflag:$0x3] =	sbarrier.arrive $0xFFFF  }
0xf7: {  	_ =	shalt  }

// kernel: kernel.8.cloned.1.call-start
scs
__scs_entry_jumppad:
0x0: {  	(pc) =	sbr.rel $0x88, $3  }
0x1: {  	(tag) =	ssettag $0x0;
	lr =	simm.s32 $0x1  }
0x2: {  	[smem:$0x3F91] =	sst lr;
	_ =	strace $0xD0000000  }
0x3: {  	_ = 	snop  }
0x4: {  	_ = 	snop  }
0x5: {  	_ = 	snop  }
0x6: {  	_ = 	snop  }
0x7: {  	_ = 	snop  }
__scs_overlays_trampoline_lowered:
0x8: {  	[smem:$0x3FA0] =	sst s0  }
0x9: {  	[smem:$0x3FA1] =	sst s1  }
0xa: {  	[smem:$0x3FA2] =	sst s2  }
0xb: {  	[smem:$0x3FA3] =	sst s3  }
0xc: {  	[smem:$0x3FA4] =	sst s4  }
0xd: {  	[smem:$0x3FA5] =	sst s5  }
0xe: {  	[smem:$0x3FA6] =	sst s6  }
0xf: {  	[smem:$0x3FA7] =	sst s7  }
0x10: {  	[smem:$0x3FA8] =	sst s8  }
0x11: {  	[smem:$0x3FA9] =	sst s9;
	s0 =	simm.s32 @!p0 $0x0  }
0x12: {  	s1 =	sld [smem:$0x3F8F];
	s0 =	simm.s32 @p0 $0x1  }
0x13: {  	[smem:$0x3FAA] =	sst s0;
	s0 =	simm.s32 @!p1 $0x0  }
0x14: {  	s2 =	sld [smem:$0x3F8E];
	s0 =	simm.s32 @p1 $0x1  }
0x15: {  	[smem:$0x3FAB] =	sst s0;
	s0 =	simm.s32 @!p2 $0x0  }
0x16: {  	s3 =	sld [smem:$0x3FDB];
	s0 =	simm.s32 @p2 $0x1  }
0x17: {  	s4 =	simm.s32 $0x1BF5;
	[smem:$0x3FAD] =	sst s0  }
0x18: {  	s0 =	sld [smem:$0x3F90];
	_ =	swait.ge [sflag:s4], $0x0  }
0x19: {  	s7 =	sld [smem:$0x3F91]  }
0x1a: {  	s8 =	sadd.s32 $0xFFFFE003, lr  }
0x1b: {  	s9 =	sadd.s32 $0xFFFFFEF7, lr;
	s5 =	simm.s32 $0xFFFFFFFF;
	p2 =	slt.u32 s8, $0xFFFFF086  }
0x1c: {  	p1 =	slt.u32 s9, $0xF7A;
	s5 =	simm.s32 @!p2 $0x0  }
0x1d: {  	s5 =	simm.s32 @p1 $0x1;
	p0 =	seq.s32 s7, s2  }
0x1e: {  	s7 =	smul.u32 @!p0 $0xF7A, s2;
	p2 =	seq.s32 @!p0 s5, $0x0  }
0x1f: {  	s9 =	smul.u32 $0xF7A, s1;
	s8 =	simm.s32 @!p0 $0x1BF5;
	p2 =	por !p2, p0  }
0x20: {  	[sflag:s8] =	ssyncset.s32 @!p0 $0xFFFFF086;
	s6 =	sadd.s32 @!p0 s3, s7;
	s7 =	simm.s32 @!p0 $0x108  }
0x21: {  	s3 =	sadd.s32 s3, s9;
	s6 =	sadd.s32 @!p0 $0x88, s6;
	s7 =	simm.s32 @p2 $0x1082  }
0x22: {  	[simem:s7], [sflag:s8] =	dma.local @!p0 [hbm:s6], $0xF7A  }
0x23: {  	s9 =	sor.u32 $0xD0000000, s2;
	s6 =	simm.s32 $0x108;
	_ =	swait.ge @!p0 [sflag:s8], $0x0  }
0x24: {  	s3 =	sadd.s32 $0x88, s3;
	s6 =	simm.s32 @!p1 $0x1082;
	[sflag:s4] =	ssyncset.s32 $0xFFFFF086  }
0x25: {  	[simem:s6], [sflag:s4] =	dma.local [hbm:s3], $0xF7A  }
0x26: {  	[smem:$0x3F91] =	sst s1;
	(tag) =	ssettag s2;
	_ =	strace s9  }
0x27: {  	s1 =	sld [smem:$0x3FA1]  }
0x28: {  	s2 =	sld [smem:$0x3FA2]  }
0x29: {  	s4 =	sld [smem:$0x3FA4]  }
0x2a: {  	p0 =	seq.s32 s5, $0x0;
	s5 =	sld [smem:$0x3FA5]  }
0x2b: {  	s6 =	sld [smem:$0x3FA6]  }
0x2c: {  	s7 =	sld [smem:$0x3FA7]  }
0x2d: {  	s3 =	simm.s32 $0x108;
	s8 =	sld [smem:$0x3FA8]  }
0x2e: {  	s3 =	simm.s32 @!p0 $0x1082;
	s9 =	sld [smem:$0x3FA9]  }
0x2f: {  	lr =	sadd.s32 s0, s3;
	s0 =	sld [smem:$0x3FA0]  }
0x30: {  	s3 =	sld [smem:$0x3FA3]  }
0x31: {  	[smem:$0x3FAC] =	sst s10  }
0x32: {  	s10 =	sld [smem:$0x3FAA];
	_ =	sdelay $0x3  }
0x33: {  	p0 =	seq.s32 s10, $0x1;
	s10 =	sld [smem:$0x3FAC];
	_ =	sdelay $0x3  }
0x34: {  	[smem:$0x3FAC] =	sst s10  }
0x35: {  	s10 =	sld [smem:$0x3FAB];
	_ =	sdelay $0x3  }
0x36: {  	p1 =	seq.s32 s10, $0x1;
	s10 =	sld [smem:$0x3FAC];
	_ =	sdelay $0x3  }
0x37: {  	[smem:$0x3FAC] =	sst s10  }
0x38: {  	s10 =	sld [smem:$0x3FAD]  }
0x39: {  	_ = 	snop;
	(pc) =	sbr.ind lr, $3  }
0x3a: {  	_ = 	snop  }
0x3b: {  	_ = 	snop  }
0x3c: {  	p2 =	seq.s32 s10, $0x1;
	s10 =	sld [smem:$0x3FAC]  }
0x3d: {  	_ =	shalt  }
0x3e: {  	_ =	shalt  }
0x3f: {  	_ =	shalt  }
0x40: {  	_ =	shalt  }
0x41: {  	_ =	shalt  }
0x42: {  	_ =	shalt  }
0x43: {  	_ =	shalt  }
0x44: {  	_ =	shalt  }
0x45: {  	_ =	shalt  }
0x46: {  	_ =	shalt  }
0x47: {  	_ =	shalt  }
0x48: {  	_ =	shalt  }
0x49: {  	_ =	shalt  }
0x4a: {  	_ =	shalt  }
0x4b: {  	_ =	shalt  }
0x4c: {  	_ =	shalt  }
0x4d: {  	_ =	shalt  }
0x4e: {  	_ =	shalt  }
0x4f: {  	_ =	shalt  }
0x50: {  	_ =	shalt  }
0x51: {  	_ =	shalt  }
0x52: {  	_ =	shalt  }
0x53: {  	_ =	shalt  }
0x54: {  	_ =	shalt  }
0x55: {  	_ =	shalt  }
0x56: {  	_ =	shalt  }
0x57: {  	_ =	shalt  }
0x58: {  	_ =	shalt  }
0x59: {  	_ =	shalt  }
0x5a: {  	_ =	shalt  }
0x5b: {  	_ =	shalt  }
0x5c: {  	_ =	shalt  }
0x5d: {  	_ =	shalt  }
0x5e: {  	_ =	shalt  }
0x5f: {  	_ =	shalt  }
0x60: {  	_ =	shalt  }
0x61: {  	_ =	shalt  }
0x62: {  	_ =	shalt  }
0x63: {  	_ =	shalt  }
0x64: {  	_ =	shalt  }
0x65: {  	_ =	shalt  }
0x66: {  	_ =	shalt  }
0x67: {  	_ =	shalt  }
0x68: {  	_ =	shalt  }
0x69: {  	_ =	shalt  }
0x6a: {  	_ =	shalt  }
0x6b: {  	_ =	shalt  }
0x6c: {  	_ =	shalt  }
0x6d: {  	_ =	shalt  }
0x6e: {  	_ =	shalt  }
0x6f: {  	_ =	shalt  }
0x70: {  	_ =	shalt  }
0x71: {  	_ =	shalt  }
0x72: {  	_ =	shalt  }
0x73: {  	_ =	shalt  }
0x74: {  	_ =	shalt  }
0x75: {  	_ =	shalt  }
0x76: {  	_ =	shalt  }
0x77: {  	_ =	shalt  }
0x78: {  	_ =	shalt  }
0x79: {  	_ =	shalt  }
0x7a: {  	_ =	shalt  }
0x7b: {  	_ =	shalt  }
0x7c: {  	_ =	shalt  }
0x7d: {  	_ =	shalt  }
0x7e: {  	_ =	shalt  }
0x7f: {  	_ =	shalt  }
0x80: {  	_ =	shalt  }
0x81: {  	_ =	shalt  }
0x82: {  	_ =	shalt  }
0x83: {  	_ =	shalt  }
0x84: {  	_ =	shalt  }
0x85: {  	_ =	shalt  }
0x86: {  	_ =	shalt  }
0x87: {  	_ =	shalt  }
.Lfunc_end0:
.L_simem_size_0:
called_computation_lowered:
.L_overlay_start_0:
0x88: {  	s2 =	sld [smem:$0x3FD9]  }
0x89: {  	s3 =	sld [smem:$0x3FFE];
	_ =	sdelay $0x1  }
0x8a: {  	s1 =	srdreg.scid  }
0x8b: {  	s0 =	sand.u32 $0x1, s1  }
0x8c: {  	s16 =	sshll.u32 s0, $0xA;
	s2 =	sadd.s32 s3, s2  }
0x8d: {  	s2 =	sadd.s32 s2, s16  }
0x8e: {  	[smem:$0x3FB8] =	sst s2  }
0x8f: {  	_ = 	snop  }
0x90: {  	(tm) =	ssettm $0x1  }
0x91: {  	s17 =	sld [smem:$0x3FFB];
	_ =	sdelay $0x3  }
0x92: {  	_ =	strace s17  }
0x93: {  	s2 =	sld [smem:$0x3FFC];
	_ =	sdelay $0x3  }
0x94: {  	_ =	strace s2  }
0x95: {  	s2 =	sld [smem:$0x3FFD];
	_ =	sdelay $0x3  }
0x96: {  	_ =	strace s2  }
0x97: {  	_ =	strace $0x8FFFFFFF  }
0x98: {  	s18 =	sld [smem:$0x3FDB];
	_ =	sdelay $0x1  }
0x99: {  	s19 =	simm.s32 $_scs_section_size  }
0x9a: {  	s4 =	simm.s32 $_size__tile_overlayer_lowered;
	s5 =	simm.s32 $_tile_overlayer_lowered  }
0x9b: {  	s22 =	simm.s32 $0x1BFF;
	s21 =	sshll.u32 s5, $0x1;
	s2 =	sadd.s32 s19, s18  }
0x9c: {  	s6 =	simm.s32 $0x0;
	s20 =	sshll.u32 s4, $0x1;
	s4 =	sadd.s32 s21, s2  }
0x9d: {  	[timem:s6], [sflag:s22] =	dma.local [hbm:s4], s20  }
0x9e: {  	_ =	swait.ge [sflag:s22], s20  }
0x9f: {  	s3 =	ssub.s32 $0x0, s20;
	[sflag:s22] =	ssyncset.done $0x0  }
0xa0: {  	[sflag:s22] =	ssyncadd.s32 s3;
	_ =	sdelay $0x1  }
0xa1: {  	s23 =	simm.s32 $0x1B8B  }
0xa2: {  	_ =	swait.ge [sflag:s23], $0x1  }
0xa3: {  	[sflag:s23] =	ssyncset.done $0x0  }
0xa4: {  	s25 =	simm.s32 $0x1B8E;
	s24 =	sld [smem:$0x3FFE];
	[sflag:s23] =	ssyncadd.s32 $0xFFFFFFFF  }
0xa5: {  	s26 =	simm.s32 $execute0_lowered;
	[smem:$0x3FD2] =	sst s25  }
0xa6: {  	s4 =	sshll.u32 s26, $0x1;
	_ =	strace $0x80000046;
	[dreg:$0x1] =	wrdreg $0xFFFFFFFF  }
0xa7: {  	s28 =	simm.s32 $_size_execute0_lowered;
	s2 =	sadd.s32 s2, s4;
	[dreg:$0x0] =	wrdreg $0x0  }
0xa8: {  	s4 =	sshll.u32 s28, $0x1;
	[dreg:$0x2] =	wrdreg s2  }
0xa9: {  	[dreg:$0x3] =	wrdreg s4  }
0xaa: {  	[dreg:$0x4] =	wrdreg $0xC0  }
0xab: {  	_ =	task [dreg:s6], $0x5FFFF  }
0xac: {  	[dreg:$0x1] =	wrdreg $0xFFFFFFFF  }
0xad: {  	[dreg:$0x0] =	wrdreg $0x60  }
0xae: {  	[dreg:$0x2] =	wrdreg s24  }
0xaf: {  	[dreg:$0x3] =	wrdreg $0xA2000  }
0xb0: {  	[dreg:$0x4] =	wrdreg $0x9  }
0xb1: {  	_ =	task.clear_ibuf [dreg:s6], $0x5FFFF;
	_ =	strace $0x90000046  }
0xb2: {  	s29 =	simm.s32 $0x9;
	_ =	strace $0x80000048  }
0xb3: {  	_ =	swait.ge [sflag:s29], $0x1  }
0xb4: {  	[sflag:s29] =	ssyncadd.s32 $0xFFFFFFFF  }
0xb5: {  	_ =	strace $0x90000048  }
0xb6: {  	_ =	sfence  }
0xb7: {  	s30 =	sld [smem:$0x0];
	_ =	sdelay $0x2  }
0xb8: {  	s31 =	sshll.u32 s1, $0xD;
	s1 =	sshrl.u32 s1, $0x2  }
0xb9: {  	s3 =	sand.u32 $0x4000, s31;
	s1 =	sadd.s32 s1, s30  }
0xba: {  	s0 =	sor.u32 s3, s0;
	s1 =	sshll.u32 s1, $0x11  }
0xbb: {  	s0 =	sor.u32 s1, s0  }
0xbc: {  	s0 =	sadd.s32 $0x8F2B, s0  }
0xbd: {  	[sflag:s0] =	ssyncadd.remote.s32 $0x1  }
0xbe: {  	_ =	sfence.sel $0xFFFF  }
0xbf: {  	[dreg:$0x0] =	wrdreg $0xFFFFFFFF;
	(pc) =	sbr.abs _section_cstart, $3  }
0xc0: {  	[dreg:$0x1] =	wrdreg $0xFFFFFFFF  }
0xc1: {  	_ =	task.clear_ibuf [dreg:s6], $0x2FFFF;
	_ =	strace $0x9FFFFFFF  }
0xc2: {  	(tm) =	ssettm $0x7FFFFFFF  }
0xc3: {  	_ =	shalt  }
tec
execute0_lowered:
.L_overlay_start_1:
0x0: {  	(tag) =	ssettag $0x1  }
0x1: {  	s6 =	rddreg [dreg:$0x0]  }
0x2: {  	s1 =	rddreg [dreg:$0x1];
	s0 =	stileid.u32  }
0x3: {  	s3 =	simm.s32 $0x0;
	s2 =	srdreg.scid;
	s9 =	smul.u32 $0x14000, s0  }
0x4: {  	s20 =	simm.s32 $0x8200;
	s21 =	simm.s32 $0x5;
	s10 =	smul.u32 $0x8A, s0  }
0x5: {  	[smem:$0x7FF] =	sst s3;
	s7 =	sand.u32 $0x1, s2;
	s12 =	smul.u32 $0x14, s0  }
0x6: {  	s4 =	sadd.s32 $0x3C00, s6;
	s5 =	sadd.s32 $0x274C00, s6;
	s30 =	smul.u32 $0x50000, s0  }
0x7: {  	s8 =	smul.u32 $0x140000, s7;
	_ =	strace $0x80000047;
	s29 =	ssub.s32 $0x2, s7  }
0x8: {  	p0 =	seq.s32 s7, $0x0;
	s11 =	sshrl.u32 s29, $0x1;
	s19 =	sadd.s32 $0x8A0, s12  }
0x9: {  	s31 =	sshrl.u32 s30, $0x2;
	s8 =	sadd.s32 s9, s8;
	s9 =	ssub.s32 s29, s11  }
0xa: {  	s19 =	smov.u32 @p0 s10;
	s7 =	sadd.s32 s31, s1;
	s8 =	sshrl.u32 s8, $0x3  }
0xb: {  	s9 =	smax.u32 s9, $0x1;
	s10 =	sadd.s32 $0x2000, s7;
	s11 =	sadd.s32 $0x4000, s7  }
0xc: {  	s12 =	sadd.s32 $0x6000, s7;
	s13 =	sadd.s32 $0x8000, s7;
	s14 =	sadd.s32 $0xA000, s7  }
0xd: {  	s15 =	sadd.s32 $0xC000, s7;
	s16 =	sadd.s32 $0xE000, s7;
	s17 =	sadd.s32 $0x10000, s7  }
0xe: {  	s18 =	sadd.s32 $0x12000, s7;
	s8 =	sadd.s32 s8, s6;
	s6 =	simm.s32 $0x8A  }
0xf: {  	v0 =	vimm.f32 $0.0e+00;
	s19 =	sshll.u32 s19, $0x5;
	s6 =	simm.s32 @!p0 $0x14;
	s8 =	sadd.s32 $0x2BC00, s8  }
.LBB2_1:
0x10: {  	s22 =	simm.s32 $0x0;
	s23 =	simm.s32 $0x200  }
.LBB2_2:
0x11: {  	p0 =	sne.s32 s23, $0x7E00;
	[tilespmem:s22+$0x8270] =	vst v0  }
0x12: {  	[tilespmem:s22+$0x8200] =	vst v0  }
0x13: {  	[tilespmem:s22+$0x8210] =	vst v0  }
.Ltmp0:
0x14: {  	[tilespmem:s22+$0x8220] =	vst v0;
	(pc) =	sbr.rel @p0 .LBB2_2-.Ltmp0, $4  }
0x15: {  	[tilespmem:s22+$0x8230] =	vst v0  }
0x16: {  	[tilespmem:s22+$0x8240] =	vst v0  }
0x17: {  	[tilespmem:s22+$0x8250] =	vst v0  }
0x18: {  	[tilespmem:s22+$0x8260] =	vst v0;
	s22 =	sshra.s32 s23, $0x2;
	s23 =	sadd.s32 $0x200, s23  }
0x19: {  	[tilespmem:s22+$0x8270] =	vst v0  }
0x1a: {  	[tilespmem:s22+$0x8200] =	vst v0  }
0x1b: {  	[tilespmem:s22+$0x8210] =	vst v0  }
0x1c: {  	[tilespmem:s22+$0x8220] =	vst v0  }
0x1d: {  	[tilespmem:s22+$0x8230] =	vst v0  }
0x1e: {  	[tilespmem:s22+$0x8240] =	vst v0  }
0x1f: {  	[tilespmem:s22+$0x8250] =	vst v0  }
0x20: {  	[tilespmem:s22+$0x8260] =	vst v0  }
0x21: {  	[spmem:s7] =	stream.linear.scatter [tilespmem:s20], [sflag:$0x5], $0x2000, $0x38;
	[tilespmem:$0x1E200] =	vst v63  }
0x22: {  	_ =	swait.ge [sflag:s21], $0x2000  }
0x23: {  	[sflag:s21] =	ssyncset.done $0x0  }
0x24: {  	[sflag:s21] =	ssyncadd.s32 $0xFFFFE000  }
0x25: {  	[spmem:s10] =	stream.linear.scatter [tilespmem:s20], [sflag:$0x5], $0x2000, $0x38;
	[tilespmem:$0x1E200] =	vst v63  }
0x26: {  	_ =	swait.ge [sflag:s21], $0x2000  }
0x27: {  	[sflag:s21] =	ssyncset.done $0x0  }
0x28: {  	[sflag:s21] =	ssyncadd.s32 $0xFFFFE000  }
0x29: {  	[spmem:s11] =	stream.linear.scatter [tilespmem:s20], [sflag:$0x5], $0x2000, $0x38;
	[tilespmem:$0x1E200] =	vst v63  }
0x2a: {  	_ =	swait.ge [sflag:s21], $0x2000  }
0x2b: {  	[sflag:s21] =	ssyncset.done $0x0  }
0x2c: {  	[sflag:s21] =	ssyncadd.s32 $0xFFFFE000  }
0x2d: {  	[spmem:s12] =	stream.linear.scatter [tilespmem:s20], [sflag:$0x5], $0x2000, $0x38;
	[tilespmem:$0x1E200] =	vst v63  }
0x2e: {  	_ =	swait.ge [sflag:s21], $0x2000  }
0x2f: {  	[sflag:s21] =	ssyncset.done $0x0  }
0x30: {  	[sflag:s21] =	ssyncadd.s32 $0xFFFFE000  }
0x31: {  	[spmem:s13] =	stream.linear.scatter [tilespmem:s20], [sflag:$0x5], $0x2000, $0x38;
	[tilespmem:$0x1E200] =	vst v63  }
0x32: {  	_ =	swait.ge [sflag:s21], $0x2000  }
0x33: {  	[sflag:s21] =	ssyncset.done $0x0  }
0x34: {  	[sflag:s21] =	ssyncadd.s32 $0xFFFFE000  }
0x35: {  	[spmem:s14] =	stream.linear.scatter [tilespmem:s20], [sflag:$0x5], $0x2000, $0x38;
	[tilespmem:$0x1E200] =	vst v63  }
0x36: {  	_ =	swait.ge [sflag:s21], $0x2000  }
0x37: {  	[sflag:s21] =	ssyncset.done $0x0  }
0x38: {  	[sflag:s21] =	ssyncadd.s32 $0xFFFFE000  }
0x39: {  	[spmem:s15] =	stream.linear.scatter [tilespmem:s20], [sflag:$0x5], $0x2000, $0x38;
	[tilespmem:$0x1E200] =	vst v63  }
0x3a: {  	_ =	swait.ge [sflag:s21], $0x2000  }
0x3b: {  	[sflag:s21] =	ssyncset.done $0x0  }
0x3c: {  	[sflag:s21] =	ssyncadd.s32 $0xFFFFE000  }
0x3d: {  	[spmem:s16] =	stream.linear.scatter [tilespmem:s20], [sflag:$0x5], $0x2000, $0x38;
	[tilespmem:$0x1E200] =	vst v63  }
0x3e: {  	_ =	swait.ge [sflag:s21], $0x2000  }
0x3f: {  	[sflag:s21] =	ssyncset.done $0x0  }
0x40: {  	[sflag:s21] =	ssyncadd.s32 $0xFFFFE000  }
0x41: {  	[spmem:s17] =	stream.linear.scatter [tilespmem:s20], [sflag:$0x5], $0x2000, $0x38;
	[tilespmem:$0x1E200] =	vst v63  }
0x42: {  	_ =	swait.ge [sflag:s21], $0x2000  }
0x43: {  	s23 =	simm.s32 $0x0;
	[sflag:s21] =	ssyncset.done $0x0  }
0x44: {  	p0 =	por $0x1, $0x1;
	p3 =	sne.s32 s6, $0x0;
	[sflag:s21] =	ssyncadd.s32 $0xFFFFE000  }
0x45: {  	[spmem:s18] =	stream.linear.scatter [tilespmem:s20], [sflag:$0x5], $0x2000, $0x38;
	[tilespmem:$0x1E200] =	vst v63  }
.Ltmp1:
0x46: {  	s22 =	simm.s32 $0x1;
	_ =	swait.ge [sflag:s21], $0x2000;
	(pc) =	sbr.rel @!p3 .LBB2_4-.Ltmp1, $4  }
0x47: {  	p4 =	sle.u32 s6, $0x0;
	s26 =	sand.u32 $0x1, s23;
	[sflag:s21] =	ssyncset.done $0x0  }
0x48: {  	p1 =	sne.s32 s26, $0x0;
	p6 =	sne.s32 @!p0 s26, $0x0;
	[sflag:s21] =	ssyncadd.s32 $0xFFFFE000  }
0x49: {  	p0 =	por p0, p0;
	p2 =	sle.u32 @!p1 s6, $0xFFFFFFFF;
	[bflag:$0x0] =	sbarrier.arrive $0xFFFF  }
0x4a: {  	p5 =	por p1, p1;
	p1 =	por p2, p2;
	p2 =	por $0x0, $0x0  }
0x4b: {  	p2 =	por p6, p0;
	p3 =	sne.s32 @!p4 s26, $0x0;
	s25 =	sand.u32 $0x1, s22  }
0x4c: {  	p1 =	por p1, p5;
	p6 =	seq.s32 s26, $0x1;
	s23 =	simm.s32 @!p2 $0x3  }
0x4d: {  	p3 =	por p3, p4;
	s26 =	simm.s32 @!p1 $0x80;
	_ =	swait.ge @!p2 [sflag:s23], $0x4000  }
0x4e: {  	s24 =	sand.u32 @!p3 $0x1FFFFFC0, s19;
	s28 =	simm.s32 @!p3 $0x5;
	[sflag:s23] =	ssyncset.done @!p2 $0x0  }
0x4f: {  	[sflag:s23] =	ssyncadd.s32 @!p2 $0xFFFFC000;
	s23 =	sadd.s32 @!p3 s5, s24;
	s24 =	simm.s32 @!p3 $0x0  }
0x50: {  	[tilespmem:s24], [sflag:$0x5] =	stream.linear.gather @!p3 [hbm4b:s23+s24], $0x100, $0x38;
	[tilespmem:$0x1E200] =	vst v63  }
0x51: {  	s29 =	simm.s32 @p6 $0x200;
	s30 =	simm.s32 @p6 $0x80;
	_ =	swait.ge @!p3 [sflag:s28], $0x100  }
0x52: {  	s22 =	simm.s32 @!p3 $0x200;
	p2 =	por $0x1, $0x1;
	[sflag:s28] =	ssyncset.done @!p3 $0x0  }
0x53: {  	s23 =	simm.s32 @!p3 $0x80;
	[sflag:s28] =	ssyncadd.s32 @!p3 $0xFFFFFF00;
	s28 =	simm.s32 @!p1 $0x2  }
0x54: {  	[tilespmem:s22], [sflag:$0x1] =	stream.indirect.gather @!p3 [hbm4b:s4+s23], $0x80, s24, s23, $0xb8;
	[tilespmem:$0x1E200] =	vst v63  }
0x55: {  	p5 =	sne.s32 @!p2 s25, $0x0;
	s23 =	simm.s32 @!p1 $0x180;
	_ =	swait.ge @!p1 [sflag:s28], $0x4000  }
0x56: {  	p3 =	por !p6, p0;
	p0 =	por !p6, !p6;
	[sflag:s28] =	ssyncset.done @!p1 $0x0  }
0x57: {  	s24 =	simm.s32 @!p1 $0x4200;
	p0 =	por p4, p0;
	[sflag:s28] =	ssyncadd.s32 @!p1 $0xFFFFC000  }
0x58: {  	[spmem:s1] =	stream.indirect.scatter.add.f32 @!p1 [tilespmem:s24], [sflag:$0x4], $0x80, s23, s26, $0xb8;
	[tilespmem:$0x1E200] =	vst v63  }
0x59: {  	s28 =	simm.s32 @!p0 $0x5;
	p1 =	sne.s32 s25, $0x0;
	s23 =	simm.s32 @!p3 $0x4  }
0x5a: {  	s24 =	simm.s32 @!p0 $0x0;
	s26 =	simm.s32 @!p0 $0x100;
	_ =	swait.ge @!p3 [sflag:s23], $0x4000  }
0x5b: {  	p2 =	sle.u32 @!p1 s6, $0x0;
	p4 =	por p1, p1;
	[sflag:s23] =	ssyncset.done @!p3 $0x0  }
0x5c: {  	s0 =	simm.s32 @!p4 $0x0;
	p1 =	por p2, p2;
	[sflag:s23] =	ssyncadd.s32 @!p3 $0xFFFFC000  }
0x5d: {  	s23 =	sadd.s32 @!p0 s19, s5;
	p3 =	sne.s32 s6, $0x1;
	s0 =	simm.s32 @p4 $0x1  }
0x5e: {  	[tilespmem:s26], [sflag:$0x5] =	stream.linear.gather @!p0 [hbm4b:s23+s24], $0x100, $0x38;
	[tilespmem:$0x1E200] =	vst v63  }
0x5f: {  	s23 =	simm.s32 @!p0 $0x80;
	s24 =	simm.s32 @!p0 $0x4200;
	_ =	swait.ge @!p0 [sflag:s28], $0x100  }
0x60: {  	[smem:$0x7FC] =	sst s0;
	[sflag:s28] =	ssyncset.done @!p0 $0x0;
	s0 =	simm.s32 @!p1 $0x0  }
.Ltmp2:
0x61: {  	[sflag:s28] =	ssyncadd.s32 @!p0 $0xFFFFFF00;
	s0 =	simm.s32 @p1 $0x1;
	(pc) =	sbr.rel @!p3 .LBB2_6-.Ltmp2, $4  }
0x62: {  	[tilespmem:s24], [sflag:$0x2] =	stream.indirect.gather @!p0 [hbm4b:s4+s23], $0x80, s26, s23, $0xb8;
	[tilespmem:$0x1E200] =	vst v63  }
0x63: {  	p4 =	por $0x1, $0x1;
	s28 =	simm.s32 @p6 $0x1;
	[smem:$0x7FD] =	sst s0  }
0x64: {  	s22 =	simm.s32 $0x2;
	p0 =	por p4, p4;
	_ =	swait.ge @p6 [sflag:s28], $0x4000  }
0x65: {  	s24 =	sadd.s32 $0x20, s19;
	p4 =	sle.u32 s6, $0x1;
	[sflag:s28] =	ssyncset.done @p6 $0x0  }
.LBB2_7:
0x66: {  	s0 =	sand.u32 $0x1, s22;
	p2 =	slt.u32 s22, $0x2  }
0x67: {  	[sflag:s28] =	ssyncadd.s32 @p6 $0xFFFFC000;
	p1 =	por p0, p0;
	s2 =	simm.s32 @!p2 $0x0  }
0x68: {  	[spmem:s1] =	stream.indirect.scatter.add.f32 @p6 [tilespmem:s29], [sflag:$0x3], $0x80, s30, s30, $0xb8;
	[tilespmem:$0x1E200] =	vst v63  }
0x69: {  	p3 =	por p5, p0;
	p0 =	sne.s32 @!p2 s0, $0x0;
	s2 =	simm.s32 @p2 $0x1  }
0x6a: {  	[smem:$0x7F9] =	sst s2;
	s2 =	simm.s32 @!p0 $0x0  }
0x6b: {  	s31 =	smov.u32 s22;
	s26 =	smov.u32 s22;
	s2 =	simm.s32 @p0 $0x1  }
0x6c: {  	p5 =	sne.s32 @!p4 s25, $0x0;
	s29 =	simm.s32 @!p3 $0x3;
	[smem:$0x7FA] =	sst s2  }
0x6d: {  	s28 =	sadd.s32 $0xFFFFFFFF, s26;
	p5 =	por p5, p4;
	_ =	swait.ge @!p3 [sflag:s29], $0x4000  }
0x6e: {  	p6 =	sne.s32 s0, $0x0;
	s30 =	sand.u32 @!p5 $0x1FFFFFC0, s24;
	[sflag:s29] =	ssyncset.done @!p3 $0x0  }
0x6f: {  	p2 =	sne.s32 s31, s6;
	[sflag:s29] =	ssyncadd.s32 @!p3 $0xFFFFC000;
	s29 =	sadd.s32 @!p5 s5, s30  }
0x70: {  	s30 =	simm.s32 @!p5 $0x0;
	p3 =	sge.u32 @!p6 s28, s6;
	s28 =	simm.s32 @!p2 $0x0  }
0x71: {  	[tilespmem:s30], [sflag:$0x5] =	stream.linear.gather @!p5 [hbm4b:s29+s30], $0x100, $0x38;
	[tilespmem:$0x1E200] =	vst v63  }
0x72: {  	s28 =	simm.s32 @p2 $0x1  }
0x73: {  	s2 =	simm.s32 @!p5 $0x5;
	[smem:$0x7FB] =	sst s28  }
0x74: {  	_ =	swait.ge @!p5 [sflag:s2], $0x100  }
0x75: {  	s29 =	sld [smem:$0x7FC];
	_ =	sdelay $0x2  }
0x76: {  	[sflag:s2] =	ssyncset.done @!p5 $0x0;
	p0 =	seq.s32 s29, $0x1;
	s29 =	sld [smem:$0x7FD]  }
0x77: {  	s28 =	simm.s32 @!p5 $0x200;
	[sflag:s2] =	ssyncadd.s32 @!p5 $0xFFFFFF00;
	s2 =	simm.s32 @!p5 $0x80  }
0x78: {  	[tilespmem:s28], [sflag:$0x1] =	stream.indirect.gather @!p5 [hbm4b:s4+s2], $0x80, s30, s2, $0xb8;
	[tilespmem:$0x1E200] =	vst v63  }
0x79: {  	p2 =	por p4, p4;
	p5 =	por p6, p6;
	p4 =	seq.s32 s29, $0x1  }
0x7a: {  	s28 =	simm.s32 @!p5 $0x0;
	p4 =	por p4, p0  }
0x7b: {  	p6 =	seq.s32 s25, $0x1;
	s28 =	simm.s32 @p5 $0x1;
	s29 =	simm.s32 @!p4 $0x2  }
0x7c: {  	p5 =	por !p6, p1;
	p1 =	por !p6, !p6;
	_ =	swait.ge @!p4 [sflag:s29], $0x4000  }
0x7d: {  	s2 =	simm.s32 @!p4 $0x180;
	s25 =	simm.s32 @!p4 $0x80;
	[sflag:s29] =	ssyncset.done @!p4 $0x0  }
0x7e: {  	[smem:$0x7FC] =	sst s28;
	s28 =	simm.s32 @!p4 $0x4200;
	[sflag:s29] =	ssyncadd.s32 @!p4 $0xFFFFC000  }
0x7f: {  	[spmem:s1] =	stream.indirect.scatter.add.f32 @!p4 [tilespmem:s28], [sflag:$0x4], $0x80, s2, s25, $0xb8;
	[tilespmem:$0x1E200] =	vst v63  }
0x80: {  	p1 =	por p2, p1;
	s2 =	simm.s32 @!p5 $0x4  }
0x81: {  	p2 =	por p3, p3;
	s29 =	simm.s32 @!p1 $0x100;
	_ =	swait.ge @!p5 [sflag:s2], $0x4000  }
0x82: {  	s25 =	smov.u32 s0;
	s31 =	sld [smem:$0x7F9];
	[sflag:s2] =	ssyncset.done @!p5 $0x0  }
0x83: {  	s0 =	simm.s32 @!p1 $0x0;
	[sflag:s2] =	ssyncadd.s32 @!p5 $0xFFFFC000;
	s2 =	sadd.s32 @!p1 s24, s5  }
0x84: {  	[tilespmem:s29], [sflag:$0x5] =	stream.linear.gather @!p1 [hbm4b:s2+s0], $0x100, $0x38;
	[tilespmem:$0x1E200] =	vst v63  }
0x85: {  	s28 =	simm.s32 @!p1 $0x5;
	s0 =	simm.s32 @!p2 $0x0;
	p4 =	seq.s32 s31, $0x1  }
0x86: {  	s31 =	sld [smem:$0x7FA];
	_ =	swait.ge @!p1 [sflag:s28], $0x100;
	s0 =	simm.s32 @p2 $0x1  }
0x87: {  	s2 =	simm.s32 @!p1 $0x4200;
	[smem:$0x7FD] =	sst s0;
	[sflag:s28] =	ssyncset.done @!p1 $0x0  }
0x88: {  	s0 =	simm.s32 @!p1 $0x80;
	[sflag:s28] =	ssyncadd.s32 @!p1 $0xFFFFFF00;
	s28 =	simm.s32 @p6 $0x1  }
0x89: {  	[tilespmem:s2], [sflag:$0x2] =	stream.indirect.gather @!p1 [hbm4b:s4+s0], $0x80, s29, s0, $0xb8;
	[tilespmem:$0x1E200] =	vst v63  }
0x8a: {  	_ =	swait.ge @p6 [sflag:s28], $0x4000  }
0x8b: {  	p5 =	seq.s32 s31, $0x1;
	s31 =	sld [smem:$0x7FB];
	_ =	sdelay $0x2  }
0x8c: {  	p2 =	seq.s32 s31, $0x1  }
.Ltmp3:
0x8d: {  	_ = 	snop;
	(pc) =	sbr.rel @p2 .LBB2_7-.Ltmp3, $4  }
0x8e: {  	_ = 	snop  }
0x8f: {  	s23 =	smov.u32 s22;
	s22 =	sadd.s32 $0x1, s22  }
0x90: {  	s30 =	simm.s32 @p6 $0x80;
	s24 =	sadd.s32 $0x20, s24;
	p0 =	por p4, p4  }
0x91: {  	p4 =	sge.u32 s26, s6;
	s29 =	simm.s32 @p6 $0x200;
	[sflag:s28] =	ssyncset.done @p6 $0x0  }
0x92: {  	s0 =	sld [smem:$0x7FC]  }
0x93: {  	s31 =	sld [smem:$0x7FD];
	_ =	sdelay $0x1  }
0x94: {  	p3 =	por p5, p5;
	s26 =	smov.u32 s25  }
0x95: {  	p2 =	por $0x1, $0x1;
	p5 =	seq.s32 s0, $0x1;
	p1 =	seq.s32 s31, $0x1  }
.LBB2_9:
0x96: {  	p2 =	por !p6, !p2  }
0x97: {  	p3 =	por p3, p0;
	[sflag:s28] =	ssyncadd.s32 @!p2 $0xFFFFC000  }
0x98: {  	[spmem:s1] =	stream.indirect.scatter.add.f32 @!p2 [tilespmem:s29], [sflag:$0x3], $0x80, s30, s30, $0xb8;
	[tilespmem:$0x1E200] =	vst v63  }
0x99: {  	s0 =	simm.s32 @!p3 $0x3;
	p2 =	sne.s32 @!p4 s26, $0x0  }
0x9a: {  	_ =	swait.ge @!p3 [sflag:s0], $0x4000;
	p2 =	por p2, p4  }
0x9b: {  	[sflag:s0] =	ssyncset.done @!p3 $0x0;
	s2 =	sand.u32 @!p2 $0x1FFFFFC0, s24;
	s25 =	simm.s32 @!p2 $0x5  }
0x9c: {  	[sflag:s0] =	ssyncadd.s32 @!p3 $0xFFFFC000;
	s0 =	sadd.s32 @!p2 s5, s2;
	s2 =	simm.s32 @!p2 $0x0  }
0x9d: {  	[tilespmem:s2], [sflag:$0x5] =	stream.linear.gather @!p2 [hbm4b:s0+s2], $0x100, $0x38;
	[tilespmem:$0x1E200] =	vst v63  }
0x9e: {  	_ =	swait.ge @!p2 [sflag:s25], $0x100  }
0x9f: {  	p3 =	por p1, p5;
	s0 =	simm.s32 @!p2 $0x200;
	[sflag:s25] =	ssyncset.done @!p2 $0x0  }
0xa0: {  	s28 =	simm.s32 @!p3 $0x2;
	[sflag:s25] =	ssyncadd.s32 @!p2 $0xFFFFFF00;
	s25 =	simm.s32 @!p2 $0x80  }
0xa1: {  	[tilespmem:s0], [sflag:$0x1] =	stream.indirect.gather @!p2 [hbm4b:s4+s25], $0x80, s2, s25, $0xb8;
	[tilespmem:$0x1E200] =	vst v63  }
0xa2: {  	s0 =	simm.s32 @!p3 $0x180;
	_ =	swait.ge @!p3 [sflag:s28], $0x4000  }
0xa3: {  	s2 =	simm.s32 @!p3 $0x4200;
	p2 =	seq.s32 s26, $0x1;
	[sflag:s28] =	ssyncset.done @!p3 $0x0  }
0xa4: {  	s25 =	simm.s32 @!p3 $0x80;
	p0 =	por !p2, p0;
	[sflag:s28] =	ssyncadd.s32 @!p3 $0xFFFFC000  }
0xa5: {  	[spmem:s1] =	stream.indirect.scatter.add.f32 @!p3 [tilespmem:s2], [sflag:$0x4], $0x80, s0, s25, $0xb8;
	[tilespmem:$0x1E200] =	vst v63  }
0xa6: {  	p6 =	por !p2, !p2;
	s0 =	simm.s32 @!p0 $0x4  }
0xa7: {  	p1 =	por p4, p6;
	_ =	swait.ge @!p0 [sflag:s0], $0x4000  }
0xa8: {  	s26 =	simm.s32 @!p1 $0x5;
	s2 =	simm.s32 @!p1 $0x0;
	[sflag:s0] =	ssyncset.done @!p0 $0x0  }
0xa9: {  	s25 =	simm.s32 @!p1 $0x100;
	[sflag:s0] =	ssyncadd.s32 @!p0 $0xFFFFC000;
	s0 =	sadd.s32 @!p1 s24, s5  }
0xaa: {  	[tilespmem:s25], [sflag:$0x5] =	stream.linear.gather @!p1 [hbm4b:s0+s2], $0x100, $0x38;
	[tilespmem:$0x1E200] =	vst v63  }
0xab: {  	_ =	swait.ge @!p1 [sflag:s26], $0x100  }
0xac: {  	s0 =	simm.s32 @!p1 $0x80;
	[sflag:s26] =	ssyncset.done @!p1 $0x0  }
0xad: {  	s2 =	simm.s32 @!p1 $0x4200;
	[sflag:s26] =	ssyncadd.s32 @!p1 $0xFFFFFF00;
	s26 =	simm.s32 @p2 $0x1  }
0xae: {  	[tilespmem:s2], [sflag:$0x2] =	stream.indirect.gather @!p1 [hbm4b:s4+s0], $0x80, s25, s0, $0xb8;
	[tilespmem:$0x1E200] =	vst v63  }
0xaf: {  	_ =	swait.ge @p2 [sflag:s26], $0x4000  }
0xb0: {  	[sflag:s26] =	ssyncset.done @p2 $0x0  }
0xb1: {  	s0 =	simm.s32 @p2 $0x200;
	s2 =	simm.s32 @p2 $0x80;
	[sflag:s26] =	ssyncadd.s32 @p2 $0xFFFFC000  }
0xb2: {  	[spmem:s1] =	stream.indirect.scatter.add.f32 @p2 [tilespmem:s0], [sflag:$0x3], $0x80, s2, s2, $0xb8;
	[tilespmem:$0x1E200] =	vst v63  }
0xb3: {  	p0 =	sge.u32 @p2 s22, s6;
	s0 =	simm.s32 @p2 $0x3  }
0xb4: {  	p0 =	por p0, !p2;
	s2 =	sadd.s32 $0x20, s24;
	_ =	swait.ge @p2 [sflag:s0], $0x4000  }
0xb5: {  	s24 =	sand.u32 @!p0 $0x1FFFFFC0, s2;
	[sflag:s0] =	ssyncset.done @p2 $0x0  }
0xb6: {  	[sflag:s0] =	ssyncadd.s32 @p2 $0xFFFFC000;
	s0 =	sadd.s32 @!p0 s5, s24;
	s24 =	simm.s32 @!p0 $0x0  }
0xb7: {  	[tilespmem:s24], [sflag:$0x5] =	stream.linear.gather @!p0 [hbm4b:s0+s24], $0x100, $0x38;
	[tilespmem:$0x1E200] =	vst v63  }
0xb8: {  	s0 =	simm.s32 @!p0 $0x5  }
0xb9: {  	_ =	swait.ge @!p0 [sflag:s0], $0x100  }
0xba: {  	[sflag:s0] =	ssyncset.done @!p0 $0x0  }
0xbb: {  	s25 =	simm.s32 @!p0 $0x200;
	[sflag:s0] =	ssyncadd.s32 @!p0 $0xFFFFFF00;
	s0 =	simm.s32 @!p0 $0x80  }
0xbc: {  	[tilespmem:s25], [sflag:$0x1] =	stream.indirect.gather @!p0 [hbm4b:s4+s0], $0x80, s24, s0, $0xb8;
	[tilespmem:$0x1E200] =	vst v63  }
0xbd: {  	p0 =	sge.u32 @p2 s23, s6  }
0xbe: {  	p0 =	por p0, !p2  }
0xbf: {  	s0 =	simm.s32 @!p0 $0x2  }
0xc0: {  	_ =	swait.ge @!p0 [sflag:s0], $0x4000  }
0xc1: {  	s29 =	sand.u32 $0x1, s22;
	s24 =	simm.s32 @!p0 $0x180;
	[sflag:s0] =	ssyncset.done @!p0 $0x0  }
0xc2: {  	s25 =	simm.s32 @!p0 $0x4200;
	[sflag:s0] =	ssyncadd.s32 @!p0 $0xFFFFC000;
	s0 =	simm.s32 @!p0 $0x80  }
0xc3: {  	[spmem:s1] =	stream.indirect.scatter.add.f32 @!p0 [tilespmem:s25], [sflag:$0x4], $0x80, s24, s0, $0xb8;
	[tilespmem:$0x1E200] =	vst v63  }
0xc4: {  	p3 =	slt.u32 @!p2 s22, s6;
	p1 =	slt.u32 @p2 s22, s6;
	p0 =	seq.s32 s29, $0x0  }
0xc5: {  	p1 =	por @!p2 p3, p3;
	s0 =	simm.s32 @!p0 $0x4  }
0xc6: {  	p1 =	por !p1, p0;
	_ =	swait.ge @!p0 [sflag:s0], $0x4000  }
0xc7: {  	s22 =	simm.s32 @!p1 $0x100;
	[sflag:s0] =	ssyncset.done @!p0 $0x0  }
0xc8: {  	[sflag:s0] =	ssyncadd.s32 @!p0 $0xFFFFC000;
	s0 =	sadd.s32 @!p1 s2, s5;
	s2 =	simm.s32 @!p1 $0x0  }
0xc9: {  	[tilespmem:s22], [sflag:$0x5] =	stream.linear.gather @!p1 [hbm4b:s0+s2], $0x100, $0x38;
	[tilespmem:$0x1E200] =	vst v63  }
0xca: {  	s0 =	simm.s32 @!p1 $0x5  }
0xcb: {  	_ =	swait.ge @!p1 [sflag:s0], $0x100  }
0xcc: {  	[sflag:s0] =	ssyncset.done @!p1 $0x0  }
0xcd: {  	s2 =	simm.s32 @!p1 $0x4200;
	[sflag:s0] =	ssyncadd.s32 @!p1 $0xFFFFFF00;
	s0 =	simm.s32 @!p1 $0x80  }
0xce: {  	[tilespmem:s2], [sflag:$0x2] =	stream.indirect.gather @!p1 [hbm4b:s4+s0], $0x80, s22, s0, $0xb8;
	[tilespmem:$0x1E200] =	vst v63  }
0xcf: {  	p1 =	sge.u32 @!p0 s23, s6  }
0xd0: {  	p0 =	por p1, p0  }
0xd1: {  	s0 =	simm.s32 @!p0 $0x1  }
0xd2: {  	_ =	swait.ge @!p0 [sflag:s0], $0x4000  }
0xd3: {  	s30 =	stileid.u32;
	[sflag:s0] =	ssyncset.done @!p0 $0x0  }
0xd4: {  	s2 =	simm.s32 @!p0 $0x200;
	[sflag:s0] =	ssyncadd.s32 @!p0 $0xFFFFC000;
	s0 =	simm.s32 @!p0 $0x80  }
0xd5: {  	[spmem:s1] =	stream.indirect.scatter.add.f32 @!p0 [tilespmem:s2], [sflag:$0x3], $0x80, s0, s0, $0xb8;
	[tilespmem:$0x1E200] =	vst v63  }
0xd6: {  	s31 =	sshrl.u32 s7, $0x3;
	s3 =	sadd.s32 $0x1, s3;
	s0 =	sshll.u32 s30, $0x6  }
0xd7: {  	p0 =	sne.s32 s3, s9;
	[bflag:$0x0] =	sbarrier.arrive $0xFFFF;
	s0 =	sor.u32 $0x1C05, s0  }
0xd8: {  	[hbm:s8], [sflag:s0] =	dma.local [spmem:s31], $0x2800  }
.Ltmp4:
0xd9: {  	_ = 	snop;
	(pc) =	sbr.rel @p0 .LBB2_1-.Ltmp4, $4  }
.Ltmp5:
0xda: {  	_ = 	snop;
	(pc) =	sbr.rel @!p0 .LBB2_10-.Ltmp5, $4  }
0xdb: {  	_ =	swait.ge [sflag:s21], $0x2800  }
0xdc: {  	[sflag:s21] =	ssyncset.done $0x0  }
0xdd: {  	[sflag:s21] =	ssyncadd.s32 $0xFFFFD800  }
0xde: {  	_ = 	snop  }
.LBB2_4:
.Ltmp6:
0xdf: {  	(pc) =	sbr.rel .LBB2_9-.Ltmp6, $2  }
0xe0: {  	_ =	sdelay $0x2  }
0xe1: {  	p3 =	por p6, p6;
	s24 =	smov.u32 s19  }
.LBB2_6:
.Ltmp7:
0xe2: {  	s0 =	sld [smem:$0x7FC];
	(pc) =	sbr.rel .LBB2_9-.Ltmp7, $3  }
0xe3: {  	s31 =	sld [smem:$0x7FD];
	_ =	sdelay $0x1  }
0xe4: {  	p3 =	por p5, p5;
	s23 =	simm.s32 $0x1;
	s26 =	smov.u32 s25  }
0xe5: {  	p2 =	por $0x1, $0x1;
	p5 =	seq.s32 s0, $0x1;
	p1 =	seq.s32 s31, $0x1  }
.LBB2_10:
0xe6: {  	_ =	sfence.sel $0x180000  }
0xe7: {  	[bflag:$0x0] =	sbarrier.arrive $0xFFFF  }
0xe8: {  	_ =	strace $0x90000047  }
0xe9: {  	s0 =	stileid.u32;
	[bflag:$0x2] =	sbarrier.arrive $0xFFFF  }
0xea: {  	p0 =	sne.s32 s0, $0x0;
	s0 =	rddreg [dreg:$0x2]  }
0xeb: {  	s0 =	sadd.s32 @!p0 $0x100000, s0  }
0xec: {  	[sflag:s0] =	ssyncadd.tile.s32 @!p0 $0x1;
	_ =	shalt  }
.Lfunc_end2:
_tile_overlayer_lowered:
.L_overlay_start_2:
0xed: {  	(tag) =	ssettag $0x2  }
0xee: {  	s0 =	rddreg [dreg:$0x0];
	s2 =	stileid.u32  }
0xef: {  	s1 =	rddreg [dreg:$0x1];
	p0 =	sne.s32 s2, $0x0  }
0xf0: {  	s3 =	rddreg [dreg:$0x2];
	[bflag:$0x3] =	sbarrier.arrive $0xFFFF;
	s2 =	simm.s32 @!p0 $0x1C05  }
0xf1: {  	[timem:s3], [sflag:s2] =	dma.local @!p0 [hbm:s0], s1  }
0xf2: {  	s0 =	simm.s32 @!p0 $0x5  }
0xf3: {  	_ =	swait.ge @!p0 [sflag:s0], s1  }
0xf4: {  	s1 =	ssub.s32 @!p0 $0x0, s1;
	[sflag:s0] =	ssyncset.done @!p0 $0x0  }
0xf5: {  	[sflag:s0] =	ssyncadd.s32 @!p0 s1  }
0xf6: {  	[bflag:$0x3] =	sbarrier.arrive $0xFFFF  }
0xf7: {  	_ =	shalt  }

</sc_bundles>
